<compile_context>
chip_gen: v7x
topology: tpu7x:2x2x1
jax: 0.10.2.dev20260603
libtpu: 0.0.44.dev20260713+nightly
codegen_flags: <defaults>
</compile_context>

<pallas_src>
import functools

import jax
import jax.numpy as jnp
from jax import lax
from jax.experimental import pallas as pl
from jax.experimental.pallas import tpu as pltpu
from jax.experimental.pallas import tpu_sc as plsc

NC = 2
NS = 16
NW = NC * NS
MUL = 0x01010101


def _wid():
    return lax.axis_index("s") * NC + lax.axis_index("c")


def _mesh():
    return plsc.VectorSubcoreMesh(
        core_axis_name="c", subcore_axis_name="s", num_cores=NC, num_subcores=NS
    )


@functools.lru_cache(maxsize=None)
def _make_count(n, sbw, interpret=False):
    cw = n // 4 // NW
    nsb = cw // sbw
    assert nsb % 2 == 0

    @functools.partial(
        pl.kernel,
        out_type=jax.ShapeDtypeStruct((NW, 16), jnp.int32),
        mesh=_mesh(),
        compiler_params=pltpu.CompilerParams(needs_layout_passes=False),
        scratch_types=[
            pltpu.VMEM((sbw,), jnp.int32),
            pltpu.VMEM((sbw,), jnp.int32),
            pltpu.VMEM((16,), jnp.int32),
            pltpu.SemaphoreType.DMA,
            pltpu.SemaphoreType.DMA,
        ],
        interpret=interpret,
    )
    def count_k(m_hbm, out_hbm, mbuf0, mbuf1, cvec, sem0, sem1):
        w = _wid()
        base = w * cw

        def half(g, mb, sem_this, mb_o, sem_other, acc):
            @pl.when(g + 1 < nsb)
            def _():
                off = pl.multiple_of(base + (g + 1) * sbw, sbw)
                pltpu.async_copy(m_hbm.at[pl.ds(off, sbw)], mb_o, sem_other)

            pltpu.make_async_copy(m_hbm.at[pl.ds(0, sbw)], mb, sem_this).wait()

            @pl.loop(0, sbw // 16, init_carry=acc, unroll=8)
            def inner(i, a):
                wv = mb[pl.ds(i * 16, 16)]
                return a + lax.shift_right_logical(wv * MUL, 24)

            return inner

        pltpu.async_copy(m_hbm.at[pl.ds(pl.multiple_of(base, sbw), sbw)],
                         mbuf0, sem0)

        def outer(t, acc):
            acc = half(2 * t, mbuf0, sem0, mbuf1, sem1, acc)
            acc = half(2 * t + 1, mbuf1, sem1, mbuf0, sem0, acc)
            return acc

        acc = lax.fori_loop(0, nsb // 2, outer, jnp.zeros((16,), jnp.int32))
        cvec[...] = jnp.broadcast_to(jnp.sum(acc), (16,))
        pltpu.sync_copy(cvec, out_hbm.at[w])

    return count_k


@functools.lru_cache(maxsize=None)
def _make_scatter(n, sb, interpret=False):
    c = n // NW
    nsb = c // sb
    assert nsb % 2 == 0
    sbw = sb // 4
    rbuf = 3 * sb
    maxr = 64
    npad = 64

    @functools.partial(
        pl.kernel,
        out_type=jax.ShapeDtypeStruct((n + npad,), jnp.float32),
        mesh=_mesh(),
        compiler_params=pltpu.CompilerParams(needs_layout_passes=False),
        scratch_types=[
            pltpu.VMEM((sb,), jnp.float32),
            pltpu.VMEM((sb,), jnp.float32),
            pltpu.VMEM((sbw,), jnp.int32),
            pltpu.VMEM((sbw,), jnp.int32),
            pltpu.VMEM((rbuf,), jnp.float32),
            pltpu.VMEM((sb,), jnp.float32),
            pltpu.VMEM((maxr, 16), jnp.float32),
            pltpu.VMEM((64,), jnp.int32),
            pltpu.VMEM((16,), jnp.float32),
            pltpu.VMEM((16,), jnp.int32),
            pltpu.VMEM((16,), jnp.int32),
            pltpu.SemaphoreType.DMA,
            pltpu.SemaphoreType.DMA,
            pltpu.SemaphoreType.DMA,
            pltpu.SemaphoreType.DMA,
        ],
        interpret=interpret,
    )
    def scat_k(x_hbm, m_hbm, b_hbm, out_hbm,
               vbuf0, vbuf1, mbuf0, mbuf1, cbuf, zbuf, tbuf, bvm, dbuf,
               xbufa, xbufb, sema, semb, semf, semz):
        w = _wid()
        lane = lax.iota(jnp.int32, 16)
        lane_d4 = lax.shift_right_logical(lane, 2)
        shv = (lane & 3) * 8
        gidx0 = [lane_d4 + 4 * g for g in range(4)]
        pltpu.sync_copy(b_hbm, bvm)
        base_w = bvm[pl.ds(w, 16)][0]
        hi = bvm[pl.ds(NW, 16)]
        tot = hi[0]
        scf = lax.convert_element_type(hi[1], jnp.float32)

        s0 = base_w & 15
        outb0 = base_w - s0
        zf = jnp.where(w == NW - 1, (16 - (tot & 15)) & 15, 0)

        @pl.loop(0, sb // 16)
        def _(i):
            zbuf[pl.ds(i * 16, 16)] = jnp.broadcast_to(scf, (16,))

        nr_all = n >> 4
        r0 = (tot + 15) >> 4
        trows = nr_all - r0
        per = (trows + NW - 1) // NW
        rw = ((per + 255) // 256) * 256
        zlo = r0 + w * rw
        zhi = jnp.minimum(zlo + rw, nr_all)
        crow = jnp.maximum(zhi - zlo, 0)
        nb = crow >> 8
        zoff0 = zlo << 4

        @pl.loop(0, nb)
        def _(b):
            pltpu.async_copy(
                zbuf, out_hbm.at[pl.ds(pl.multiple_of(zoff0 + b * sb, 16),
                                       sb)], semz)

        rr = crow & 255
        nb2 = rr >> 4
        zoff1 = zoff0 + nb * sb

        @pl.loop(0, nb2)
        def _(i):
            pltpu.async_copy(
                zbuf.at[pl.ds(0, 256)],
                out_hbm.at[pl.ds(pl.multiple_of(zoff1 + i * 256, 16), 256)],
                semz)

        rr2 = rr & 15
        zoff2 = zoff1 + nb2 * 256

        @pl.loop(0, rr2)
        def _(i):
            pltpu.async_copy(
                zbuf.at[pl.ds(0, 16)],
                out_hbm.at[pl.ds(pl.multiple_of(zoff2 + i * 16, 16), 16)],
                semz)

        inb = w * c
        inbw = w * (c // 4)

        def flush(fc):
            @pl.when(fc >= 1)
            def _():
                pltpu.make_async_copy(out_hbm.at[pl.ds(0, sb)], zbuf,
                                      semf).wait()

            rs = lax.rem(fc, 3) * sb
            ob = outb0 + fc * sb

            @pl.when(fc == 0)
            def _():
                idx0 = jnp.where(lane >= s0, ob + lane, n + 16 + lane)
                tbuf[0] = cbuf[pl.ds(pl.multiple_of(rs, 16), 16)]
                pltpu.async_copy(tbuf.at[0], out_hbm.at[idx0], semf)
                pltpu.async_copy(
                    cbuf.at[pl.ds(pl.multiple_of(rs + 16, 16), sb - 16)],
                    out_hbm.at[pl.ds(pl.multiple_of(ob + 16, 16), sb - 16)],
                    semf)

            @pl.when(fc > 0)
            def _():
                pltpu.async_copy(
                    cbuf.at[pl.ds(pl.multiple_of(rs, 16), sb)],
                    out_hbm.at[pl.ds(pl.multiple_of(ob, 16), sb)],
                    semf)

        def compress(vb, mb, carry):
            def block(b, xbuf, cr):
                basem1, tot_acc = cr
                wb = b * 16
                wv = mb[pl.ds(wb, 16)]
                p = wv * MUL
                t = lax.shift_right_logical(p, 24)
                s = plsc.cumsum(t)
                xex = s - t
                xbuf[...] = wv | ((xex & 63) << 1)
                combos = [plsc.load_gather(xbuf, (gidx0[g],))
                          for g in range(4)]
                xvs = [vb[pl.ds(b * 64 + g * 16, 16)] + scf
                       for g in range(4)]
                gps = [(cb & MUL) * MUL for cb in combos]
                mks = [(lax.shift_right_logical(cb, shv) & 1) != 0
                       for cb in combos]
                pcs = [plsc.all_reduce_population_count(mk) for mk in mks]
                offs = [(lax.shift_right_logical(gp, shv) & 255)
                        + (lax.shift_right_logical(cb, 1) & 63)
                        for gp, cb in zip(gps, combos)]
                for g in range(4):
                    dest = basem1 + offs[g]
                    dest = jnp.where(dest >= rbuf, dest - rbuf, dest)
                    plsc.store_scatter(cbuf, (dest,), xvs[g], mask=mks[g])
                total = (pcs[0] + pcs[1]) + (pcs[2] + pcs[3])
                basem1 = basem1 + total
                tot_acc = tot_acc + total
                basem1 = jnp.where(basem1 >= rbuf, basem1 - rbuf, basem1)
                return (basem1, tot_acc)

            @pl.loop(0, sb // 128, init_carry=carry)
            def inner(j, cr):
                cr = block(2 * j, xbufa, cr)
                cr = block(2 * j + 1, xbufb, cr)
                return cr

            return inner

        def half(g, vb, mb, sem_this, vb_o, mb_o, sem_other, carry):
            base_vec, u, fc = carry

            @pl.when(g + 1 < nsb)
            def _():
                offe = pl.multiple_of(inb + (g + 1) * sb, sb)
                offw = pl.multiple_of(inbw + (g + 1) * sbw, sbw)
                pltpu.async_copy(x_hbm.at[pl.ds(offe, sb)], vb_o, sem_other)
                pltpu.async_copy(m_hbm.at[pl.ds(offw, sbw)], mb_o, sem_other)

            pltpu.make_async_copy(x_hbm.at[pl.ds(0, sb)], vb, sem_this).wait()
            pltpu.make_async_copy(m_hbm.at[pl.ds(0, sbw)], mb,
                                  sem_this).wait()

            base_vec, tot_acc = compress(
                vb, mb, (base_vec, jnp.zeros((16,), jnp.int32)))
            u = u + tot_acc[0]
            do = u >= sb

            @pl.when(do)
            def _():
                flush(fc)

            u = jnp.where(do, u - sb, u)
            fc = jnp.where(do, fc + 1, fc)
            return (base_vec, u, fc)

        offe0 = pl.multiple_of(inb, sb)
        offw0 = pl.multiple_of(inbw, sbw)
        pltpu.async_copy(x_hbm.at[pl.ds(offe0, sb)], vbuf0, sema)
        pltpu.async_copy(m_hbm.at[pl.ds(offw0, sbw)], mbuf0, sema)

        def outer(t, carry):
            carry = half(2 * t, vbuf0, mbuf0, sema, vbuf1, mbuf1, semb, carry)
            carry = half(2 * t + 1, vbuf1, mbuf1, semb, vbuf0, mbuf0, sema,
                         carry)
            return carry

        base_init = jnp.broadcast_to(s0 - 1, (16,)).astype(jnp.int32)
        _, u, fc = lax.fori_loop(
            0, nsb // 2, outer, (base_init, s0, jnp.int32(0)))

        @pl.when(fc >= 1)
        def _():
            pltpu.make_async_copy(out_hbm.at[pl.ds(0, sb)], zbuf, semf).wait()

        startab = fc * sb
        endab = startab + u
        zend = endab + zf
        nrt = (u + zf + 15) >> 4

        @pl.loop(0, nrt)
        def _(r):
            slot = r & (maxr - 1)
            ab0 = startab + r * 16
            pr = lax.rem(ab0, rbuf)
            v = cbuf[pl.ds(pl.multiple_of(pr, 16), 16)]
            ab = ab0 + lane
            vals = jnp.where(ab < endab, v, jnp.broadcast_to(scf, (16,)))
            valid = (ab >= s0) & (ab < zend)
            idx = jnp.where(valid, outb0 + ab, n + 16 + lane)
            tbuf[slot] = vals
            pltpu.async_copy(tbuf.at[slot], out_hbm.at[idx], sema)

            @pl.when((slot == maxr - 1) | (r == nrt - 1))
            def _():
                @pl.loop(0, slot + 1)
                def _(j):
                    pltpu.make_async_copy(out_hbm.at[pl.ds(0, 16)], dbuf,
                                          sema).wait()

        @pl.loop(0, nb)
        def _(b):
            pltpu.make_async_copy(out_hbm.at[pl.ds(0, sb)], zbuf, semz).wait()

        @pl.loop(0, nb2)
        def _(i):
            pltpu.make_async_copy(out_hbm.at[pl.ds(0, 256)],
                                  zbuf.at[pl.ds(0, 256)], semz).wait()

        @pl.loop(0, rr2)
        def _(i):
            pltpu.make_async_copy(out_hbm.at[pl.ds(0, 16)], dbuf, semz).wait()

    return scat_k


def _compact(flat, mw, sizes_i32, n, sb, interpret=False):
    counts2d = _make_count(n, 4096, interpret)(mw)
    counts = counts2d[:, 0]
    bases = jnp.concatenate(
        [jnp.zeros((1,), jnp.int32), jnp.cumsum(counts, dtype=jnp.int32)])
    extra = sizes_i32 - jnp.int32(n)
    bvec = jnp.concatenate(
        [bases, jnp.reshape(extra, (1,)), jnp.zeros((30,), jnp.int32)])
    outp = _make_scatter(n, sb, interpret)(flat, mw, bvec)
    return outp[:n]


def kernel(grad_output, mask, sizes):
    n = grad_output.size
    flat = grad_output.reshape(-1)
    m8 = mask.reshape(n // 4, 4).astype(jnp.uint8)
    mw = lax.bitcast_convert_type(m8, jnp.int32)
    sizes_i32 = jnp.asarray(sizes, jnp.int32)
    return _compact(flat, mw, sizes_i32, n, 4096)

# --- scband reference (transcript-rebuilt; emitter-appended) ---
"""Pipeline reference for scband-torch-ops-aten-masked-scatter-backward-module-53987738911086 (READ-ONLY COPY).

The authoritative reference and input builder live on the scoring server;
editing this copy changes nothing except your own understanding.
"""

import jax, jax.numpy as jnp
import numpy as np

SHAPE = (2, 4096, 1024)

def setup_inputs(seed: int = 0) -> dict:
    key = jax.random.key(seed)
    k1, k2 = jax.random.split(key)
    grad_output = jax.random.normal(k1, SHAPE, dtype=jnp.float32)
    mask = jax.random.randint(k2, SHAPE, 0, 2).astype(jnp.bool_)
    sizes = 8388608
    return {"grad_output": grad_output, "mask": mask, "sizes": sizes}

def reference(grad_output, mask, sizes):
    # Faithful to aten::masked_scatter_backward(grad, mask, sizes):
    #   mask_selected = grad.masked_select(mask)
    #   pad with zeros up to prod(sizes), then view(sizes)
    flat = grad_output.reshape(-1)
    mask_flat = mask.reshape(-1)
    numel = flat.shape[0]
    pos = jnp.cumsum(mask_flat) - 1
    dest = jnp.where(mask_flat, pos, numel)
    selected = jnp.zeros((numel,), dtype=flat.dtype).at[dest].set(flat, mode="drop")
    selected = selected + (jnp.asarray(sizes) - numel).astype(flat.dtype)
    return selected.reshape((numel,))

if __name__ == "__main__":
    import jax
    _d = setup_inputs()
    print(jax.jit(kernel)(*tuple(_d.values())))

</pallas_src>

<mosaic_0001>
#map = affine_map<(d0, d1) -> (0)>
module attributes {stable_mosaic.version = 14 : i64} {
  func.func @scat_k(%arg0: i32, %arg1: i32, %arg2: memref<8388608xf32, #tpu.memory_space<hbm>>, %arg3: memref<2097152xi32, #tpu.memory_space<hbm>>, %arg4: memref<64xi32, #tpu.memory_space<hbm>>, %arg5: memref<8388672xf32, #tpu.memory_space<hbm>>, %arg6: memref<4096xf32, #tpu.memory_space<vmem>>, %arg7: memref<4096xf32, #tpu.memory_space<vmem>>, %arg8: memref<1024xi32, #tpu.memory_space<vmem>>, %arg9: memref<1024xi32, #tpu.memory_space<vmem>>, %arg10: memref<12288xf32, #tpu.memory_space<vmem>>, %arg11: memref<4096xf32, #tpu.memory_space<vmem>>, %arg12: memref<64x16xf32, #tpu.memory_space<vmem>>, %arg13: memref<64xi32, #tpu.memory_space<vmem>>, %arg14: memref<16xf32, #tpu.memory_space<vmem>>, %arg15: memref<16xi32, #tpu.memory_space<vmem>>, %arg16: memref<16xi32, #tpu.memory_space<vmem>>, %arg17: memref<!tpu.dma_semaphore, #tpu.memory_space<semaphore_mem>>, %arg18: memref<!tpu.dma_semaphore, #tpu.memory_space<semaphore_mem>>, %arg19: memref<!tpu.dma_semaphore, #tpu.memory_space<semaphore_mem>>, %arg20: memref<!tpu.dma_semaphore, #tpu.memory_space<semaphore_mem>>) attributes {dimension_semantics = [#tpu.dimension_semantics<core_parallel>, #tpu.dimension_semantics<subcore_parallel>], iteration_bounds = array<i64: 2, 16>, scalar_prefetch = 0 : i64, scratch_operands = 15 : i64, tpu.core_type = #tpu.core_type<sc_vector_subcore>, window_params = [{transform_indices = #map}, {transform_indices = #map}, {transform_indices = #map}, {transform_indices = #map}]} {
    %mul3A = arith.constant 2 : i32
    %mul3A_0 = arith.muli %arg1, %mul3A : i32
    %add3A = arith.addi %mul3A_0, %arg0 : i32
    %iota3A = tpu.iota {dimensions = array<i32: 0>} : vector<16xi32>
    %shift_right_logical3A = arith.constant 2 : i32
    %shift_right_logical3A_1 = vector.broadcast %shift_right_logical3A : i32 to vector<16xi32>
    %shift_right_logical3A_2 = arith.shrui %iota3A, %shift_right_logical3A_1 : vector<16xi32>
    %and3A = arith.constant 3 : i32
    %and3A_3 = vector.broadcast %and3A : i32 to vector<16xi32>
    %and3A_4 = arith.andi %iota3A, %and3A_3 : vector<16xi32>
    %mul3A_5 = arith.constant 8 : i32
    %mul3A_6 = vector.broadcast %mul3A_5 : i32 to vector<16xi32>
    %mul3A_7 = arith.muli %and3A_4, %mul3A_6 : vector<16xi32>
    %add3A_8 = arith.constant 0 : i32
    %add3A_9 = vector.broadcast %add3A_8 : i32 to vector<16xi32>
    %add3A_10 = arith.addi %shift_right_logical3A_2, %add3A_9 : vector<16xi32>
    %add3A_11 = arith.constant 4 : i32
    %add3A_12 = vector.broadcast %add3A_11 : i32 to vector<16xi32>
    %add3A_13 = arith.addi %shift_right_logical3A_2, %add3A_12 : vector<16xi32>
    %add3A_14 = arith.constant 8 : i32
    %add3A_15 = vector.broadcast %add3A_14 : i32 to vector<16xi32>
    %add3A_16 = arith.addi %shift_right_logical3A_2, %add3A_15 : vector<16xi32>
    %add3A_17 = arith.constant 12 : i32
    %add3A_18 = vector.broadcast %add3A_17 : i32 to vector<16xi32>
    %add3A_19 = arith.addi %shift_right_logical3A_2, %add3A_18 : vector<16xi32>
    "tpu.region"() ({
      %run_scoped3A = tpu.sem_alloc : memref<!tpu.dma_semaphore, #tpu.memory_space<semaphore_mem>>
      tpu.enqueue_dma source(%arg4 : memref<64xi32, #tpu.memory_space<hbm>>) target(%arg13 : memref<64xi32, #tpu.memory_space<vmem>>) target_semaphore(%run_scoped3A : memref<!tpu.dma_semaphore, #tpu.memory_space<semaphore_mem>>)
      tpu.wait_dma2 semaphore(%run_scoped3A : memref<!tpu.dma_semaphore, #tpu.memory_space<semaphore_mem>>) src(%arg4 : memref<64xi32, #tpu.memory_space<hbm>>) dst(%arg13 : memref<64xi32, #tpu.memory_space<vmem>>)
      tpu.yield
    }) : () -> ()
    %get3A = arith.index_cast %add3A : i32 to index
    %get3A_20 = tpu.vector_load %arg13[%get3A] {strides = array<i32>} : memref<64xi32, #tpu.memory_space<vmem>>, vector<16xi32>,
    %slice3A = vector.extract_strided_slice %get3A_20 {offsets = [0], sizes = [1], strides = [1]} : vector<16xi32> to vector<1xi32>
    %squeeze3A = vector.extract %slice3A[0] : i32 from vector<1xi32>
    %get3A_21 = arith.constant 32 : index
    %get3A_22 = tpu.vector_load %arg13[%get3A_21] {strides = array<i32>} : memref<64xi32, #tpu.memory_space<vmem>>, vector<16xi32>,
    %slice3A_23 = vector.extract_strided_slice %get3A_22 {offsets = [0], sizes = [1], strides = [1]} : vector<16xi32> to vector<1xi32>
    %squeeze3A_24 = vector.extract %slice3A_23[0] : i32 from vector<1xi32>
    %slice3A_25 = vector.extract_strided_slice %get3A_22 {offsets = [1], sizes = [1], strides = [1]} : vector<16xi32> to vector<1xi32>
    %squeeze3A_26 = vector.extract %slice3A_25[0] : i32 from vector<1xi32>
    %convert_element_type3A = arith.sitofp %squeeze3A_26 : i32 to f32
    %and3A_27 = arith.constant 15 : i32
    %and3A_28 = arith.andi %squeeze3A, %and3A_27 : i32
    %sub3A = arith.subi %squeeze3A, %and3A_28 : i32
    %eq3A = arith.constant 31 : i32
    %eq3A_29 = arith.cmpi eq, %add3A, %eq3A : i32
    %and3A_30 = arith.constant 15 : i32
    %and3A_31 = arith.andi %squeeze3A_24, %and3A_30 : i32
    %sub3A_32 = arith.constant 16 : i32
    %sub3A_33 = arith.subi %sub3A_32, %and3A_31 : i32
    %and3A_34 = arith.constant 15 : i32
    %and3A_35 = arith.andi %sub3A_33, %and3A_34 : i32
    %jit3A = arith.constant 0 : i32
    %select_n3A = arith.select %eq3A_29, %and3A_35, %jit3A : i32
    %scan3A = arith.constant 0 : i32
    %scan3A_36 = arith.constant 256 : i32
    %scan3A_37 = arith.addi %scan3A, %scan3A_36 : i32
    %scan3A_38 = arith.constant 1 : i32
    scf.for %scan3A_279 = %scan3A to %scan3A_37 step %scan3A_38  : i32 {
      %mul3A_280 = arith.constant 1 : i32
      %mul3A_281 = arith.muli %scan3A_279, %mul3A_280 : i32
      %add3A_282 = arith.constant 0 : i32
      %add3A_283 = arith.addi %add3A_282, %mul3A_281 : i32
      %broadcast_in_dim3A_284 = vector.broadcast %convert_element_type3A : f32 to vector<16xf32>
      %mul3A_285 = arith.constant 16 : i32
      %mul3A_286 = arith.muli %add3A_283, %mul3A_285 : i32
      %swap3A = arith.index_cast %mul3A_286 : i32 to index
      %swap3A_287 = tpu.vector_load %arg11[%swap3A] {strides = array<i32>} : memref<4096xf32, #tpu.memory_space<vmem>>, vector<16xf32>,
      tpu.vector_store %arg11[%swap3A], %broadcast_in_dim3A_284 {strides = array<i32>} : memref<4096xf32, #tpu.memory_space<vmem>>, vector<16xf32>,
    }
    %scan3A_39 = arith.constant 256 : i32
    %add3A_40 = arith.constant 15 : i32
    %add3A_41 = arith.addi %squeeze3A_24, %add3A_40 : i32
    %shift_right_arithmetic3A = arith.constant 4 : i32
    %shift_right_arithmetic3A_42 = arith.shrsi %add3A_41, %shift_right_arithmetic3A : i32
    %sub3A_43 = arith.constant 524288 : i32
    %sub3A_44 = arith.subi %sub3A_43, %shift_right_arithmetic3A_42 : i32
    %add3A_45 = arith.constant 32 : i32
    %add3A_46 = arith.addi %sub3A_44, %add3A_45 : i32
    %sub3A_47 = arith.constant 1 : i32
    %sub3A_48 = arith.subi %add3A_46, %sub3A_47 : i32
    %jit3A_49 = arith.constant 32 : i32
    %div3A = arith.divsi %sub3A_48, %jit3A_49 : i32
    %sign3A = arith.constant 0 : i32
    %sign3A_50 = arith.cmpi sgt, %sub3A_48, %sign3A : i32
    %sign3A_51 = arith.extui %sign3A_50 : i1 to i32
    %sign3A_52 = arith.constant 0 : i32
    %sign3A_53 = arith.cmpi slt, %sub3A_48, %sign3A_52 : i32
    %sign3A_54 = arith.extui %sign3A_53 : i1 to i32
    %sign3A_55 = arith.subi %sign3A_51, %sign3A_54 : i32
    %sign3A_56 = arith.constant 0 : i32
    %sign3A_57 = arith.cmpi sgt, %jit3A_49, %sign3A_56 : i32
    %sign3A_58 = arith.extui %sign3A_57 : i1 to i32
    %sign3A_59 = arith.constant 0 : i32
    %sign3A_60 = arith.cmpi slt, %jit3A_49, %sign3A_59 : i32
    %sign3A_61 = arith.extui %sign3A_60 : i1 to i32
    %sign3A_62 = arith.subi %sign3A_58, %sign3A_61 : i32
    %ne3A = arith.cmpi ne, %sign3A_55, %sign3A_62 : i32
    %rem3A = arith.remsi %sub3A_48, %jit3A_49 : i32
    %ne3A_63 = arith.constant 0 : i32
    %ne3A_64 = arith.cmpi ne, %rem3A, %ne3A_63 : i32
    %and3A_65 = arith.andi %ne3A, %ne3A_64 : i1
    %sub3A_66 = arith.constant 1 : i32
    %sub3A_67 = arith.subi %div3A, %sub3A_66 : i32
    %select_n3A_68 = arith.select %and3A_65, %sub3A_67, %div3A : i32
    %add3A_69 = arith.constant 255 : i32
    %add3A_70 = arith.addi %select_n3A_68, %add3A_69 : i32
    %jit3A_71 = arith.constant 256 : i32
    %div3A_72 = arith.divsi %add3A_70, %jit3A_71 : i32
    %sign3A_73 = arith.constant 0 : i32
    %sign3A_74 = arith.cmpi sgt, %add3A_70, %sign3A_73 : i32
    %sign3A_75 = arith.extui %sign3A_74 : i1 to i32
    %sign3A_76 = arith.constant 0 : i32
    %sign3A_77 = arith.cmpi slt, %add3A_70, %sign3A_76 : i32
    %sign3A_78 = arith.extui %sign3A_77 : i1 to i32
    %sign3A_79 = arith.subi %sign3A_75, %sign3A_78 : i32
    %sign3A_80 = arith.constant 0 : i32
    %sign3A_81 = arith.cmpi sgt, %jit3A_71, %sign3A_80 : i32
    %sign3A_82 = arith.extui %sign3A_81 : i1 to i32
    %sign3A_83 = arith.constant 0 : i32
    %sign3A_84 = arith.cmpi slt, %jit3A_71, %sign3A_83 : i32
    %sign3A_85 = arith.extui %sign3A_84 : i1 to i32
    %sign3A_86 = arith.subi %sign3A_82, %sign3A_85 : i32
    %ne3A_87 = arith.cmpi ne, %sign3A_79, %sign3A_86 : i32
    %rem3A_88 = arith.remsi %add3A_70, %jit3A_71 : i32
    %ne3A_89 = arith.constant 0 : i32
    %ne3A_90 = arith.cmpi ne, %rem3A_88, %ne3A_89 : i32
    %and3A_91 = arith.andi %ne3A_87, %ne3A_90 : i1
    %sub3A_92 = arith.constant 1 : i32
    %sub3A_93 = arith.subi %div3A_72, %sub3A_92 : i32
    %select_n3A_94 = arith.select %and3A_91, %sub3A_93, %div3A_72 : i32
    %mul3A_95 = arith.constant 256 : i32
    %mul3A_96 = arith.muli %select_n3A_94, %mul3A_95 : i32
    %mul3A_97 = arith.muli %add3A, %mul3A_96 : i32
    %add3A_98 = arith.addi %shift_right_arithmetic3A_42, %mul3A_97 : i32
    %add3A_99 = arith.addi %add3A_98, %mul3A_96 : i32
    %min3A = arith.constant 524288 : i32
    %min3A_100 = arith.minsi %add3A_99, %min3A : i32
    %sub3A_101 = arith.subi %min3A_100, %add3A_98 : i32
    %max3A = arith.constant 0 : i32
    %max3A_102 = arith.maxsi %sub3A_101, %max3A : i32
    %shift_right_arithmetic3A_103 = arith.constant 8 : i32
    %shift_right_arithmetic3A_104 = arith.shrsi %max3A_102, %shift_right_arithmetic3A_103 : i32
    %shift_left3A = arith.constant 4 : i32
    %shift_left3A_105 = arith.shli %add3A_98, %shift_left3A : i32
    %sub3A_106 = arith.constant 0 : i32
    %sub3A_107 = arith.subi %shift_right_arithmetic3A_104, %sub3A_106 : i32
    %sub3A_108 = arith.constant 1 : i32
    %sub3A_109 = arith.constant 1 : i32
    %sub3A_110 = arith.subi %sub3A_108, %sub3A_109 : i32
    %add3A_111 = arith.addi %sub3A_107, %sub3A_110 : i32
    %div3A_112 = arith.constant 1 : i32
    %div3A_113 = arith.divsi %add3A_111, %div3A_112 : i32
    %while3A = arith.constant 1 : i32
    %while3A_114 = arith.constant 0 : i32
    %while3A_115 = arith.constant 0 : i32
    %while3A_116 = arith.subi %div3A_113, %while3A_115 : i32
    %while3A_117 = arith.addi %while3A_115, %while3A_116 : i32
    %while3A_118 = arith.constant 1 : i32
    %while3A_119 = arith.divsi %while3A_116, %while3A_118 : i32
    %while3A_120 = arith.muli %while3A_119, %while3A_118 : i32
    %while3A_121 = arith.addi %while3A_115, %while3A_120 : i32
    %while3A_122 = arith.constant 1 : i32
    scf.for %while3A_279 = %while3A_115 to %while3A_121 step %while3A_122  : i32 {
      %mul3A_280 = arith.muli %while3A_279, %while3A : i32
      %add3A_281 = arith.addi %while3A_114, %mul3A_280 : i32
      %mul3A_282 = arith.constant 4096 : i32
      %mul3A_283 = arith.muli %add3A_281, %mul3A_282 : i32
      %add3A_284 = arith.addi %shift_left3A_105, %mul3A_283 : i32
      %multiple_of3A_285 = tpu.assume_multiple %add3A_284, 16 : i32
      %dma_start3A_286 = tpu.memref_slice %arg5[%multiple_of3A_285] : memref<8388672xf32, #tpu.memory_space<hbm>> -> memref<4096xf32, #tpu.memory_space<hbm>>
      %dma_start3A_287 = tpu.memref_slice %arg5[%multiple_of3A_285] : memref<8388672xf32, #tpu.memory_space<hbm>> -> memref<4096xf32, #tpu.memory_space<hbm>>
      tpu.enqueue_dma source(%arg11 : memref<4096xf32, #tpu.memory_space<vmem>>) target(%dma_start3A_287 : memref<4096xf32, #tpu.memory_space<hbm>>) target_semaphore(%arg20 : memref<!tpu.dma_semaphore, #tpu.memory_space<semaphore_mem>>)
    }
    %while3A_123 = arith.constant 1 : i32
    scf.for %while3A_279 = %while3A_121 to %while3A_117 step %while3A_123  : i32 {
      %mul3A_280 = arith.muli %while3A_279, %while3A : i32
      %add3A_281 = arith.addi %while3A_114, %mul3A_280 : i32
      %mul3A_282 = arith.constant 4096 : i32
      %mul3A_283 = arith.muli %add3A_281, %mul3A_282 : i32
      %add3A_284 = arith.addi %shift_left3A_105, %mul3A_283 : i32
      %multiple_of3A_285 = tpu.assume_multiple %add3A_284, 16 : i32
      %dma_start3A_286 = tpu.memref_slice %arg5[%multiple_of3A_285] : memref<8388672xf32, #tpu.memory_space<hbm>> -> memref<4096xf32, #tpu.memory_space<hbm>>
      %dma_start3A_287 = tpu.memref_slice %arg5[%multiple_of3A_285] : memref<8388672xf32, #tpu.memory_space<hbm>> -> memref<4096xf32, #tpu.memory_space<hbm>>
      tpu.enqueue_dma source(%arg11 : memref<4096xf32, #tpu.memory_space<vmem>>) target(%dma_start3A_287 : memref<4096xf32, #tpu.memory_space<hbm>>) target_semaphore(%arg20 : memref<!tpu.dma_semaphore, #tpu.memory_space<semaphore_mem>>)
    }
    %and3A_124 = arith.constant 255 : i32
    %and3A_125 = arith.andi %max3A_102, %and3A_124 : i32
    %shift_right_arithmetic3A_126 = arith.constant 4 : i32
    %shift_right_arithmetic3A_127 = arith.shrsi %and3A_125, %shift_right_arithmetic3A_126 : i32
    %mul3A_128 = arith.constant 4096 : i32
    %mul3A_129 = arith.muli %shift_right_arithmetic3A_104, %mul3A_128 : i32
    %add3A_130 = arith.addi %shift_left3A_105, %mul3A_129 : i32
    %sub3A_131 = arith.constant 0 : i32
    %sub3A_132 = arith.subi %shift_right_arithmetic3A_127, %sub3A_131 : i32
    %sub3A_133 = arith.constant 1 : i32
    %sub3A_134 = arith.constant 1 : i32
    %sub3A_135 = arith.subi %sub3A_133, %sub3A_134 : i32
    %add3A_136 = arith.addi %sub3A_132, %sub3A_135 : i32
    %div3A_137 = arith.constant 1 : i32
    %div3A_138 = arith.divsi %add3A_136, %div3A_137 : i32
    %while3A_139 = arith.constant 1 : i32
    %while3A_140 = arith.constant 0 : i32
    %while3A_141 = arith.constant 0 : i32
    %while3A_142 = arith.subi %div3A_138, %while3A_141 : i32
    %while3A_143 = arith.addi %while3A_141, %while3A_142 : i32
    %while3A_144 = arith.constant 1 : i32
    %while3A_145 = arith.divsi %while3A_142, %while3A_144 : i32
    %while3A_146 = arith.muli %while3A_145, %while3A_144 : i32
    %while3A_147 = arith.addi %while3A_141, %while3A_146 : i32
    %while3A_148 = arith.constant 1 : i32
    scf.for %while3A_279 = %while3A_141 to %while3A_147 step %while3A_148  : i32 {
      %mul3A_280 = arith.muli %while3A_279, %while3A_139 : i32
      %add3A_281 = arith.addi %while3A_140, %mul3A_280 : i32
      %mul3A_282 = arith.constant 256 : i32
      %mul3A_283 = arith.muli %add3A_281, %mul3A_282 : i32
      %add3A_284 = arith.addi %add3A_130, %mul3A_283 : i32
      %multiple_of3A_285 = tpu.assume_multiple %add3A_284, 16 : i32
      %dma_start3A_286 = arith.constant 0 : i32
      %dma_start3A_287 = tpu.memref_slice %arg11[%dma_start3A_286] : memref<4096xf32, #tpu.memory_space<vmem>> -> memref<256xf32, #tpu.memory_space<vmem>>
      %dma_start3A_288 = tpu.memref_slice %arg5[%multiple_of3A_285] : memref<8388672xf32, #tpu.memory_space<hbm>> -> memref<256xf32, #tpu.memory_space<hbm>>
      %dma_start3A_289 = tpu.memref_slice %arg5[%multiple_of3A_285] : memref<8388672xf32, #tpu.memory_space<hbm>> -> memref<256xf32, #tpu.memory_space<hbm>>
      %dma_start3A_290 = arith.constant 0 : i32
      %dma_start3A_291 = tpu.memref_slice %arg11[%dma_start3A_290] : memref<4096xf32, #tpu.memory_space<vmem>> -> memref<256xf32, #tpu.memory_space<vmem>>
      tpu.enqueue_dma source(%dma_start3A_291 : memref<256xf32, #tpu.memory_space<vmem>>) target(%dma_start3A_289 : memref<256xf32, #tpu.memory_space<hbm>>) target_semaphore(%arg20 : memref<!tpu.dma_semaphore, #tpu.memory_space<semaphore_mem>>)
    }
    %while3A_149 = arith.constant 1 : i32
    scf.for %while3A_279 = %while3A_147 to %while3A_143 step %while3A_149  : i32 {
      %mul3A_280 = arith.muli %while3A_279, %while3A_139 : i32
      %add3A_281 = arith.addi %while3A_140, %mul3A_280 : i32
      %mul3A_282 = arith.constant 256 : i32
      %mul3A_283 = arith.muli %add3A_281, %mul3A_282 : i32
      %add3A_284 = arith.addi %add3A_130, %mul3A_283 : i32
      %multiple_of3A_285 = tpu.assume_multiple %add3A_284, 16 : i32
      %dma_start3A_286 = arith.constant 0 : i32
      %dma_start3A_287 = tpu.memref_slice %arg11[%dma_start3A_286] : memref<4096xf32, #tpu.memory_space<vmem>> -> memref<256xf32, #tpu.memory_space<vmem>>
      %dma_start3A_288 = tpu.memref_slice %arg5[%multiple_of3A_285] : memref<8388672xf32, #tpu.memory_space<hbm>> -> memref<256xf32, #tpu.memory_space<hbm>>
      %dma_start3A_289 = tpu.memref_slice %arg5[%multiple_of3A_285] : memref<8388672xf32, #tpu.memory_space<hbm>> -> memref<256xf32, #tpu.memory_space<hbm>>
      %dma_start3A_290 = arith.constant 0 : i32
      %dma_start3A_291 = tpu.memref_slice %arg11[%dma_start3A_290] : memref<4096xf32, #tpu.memory_space<vmem>> -> memref<256xf32, #tpu.memory_space<vmem>>
      tpu.enqueue_dma source(%dma_start3A_291 : memref<256xf32, #tpu.memory_space<vmem>>) target(%dma_start3A_289 : memref<256xf32, #tpu.memory_space<hbm>>) target_semaphore(%arg20 : memref<!tpu.dma_semaphore, #tpu.memory_space<semaphore_mem>>)
    }
    %and3A_150 = arith.constant 15 : i32
    %and3A_151 = arith.andi %and3A_125, %and3A_150 : i32
    %mul3A_152 = arith.constant 256 : i32
    %mul3A_153 = arith.muli %shift_right_arithmetic3A_127, %mul3A_152 : i32
    %add3A_154 = arith.addi %add3A_130, %mul3A_153 : i32
    %sub3A_155 = arith.constant 0 : i32
    %sub3A_156 = arith.subi %and3A_151, %sub3A_155 : i32
    %sub3A_157 = arith.constant 1 : i32
    %sub3A_158 = arith.constant 1 : i32
    %sub3A_159 = arith.subi %sub3A_157, %sub3A_158 : i32
    %add3A_160 = arith.addi %sub3A_156, %sub3A_159 : i32
    %div3A_161 = arith.constant 1 : i32
    %div3A_162 = arith.divsi %add3A_160, %div3A_161 : i32
    %while3A_163 = arith.constant 1 : i32
    %while3A_164 = arith.constant 0 : i32
    %while3A_165 = arith.constant 0 : i32
    %while3A_166 = arith.subi %div3A_162, %while3A_165 : i32
    %while3A_167 = arith.addi %while3A_165, %while3A_166 : i32
    %while3A_168 = arith.constant 1 : i32
    %while3A_169 = arith.divsi %while3A_166, %while3A_168 : i32
    %while3A_170 = arith.muli %while3A_169, %while3A_168 : i32
    %while3A_171 = arith.addi %while3A_165, %while3A_170 : i32
    %while3A_172 = arith.constant 1 : i32
    scf.for %while3A_279 = %while3A_165 to %while3A_171 step %while3A_172  : i32 {
      %mul3A_280 = arith.muli %while3A_279, %while3A_163 : i32
      %add3A_281 = arith.addi %while3A_164, %mul3A_280 : i32
      %mul3A_282 = arith.constant 16 : i32
      %mul3A_283 = arith.muli %add3A_281, %mul3A_282 : i32
      %add3A_284 = arith.addi %add3A_154, %mul3A_283 : i32
      %multiple_of3A_285 = tpu.assume_multiple %add3A_284, 16 : i32
      %dma_start3A_286 = arith.constant 0 : i32
      %dma_start3A_287 = tpu.memref_slice %arg11[%dma_start3A_286] : memref<4096xf32, #tpu.memory_space<vmem>> -> memref<16xf32, #tpu.memory_space<vmem>>
      %dma_start3A_288 = tpu.memref_slice %arg5[%multiple_of3A_285] : memref<8388672xf32, #tpu.memory_space<hbm>> -> memref<16xf32, #tpu.memory_space<hbm>>
      %dma_start3A_289 = tpu.memref_slice %arg5[%multiple_of3A_285] : memref<8388672xf32, #tpu.memory_space<hbm>> -> memref<16xf32, #tpu.memory_space<hbm>>
      %dma_start3A_290 = arith.constant 0 : i32
      %dma_start3A_291 = tpu.memref_slice %arg11[%dma_start3A_290] : memref<4096xf32, #tpu.memory_space<vmem>> -> memref<16xf32, #tpu.memory_space<vmem>>
      tpu.enqueue_dma source(%dma_start3A_291 : memref<16xf32, #tpu.memory_space<vmem>>) target(%dma_start3A_289 : memref<16xf32, #tpu.memory_space<hbm>>) target_semaphore(%arg20 : memref<!tpu.dma_semaphore, #tpu.memory_space<semaphore_mem>>)
    }
    %while3A_173 = arith.constant 1 : i32
    scf.for %while3A_279 = %while3A_171 to %while3A_167 step %while3A_173  : i32 {
      %mul3A_280 = arith.muli %while3A_279, %while3A_163 : i32
      %add3A_281 = arith.addi %while3A_164, %mul3A_280 : i32
      %mul3A_282 = arith.constant 16 : i32
      %mul3A_283 = arith.muli %add3A_281, %mul3A_282 : i32
      %add3A_284 = arith.addi %add3A_154, %mul3A_283 : i32
      %multiple_of3A_285 = tpu.assume_multiple %add3A_284, 16 : i32
      %dma_start3A_286 = arith.constant 0 : i32
      %dma_start3A_287 = tpu.memref_slice %arg11[%dma_start3A_286] : memref<4096xf32, #tpu.memory_space<vmem>> -> memref<16xf32, #tpu.memory_space<vmem>>
      %dma_start3A_288 = tpu.memref_slice %arg5[%multiple_of3A_285] : memref<8388672xf32, #tpu.memory_space<hbm>> -> memref<16xf32, #tpu.memory_space<hbm>>
      %dma_start3A_289 = tpu.memref_slice %arg5[%multiple_of3A_285] : memref<8388672xf32, #tpu.memory_space<hbm>> -> memref<16xf32, #tpu.memory_space<hbm>>
      %dma_start3A_290 = arith.constant 0 : i32
      %dma_start3A_291 = tpu.memref_slice %arg11[%dma_start3A_290] : memref<4096xf32, #tpu.memory_space<vmem>> -> memref<16xf32, #tpu.memory_space<vmem>>
      tpu.enqueue_dma source(%dma_start3A_291 : memref<16xf32, #tpu.memory_space<vmem>>) target(%dma_start3A_289 : memref<16xf32, #tpu.memory_space<hbm>>) target_semaphore(%arg20 : memref<!tpu.dma_semaphore, #tpu.memory_space<semaphore_mem>>)
    }
    %mul3A_174 = arith.constant 262144 : i32
    %mul3A_175 = arith.muli %add3A, %mul3A_174 : i32
    %mul3A_176 = arith.constant 65536 : i32
    %mul3A_177 = arith.muli %add3A, %mul3A_176 : i32
    %multiple_of3A = tpu.assume_multiple %mul3A_175, 4096 : i32
    %multiple_of3A_178 = tpu.assume_multiple %mul3A_177, 1024 : i32
    %dma_start3A = tpu.memref_slice %arg2[%multiple_of3A] : memref<8388608xf32, #tpu.memory_space<hbm>> -> memref<4096xf32, #tpu.memory_space<hbm>>
    %dma_start3A_179 = tpu.memref_slice %arg2[%multiple_of3A] : memref<8388608xf32, #tpu.memory_space<hbm>> -> memref<4096xf32, #tpu.memory_space<hbm>>
    tpu.enqueue_dma source(%dma_start3A_179 : memref<4096xf32, #tpu.memory_space<hbm>>) target(%arg6 : memref<4096xf32, #tpu.memory_space<vmem>>) target_semaphore(%arg17 : memref<!tpu.dma_semaphore, #tpu.memory_space<semaphore_mem>>)
    %dma_start3A_180 = tpu.memref_slice %arg3[%multiple_of3A_178] : memref<2097152xi32, #tpu.memory_space<hbm>> -> memref<1024xi32, #tpu.memory_space<hbm>>
    %dma_start3A_181 = tpu.memref_slice %arg3[%multiple_of3A_178] : memref<2097152xi32, #tpu.memory_space<hbm>> -> memref<1024xi32, #tpu.memory_space<hbm>>
    tpu.enqueue_dma source(%dma_start3A_181 : memref<1024xi32, #tpu.memory_space<hbm>>) target(%arg8 : memref<1024xi32, #tpu.memory_space<vmem>>) target_semaphore(%arg17 : memref<!tpu.dma_semaphore, #tpu.memory_space<semaphore_mem>>)
    %sub3A_182 = arith.constant 1 : i32
    %sub3A_183 = arith.subi %and3A_28, %sub3A_182 : i32
    %broadcast_in_dim3A = vector.broadcast %sub3A_183 : i32 to vector<16xi32>
    %scan3A_184 = arith.constant 0 : i32
    %scan3A_185 = arith.constant 0 : i32
    %scan3A_186 = arith.constant 32 : i32
    %scan3A_187 = arith.addi %scan3A_185, %scan3A_186 : i32
    %scan3A_188 = arith.constant 1 : i32
    %scan3A_189:3 = scf.for %scan3A_279 = %scan3A_185 to %scan3A_187 step %scan3A_188 iter_args(%scan3A_280 = %broadcast_in_dim3A, %scan3A_281 = %and3A_28, %scan3A_282 = %scan3A_184) -> (vector<16xi32>, i32, i32)  : i32 {
      %mul3A_283 = arith.constant 2 : i32
      %mul3A_284 = arith.muli %mul3A_283, %scan3A_279 : i32
      %add3A_285 = arith.constant 1 : i32
      %add3A_286 = arith.addi %mul3A_284, %add3A_285 : i32
      %lt3A = arith.constant 64 : i32
      %lt3A_287 = arith.cmpi slt, %add3A_286, %lt3A : i32
      %convert_element_type3A_288 = arith.extui %lt3A_287 : i1 to i32
      %cond3A_289 = arith.constant 0 : i32
      %cond3A_290 = arith.cmpi ne, %convert_element_type3A_288, %cond3A_289 : i32
      scf.if %cond3A_290 {
        %add3A_361 = arith.constant 1 : i32
        %add3A_362 = arith.addi %mul3A_284, %add3A_361 : i32
        %mul3A_363 = arith.constant 4096 : i32
        %mul3A_364 = arith.muli %add3A_362, %mul3A_363 : i32
        %add3A_365 = arith.addi %mul3A_175, %mul3A_364 : i32
        %multiple_of3A_366 = tpu.assume_multiple %add3A_365, 4096 : i32
        %add3A_367 = arith.constant 1 : i32
        %add3A_368 = arith.addi %mul3A_284, %add3A_367 : i32
        %mul3A_369 = arith.constant 1024 : i32
        %mul3A_370 = arith.muli %add3A_368, %mul3A_369 : i32
        %add3A_371 = arith.addi %mul3A_177, %mul3A_370 : i32
        %multiple_of3A_372 = tpu.assume_multiple %add3A_371, 1024 : i32
        %dma_start3A_373 = tpu.memref_slice %arg2[%multiple_of3A_366] : memref<8388608xf32, #tpu.memory_space<hbm>> -> memref<4096xf32, #tpu.memory_space<hbm>>
        %dma_start3A_374 = tpu.memref_slice %arg2[%multiple_of3A_366] : memref<8388608xf32, #tpu.memory_space<hbm>> -> memref<4096xf32, #tpu.memory_space<hbm>>
        tpu.enqueue_dma source(%dma_start3A_374 : memref<4096xf32, #tpu.memory_space<hbm>>) target(%arg7 : memref<4096xf32, #tpu.memory_space<vmem>>) target_semaphore(%arg18 : memref<!tpu.dma_semaphore, #tpu.memory_space<semaphore_mem>>)
        %dma_start3A_375 = tpu.memref_slice %arg3[%multiple_of3A_372] : memref<2097152xi32, #tpu.memory_space<hbm>> -> memref<1024xi32, #tpu.memory_space<hbm>>
        %dma_start3A_376 = tpu.memref_slice %arg3[%multiple_of3A_372] : memref<2097152xi32, #tpu.memory_space<hbm>> -> memref<1024xi32, #tpu.memory_space<hbm>>
        tpu.enqueue_dma source(%dma_start3A_376 : memref<1024xi32, #tpu.memory_space<hbm>>) target(%arg9 : memref<1024xi32, #tpu.memory_space<vmem>>) target_semaphore(%arg18 : memref<!tpu.dma_semaphore, #tpu.memory_space<semaphore_mem>>)
      } else {
      }
      %dma_wait3A = arith.constant 0 : i32
      %dma_wait3A_291 = tpu.memref_slice %arg2[%dma_wait3A] : memref<8388608xf32, #tpu.memory_space<hbm>> -> memref<4096xf32, #tpu.memory_space<hbm>>
      %dma_wait3A_292 = arith.constant 0 : i32
      %dma_wait3A_293 = tpu.memref_slice %arg2[%dma_wait3A_292] : memref<8388608xf32, #tpu.memory_space<hbm>> -> memref<4096xf32, #tpu.memory_space<hbm>>
      tpu.wait_dma2 semaphore(%arg17 : memref<!tpu.dma_semaphore, #tpu.memory_space<semaphore_mem>>) src(%dma_wait3A_293 : memref<4096xf32, #tpu.memory_space<hbm>>) dst(%arg6 : memref<4096xf32, #tpu.memory_space<vmem>>)
      %dma_wait3A_294 = arith.constant 0 : i32
      %dma_wait3A_295 = tpu.memref_slice %arg3[%dma_wait3A_294] : memref<2097152xi32, #tpu.memory_space<hbm>> -> memref<1024xi32, #tpu.memory_space<hbm>>
      %dma_wait3A_296 = arith.constant 0 : i32
      %dma_wait3A_297 = tpu.memref_slice %arg3[%dma_wait3A_296] : memref<2097152xi32, #tpu.memory_space<hbm>> -> memref<1024xi32, #tpu.memory_space<hbm>>
      tpu.wait_dma2 semaphore(%arg17 : memref<!tpu.dma_semaphore, #tpu.memory_space<semaphore_mem>>) src(%dma_wait3A_297 : memref<1024xi32, #tpu.memory_space<hbm>>) dst(%arg8 : memref<1024xi32, #tpu.memory_space<vmem>>)
      %broadcast_in_dim3A_298 = arith.constant 0 : i32
      %broadcast_in_dim3A_299 = vector.broadcast %broadcast_in_dim3A_298 : i32 to vector<16xi32>
      %scan3A_300 = arith.constant 0 : i32
      %scan3A_301 = arith.constant 32 : i32
      %scan3A_302 = arith.addi %scan3A_300, %scan3A_301 : i32
      %scan3A_303 = arith.constant 1 : i32
      %scan3A_304:2 = scf.for %scan3A_361 = %scan3A_300 to %scan3A_302 step %scan3A_303 iter_args(%scan3A_362 = %scan3A_280, %scan3A_363 = %broadcast_in_dim3A_299) -> (vector<16xi32>, vector<16xi32>)  : i32 {
        %mul3A_364 = arith.constant 1 : i32
        %mul3A_365 = arith.muli %scan3A_361, %mul3A_364 : i32
        %add3A_366 = arith.constant 0 : i32
        %add3A_367 = arith.addi %add3A_366, %mul3A_365 : i32
        %mul3A_368 = arith.constant 2 : i32
        %mul3A_369 = arith.muli %mul3A_368, %add3A_367 : i32
        %mul3A_370 = arith.constant 16 : i32
        %mul3A_371 = arith.muli %mul3A_369, %mul3A_370 : i32
        %get3A_372 = arith.index_cast %mul3A_371 : i32 to index
        %get3A_373 = tpu.vector_load %arg8[%get3A_372] {strides = array<i32>} : memref<1024xi32, #tpu.memory_space<vmem>>, vector<16xi32>,
        %mul3A_374 = arith.constant 16843009 : i32
        %mul3A_375 = vector.broadcast %mul3A_374 : i32 to vector<16xi32>
        %mul3A_376 = arith.muli %get3A_373, %mul3A_375 : vector<16xi32>
        %shift_right_logical3A_377 = arith.constant 24 : i32
        %shift_right_logical3A_378 = vector.broadcast %shift_right_logical3A_377 : i32 to vector<16xi32>
        %shift_right_logical3A_379 = arith.shrui %mul3A_376, %shift_right_logical3A_378 : vector<16xi32>
        %broadcast_in_dim3A_380 = arith.constant true
        %broadcast_in_dim3A_381 = vector.broadcast %broadcast_in_dim3A_380 : i1 to vector<16xi1>
        %masked_cumsum3A = tpu.scan <sum>, %shift_right_logical3A_379 masked %broadcast_in_dim3A_381 : vector<16xi32>, vector<16xi1> -> vector<16xi32>
        %sub3A_382 = arith.subi %masked_cumsum3A, %shift_right_logical3A_379 : vector<16xi32>
        %and3A_383 = arith.constant 63 : i32
        %and3A_384 = vector.broadcast %and3A_383 : i32 to vector<16xi32>
        %and3A_385 = arith.andi %sub3A_382, %and3A_384 : vector<16xi32>
        %shift_left3A_386 = arith.constant 1 : i32
        %shift_left3A_387 = vector.broadcast %shift_left3A_386 : i32 to vector<16xi32>
        %shift_left3A_388 = arith.shli %and3A_385, %shift_left3A_387 : vector<16xi32>
        %or3A = arith.ori %get3A_373, %shift_left3A_388 : vector<16xi32>
        %swap3A = arith.constant 0 : index
        %swap3A_389 = tpu.vector_load %arg15[%swap3A] {strides = array<i32>} : memref<16xi32, #tpu.memory_space<vmem>>, vector<16xi32>,
        tpu.vector_store %arg15[%swap3A], %or3A {strides = array<i32>} : memref<16xi32, #tpu.memory_space<vmem>>, vector<16xi32>,
        %gather3A = tpu.vector_load_idx %arg15[%add3A_10] : memref<16xi32, #tpu.memory_space<vmem>>[vector<16xi32>], vector<16xi32>,
        %gather3A_390 = tpu.vector_load_idx %arg15[%add3A_13] : memref<16xi32, #tpu.memory_space<vmem>>[vector<16xi32>], vector<16xi32>,
        %gather3A_391 = tpu.vector_load_idx %arg15[%add3A_16] : memref<16xi32, #tpu.memory_space<vmem>>[vector<16xi32>], vector<16xi32>,
        %gather3A_392 = tpu.vector_load_idx %arg15[%add3A_19] : memref<16xi32, #tpu.memory_space<vmem>>[vector<16xi32>], vector<16xi32>,
        %mul3A_393 = arith.constant 64 : i32
        %mul3A_394 = arith.muli %mul3A_369, %mul3A_393 : i32
        %add3A_395 = arith.constant 0 : i32
        %add3A_396 = arith.addi %mul3A_394, %add3A_395 : i32
        %get3A_397 = arith.index_cast %add3A_396 : i32 to index
        %get3A_398 = tpu.vector_load %arg6[%get3A_397] {strides = array<i32>} : memref<4096xf32, #tpu.memory_space<vmem>>, vector<16xf32>,
        %add3A_399 = vector.broadcast %convert_element_type3A : f32 to vector<16xf32>
        %add3A_400 = arith.addf %get3A_398, %add3A_399 : vector<16xf32>
        %mul3A_401 = arith.constant 64 : i32
        %mul3A_402 = arith.muli %mul3A_369, %mul3A_401 : i32
        %add3A_403 = arith.constant 16 : i32
        %add3A_404 = arith.addi %mul3A_402, %add3A_403 : i32
        %get3A_405 = arith.index_cast %add3A_404 : i32 to index
        %get3A_406 = tpu.vector_load %arg6[%get3A_405] {strides = array<i32>} : memref<4096xf32, #tpu.memory_space<vmem>>, vector<16xf32>,
        %add3A_407 = vector.broadcast %convert_element_type3A : f32 to vector<16xf32>
        %add3A_408 = arith.addf %get3A_406, %add3A_407 : vector<16xf32>
        %mul3A_409 = arith.constant 64 : i32
        %mul3A_410 = arith.muli %mul3A_369, %mul3A_409 : i32
        %add3A_411 = arith.constant 32 : i32
        %add3A_412 = arith.addi %mul3A_410, %add3A_411 : i32
        %get3A_413 = arith.index_cast %add3A_412 : i32 to index
        %get3A_414 = tpu.vector_load %arg6[%get3A_413] {strides = array<i32>} : memref<4096xf32, #tpu.memory_space<vmem>>, vector<16xf32>,
        %add3A_415 = vector.broadcast %convert_element_type3A : f32 to vector<16xf32>
        %add3A_416 = arith.addf %get3A_414, %add3A_415 : vector<16xf32>
        %mul3A_417 = arith.constant 64 : i32
        %mul3A_418 = arith.muli %mul3A_369, %mul3A_417 : i32
        %add3A_419 = arith.constant 48 : i32
        %add3A_420 = arith.addi %mul3A_418, %add3A_419 : i32
        %get3A_421 = arith.index_cast %add3A_420 : i32 to index
        %get3A_422 = tpu.vector_load %arg6[%get3A_421] {strides = array<i32>} : memref<4096xf32, #tpu.memory_space<vmem>>, vector<16xf32>,
        %add3A_423 = vector.broadcast %convert_element_type3A : f32 to vector<16xf32>
        %add3A_424 = arith.addf %get3A_422, %add3A_423 : vector<16xf32>
        %and3A_425 = arith.constant 16843009 : i32
        %and3A_426 = vector.broadcast %and3A_425 : i32 to vector<16xi32>
        %and3A_427 = arith.andi %gather3A, %and3A_426 : vector<16xi32>
        %mul3A_428 = arith.constant 16843009 : i32
        %mul3A_429 = vector.broadcast %mul3A_428 : i32 to vector<16xi32>
        %mul3A_430 = arith.muli %and3A_427, %mul3A_429 : vector<16xi32>
        %and3A_431 = arith.constant 16843009 : i32
        %and3A_432 = vector.broadcast %and3A_431 : i32 to vector<16xi32>
        %and3A_433 = arith.andi %gather3A_390, %and3A_432 : vector<16xi32>
        %mul3A_434 = arith.constant 16843009 : i32
        %mul3A_435 = vector.broadcast %mul3A_434 : i32 to vector<16xi32>
        %mul3A_436 = arith.muli %and3A_433, %mul3A_435 : vector<16xi32>
        %and3A_437 = arith.constant 16843009 : i32
        %and3A_438 = vector.broadcast %and3A_437 : i32 to vector<16xi32>
        %and3A_439 = arith.andi %gather3A_391, %and3A_438 : vector<16xi32>
        %mul3A_440 = arith.constant 16843009 : i32
        %mul3A_441 = vector.broadcast %mul3A_440 : i32 to vector<16xi32>
        %mul3A_442 = arith.muli %and3A_439, %mul3A_441 : vector<16xi32>
        %and3A_443 = arith.constant 16843009 : i32
        %and3A_444 = vector.broadcast %and3A_443 : i32 to vector<16xi32>
        %and3A_445 = arith.andi %gather3A_392, %and3A_444 : vector<16xi32>
        %mul3A_446 = arith.constant 16843009 : i32
        %mul3A_447 = vector.broadcast %mul3A_446 : i32 to vector<16xi32>
        %mul3A_448 = arith.muli %and3A_445, %mul3A_447 : vector<16xi32>
        %shift_right_logical3A_449 = arith.shrui %gather3A, %mul3A_7 : vector<16xi32>
        %and3A_450 = arith.constant 1 : i32
        %and3A_451 = vector.broadcast %and3A_450 : i32 to vector<16xi32>
        %and3A_452 = arith.andi %shift_right_logical3A_449, %and3A_451 : vector<16xi32>
        %ne3A_453 = arith.constant 0 : i32
        %ne3A_454 = vector.broadcast %ne3A_453 : i32 to vector<16xi32>
        %ne3A_455 = arith.cmpi ne, %and3A_452, %ne3A_454 : vector<16xi32>
        %shift_right_logical3A_456 = arith.shrui %gather3A_390, %mul3A_7 : vector<16xi32>
        %and3A_457 = arith.constant 1 : i32
        %and3A_458 = vector.broadcast %and3A_457 : i32 to vector<16xi32>
        %and3A_459 = arith.andi %shift_right_logical3A_456, %and3A_458 : vector<16xi32>
        %ne3A_460 = arith.constant 0 : i32
        %ne3A_461 = vector.broadcast %ne3A_460 : i32 to vector<16xi32>
        %ne3A_462 = arith.cmpi ne, %and3A_459, %ne3A_461 : vector<16xi32>
        %shift_right_logical3A_463 = arith.shrui %gather3A_391, %mul3A_7 : vector<16xi32>
        %and3A_464 = arith.constant 1 : i32
        %and3A_465 = vector.broadcast %and3A_464 : i32 to vector<16xi32>
        %and3A_466 = arith.andi %shift_right_logical3A_463, %and3A_465 : vector<16xi32>
        %ne3A_467 = arith.constant 0 : i32
        %ne3A_468 = vector.broadcast %ne3A_467 : i32 to vector<16xi32>
        %ne3A_469 = arith.cmpi ne, %and3A_466, %ne3A_468 : vector<16xi32>
        %shift_right_logical3A_470 = arith.shrui %gather3A_392, %mul3A_7 : vector<16xi32>
        %and3A_471 = arith.constant 1 : i32
        %and3A_472 = vector.broadcast %and3A_471 : i32 to vector<16xi32>
        %and3A_473 = arith.andi %shift_right_logical3A_470, %and3A_472 : vector<16xi32>
        %ne3A_474 = arith.constant 0 : i32
        %ne3A_475 = vector.broadcast %ne3A_474 : i32 to vector<16xi32>
        %ne3A_476 = arith.cmpi ne, %and3A_473, %ne3A_475 : vector<16xi32>
        %all_reduce_population_count3A = tpu.all_reduce %ne3A_455 {dim = 0 : i64, kind = #tpu.reduction_kind<sum>} : vector<16xi1> -> vector<16xi32>
        %all_reduce_population_count3A_477 = tpu.all_reduce %ne3A_462 {dim = 0 : i64, kind = #tpu.reduction_kind<sum>} : vector<16xi1> -> vector<16xi32>
        %all_reduce_population_count3A_478 = tpu.all_reduce %ne3A_469 {dim = 0 : i64, kind = #tpu.reduction_kind<sum>} : vector<16xi1> -> vector<16xi32>
        %all_reduce_population_count3A_479 = tpu.all_reduce %ne3A_476 {dim = 0 : i64, kind = #tpu.reduction_kind<sum>} : vector<16xi1> -> vector<16xi32>
        %shift_right_logical3A_480 = arith.shrui %mul3A_430, %mul3A_7 : vector<16xi32>
        %and3A_481 = arith.constant 255 : i32
        %and3A_482 = vector.broadcast %and3A_481 : i32 to vector<16xi32>
        %and3A_483 = arith.andi %shift_right_logical3A_480, %and3A_482 : vector<16xi32>
        %shift_right_logical3A_484 = arith.constant 1 : i32
        %shift_right_logical3A_485 = vector.broadcast %shift_right_logical3A_484 : i32 to vector<16xi32>
        %shift_right_logical3A_486 = arith.shrui %gather3A, %shift_right_logical3A_485 : vector<16xi32>
        %and3A_487 = arith.constant 63 : i32
        %and3A_488 = vector.broadcast %and3A_487 : i32 to vector<16xi32>
        %and3A_489 = arith.andi %shift_right_logical3A_486, %and3A_488 : vector<16xi32>
        %add3A_490 = arith.addi %and3A_483, %and3A_489 : vector<16xi32>
        %shift_right_logical3A_491 = arith.shrui %mul3A_436, %mul3A_7 : vector<16xi32>
        %and3A_492 = arith.constant 255 : i32
        %and3A_493 = vector.broadcast %and3A_492 : i32 to vector<16xi32>
        %and3A_494 = arith.andi %shift_right_logical3A_491, %and3A_493 : vector<16xi32>
        %shift_right_logical3A_495 = arith.constant 1 : i32
        %shift_right_logical3A_496 = vector.broadcast %shift_right_logical3A_495 : i32 to vector<16xi32>
        %shift_right_logical3A_497 = arith.shrui %gather3A_390, %shift_right_logical3A_496 : vector<16xi32>
        %and3A_498 = arith.constant 63 : i32
        %and3A_499 = vector.broadcast %and3A_498 : i32 to vector<16xi32>
        %and3A_500 = arith.andi %shift_right_logical3A_497, %and3A_499 : vector<16xi32>
        %add3A_501 = arith.addi %and3A_494, %and3A_500 : vector<16xi32>
        %shift_right_logical3A_502 = arith.shrui %mul3A_442, %mul3A_7 : vector<16xi32>
        %and3A_503 = arith.constant 255 : i32
        %and3A_504 = vector.broadcast %and3A_503 : i32 to vector<16xi32>
        %and3A_505 = arith.andi %shift_right_logical3A_502, %and3A_504 : vector<16xi32>
        %shift_right_logical3A_506 = arith.constant 1 : i32
        %shift_right_logical3A_507 = vector.broadcast %shift_right_logical3A_506 : i32 to vector<16xi32>
        %shift_right_logical3A_508 = arith.shrui %gather3A_391, %shift_right_logical3A_507 : vector<16xi32>
        %and3A_509 = arith.constant 63 : i32
        %and3A_510 = vector.broadcast %and3A_509 : i32 to vector<16xi32>
        %and3A_511 = arith.andi %shift_right_logical3A_508, %and3A_510 : vector<16xi32>
        %add3A_512 = arith.addi %and3A_505, %and3A_511 : vector<16xi32>
        %shift_right_logical3A_513 = arith.shrui %mul3A_448, %mul3A_7 : vector<16xi32>
        %and3A_514 = arith.constant 255 : i32
        %and3A_515 = vector.broadcast %and3A_514 : i32 to vector<16xi32>
        %and3A_516 = arith.andi %shift_right_logical3A_513, %and3A_515 : vector<16xi32>
        %shift_right_logical3A_517 = arith.constant 1 : i32
        %shift_right_logical3A_518 = vector.broadcast %shift_right_logical3A_517 : i32 to vector<16xi32>
        %shift_right_logical3A_519 = arith.shrui %gather3A_392, %shift_right_logical3A_518 : vector<16xi32>
        %and3A_520 = arith.constant 63 : i32
        %and3A_521 = vector.broadcast %and3A_520 : i32 to vector<16xi32>
        %and3A_522 = arith.andi %shift_right_logical3A_519, %and3A_521 : vector<16xi32>
        %add3A_523 = arith.addi %and3A_516, %and3A_522 : vector<16xi32>
        %add3A_524 = arith.addi %scan3A_362, %add3A_490 : vector<16xi32>
        %ge3A_525 = arith.constant 12288 : i32
        %ge3A_526 = vector.broadcast %ge3A_525 : i32 to vector<16xi32>
        %ge3A_527 = arith.cmpi sge, %add3A_524, %ge3A_526 : vector<16xi32>
        %sub3A_528 = arith.constant 12288 : i32
        %sub3A_529 = vector.broadcast %sub3A_528 : i32 to vector<16xi32>
        %sub3A_530 = arith.subi %add3A_524, %sub3A_529 : vector<16xi32>
        %select_n3A_531 = arith.select %ge3A_527, %sub3A_530, %add3A_524 : vector<16xi1>, vector<16xi32>
        tpu.vector_store_idx %arg10[%select_n3A_531], %add3A_400 masked %ne3A_455 : memref<12288xf32, #tpu.memory_space<vmem>>[vector<16xi32>], vector<16xf32>, vector<16xi1>
        %add3A_532 = arith.addi %scan3A_362, %add3A_501 : vector<16xi32>
        %ge3A_533 = arith.constant 12288 : i32
        %ge3A_534 = vector.broadcast %ge3A_533 : i32 to vector<16xi32>
        %ge3A_535 = arith.cmpi sge, %add3A_532, %ge3A_534 : vector<16xi32>
        %sub3A_536 = arith.constant 12288 : i32
        %sub3A_537 = vector.broadcast %sub3A_536 : i32 to vector<16xi32>
        %sub3A_538 = arith.subi %add3A_532, %sub3A_537 : vector<16xi32>
        %select_n3A_539 = arith.select %ge3A_535, %sub3A_538, %add3A_532 : vector<16xi1>, vector<16xi32>
        tpu.vector_store_idx %arg10[%select_n3A_539], %add3A_408 masked %ne3A_462 : memref<12288xf32, #tpu.memory_space<vmem>>[vector<16xi32>], vector<16xf32>, vector<16xi1>
        %add3A_540 = arith.addi %scan3A_362, %add3A_512 : vector<16xi32>
        %ge3A_541 = arith.constant 12288 : i32
        %ge3A_542 = vector.broadcast %ge3A_541 : i32 to vector<16xi32>
        %ge3A_543 = arith.cmpi sge, %add3A_540, %ge3A_542 : vector<16xi32>
        %sub3A_544 = arith.constant 12288 : i32
        %sub3A_545 = vector.broadcast %sub3A_544 : i32 to vector<16xi32>
        %sub3A_546 = arith.subi %add3A_540, %sub3A_545 : vector<16xi32>
        %select_n3A_547 = arith.select %ge3A_543, %sub3A_546, %add3A_540 : vector<16xi1>, vector<16xi32>
        tpu.vector_store_idx %arg10[%select_n3A_547], %add3A_416 masked %ne3A_469 : memref<12288xf32, #tpu.memory_space<vmem>>[vector<16xi32>], vector<16xf32>, vector<16xi1>
        %add3A_548 = arith.addi %scan3A_362, %add3A_523 : vector<16xi32>
        %ge3A_549 = arith.constant 12288 : i32
        %ge3A_550 = vector.broadcast %ge3A_549 : i32 to vector<16xi32>
        %ge3A_551 = arith.cmpi sge, %add3A_548, %ge3A_550 : vector<16xi32>
        %sub3A_552 = arith.constant 12288 : i32
        %sub3A_553 = vector.broadcast %sub3A_552 : i32 to vector<16xi32>
        %sub3A_554 = arith.subi %add3A_548, %sub3A_553 : vector<16xi32>
        %select_n3A_555 = arith.select %ge3A_551, %sub3A_554, %add3A_548 : vector<16xi1>, vector<16xi32>
        tpu.vector_store_idx %arg10[%select_n3A_555], %add3A_424 masked %ne3A_476 : memref<12288xf32, #tpu.memory_space<vmem>>[vector<16xi32>], vector<16xf32>, vector<16xi1>
        %add3A_556 = arith.addi %all_reduce_population_count3A, %all_reduce_population_count3A_477 : vector<16xi32>
        %add3A_557 = arith.addi %all_reduce_population_count3A_478, %all_reduce_population_count3A_479 : vector<16xi32>
        %add3A_558 = arith.addi %add3A_556, %add3A_557 : vector<16xi32>
        %add3A_559 = arith.addi %scan3A_362, %add3A_558 : vector<16xi32>
        %add3A_560 = arith.addi %scan3A_363, %add3A_558 : vector<16xi32>
        %ge3A_561 = arith.constant 12288 : i32
        %ge3A_562 = vector.broadcast %ge3A_561 : i32 to vector<16xi32>
        %ge3A_563 = arith.cmpi sge, %add3A_559, %ge3A_562 : vector<16xi32>
        %sub3A_564 = arith.constant 12288 : i32
        %sub3A_565 = vector.broadcast %sub3A_564 : i32 to vector<16xi32>
        %sub3A_566 = arith.subi %add3A_559, %sub3A_565 : vector<16xi32>
        %select_n3A_567 = arith.select %ge3A_563, %sub3A_566, %add3A_559 : vector<16xi1>, vector<16xi32>
        %mul3A_568 = arith.constant 2 : i32
        %mul3A_569 = arith.muli %mul3A_568, %add3A_367 : i32
        %add3A_570 = arith.constant 1 : i32
        %add3A_571 = arith.addi %mul3A_569, %add3A_570 : i32
        %mul3A_572 = arith.constant 16 : i32
        %mul3A_573 = arith.muli %add3A_571, %mul3A_572 : i32
        %get3A_574 = arith.index_cast %mul3A_573 : i32 to index
        %get3A_575 = tpu.vector_load %arg8[%get3A_574] {strides = array<i32>} : memref<1024xi32, #tpu.memory_space<vmem>>, vector<16xi32>,
        %mul3A_576 = arith.constant 16843009 : i32
        %mul3A_577 = vector.broadcast %mul3A_576 : i32 to vector<16xi32>
        %mul3A_578 = arith.muli %get3A_575, %mul3A_577 : vector<16xi32>
        %shift_right_logical3A_579 = arith.constant 24 : i32
        %shift_right_logical3A_580 = vector.broadcast %shift_right_logical3A_579 : i32 to vector<16xi32>
        %shift_right_logical3A_581 = arith.shrui %mul3A_578, %shift_right_logical3A_580 : vector<16xi32>
        %broadcast_in_dim3A_582 = arith.constant true
        %broadcast_in_dim3A_583 = vector.broadcast %broadcast_in_dim3A_582 : i1 to vector<16xi1>
        %masked_cumsum3A_584 = tpu.scan <sum>, %shift_right_logical3A_581 masked %broadcast_in_dim3A_583 : vector<16xi32>, vector<16xi1> -> vector<16xi32>
        %sub3A_585 = arith.subi %masked_cumsum3A_584, %shift_right_logical3A_581 : vector<16xi32>
        %and3A_586 = arith.constant 63 : i32
        %and3A_587 = vector.broadcast %and3A_586 : i32 to vector<16xi32>
        %and3A_588 = arith.andi %sub3A_585, %and3A_587 : vector<16xi32>
        %shift_left3A_589 = arith.constant 1 : i32
        %shift_left3A_590 = vector.broadcast %shift_left3A_589 : i32 to vector<16xi32>
        %shift_left3A_591 = arith.shli %and3A_588, %shift_left3A_590 : vector<16xi32>
        %or3A_592 = arith.ori %get3A_575, %shift_left3A_591 : vector<16xi32>
        %swap3A_593 = arith.constant 0 : index
        %swap3A_594 = tpu.vector_load %arg16[%swap3A_593] {strides = array<i32>} : memref<16xi32, #tpu.memory_space<vmem>>, vector<16xi32>,
        tpu.vector_store %arg16[%swap3A_593], %or3A_592 {strides = array<i32>} : memref<16xi32, #tpu.memory_space<vmem>>, vector<16xi32>,
        %gather3A_595 = tpu.vector_load_idx %arg16[%add3A_10] : memref<16xi32, #tpu.memory_space<vmem>>[vector<16xi32>], vector<16xi32>,
        %gather3A_596 = tpu.vector_load_idx %arg16[%add3A_13] : memref<16xi32, #tpu.memory_space<vmem>>[vector<16xi32>], vector<16xi32>,
        %gather3A_597 = tpu.vector_load_idx %arg16[%add3A_16] : memref<16xi32, #tpu.memory_space<vmem>>[vector<16xi32>], vector<16xi32>,
        %gather3A_598 = tpu.vector_load_idx %arg16[%add3A_19] : memref<16xi32, #tpu.memory_space<vmem>>[vector<16xi32>], vector<16xi32>,
        %mul3A_599 = arith.constant 64 : i32
        %mul3A_600 = arith.muli %add3A_571, %mul3A_599 : i32
        %add3A_601 = arith.constant 0 : i32
        %add3A_602 = arith.addi %mul3A_600, %add3A_601 : i32
        %get3A_603 = arith.index_cast %add3A_602 : i32 to index
        %get3A_604 = tpu.vector_load %arg6[%get3A_603] {strides = array<i32>} : memref<4096xf32, #tpu.memory_space<vmem>>, vector<16xf32>,
        %add3A_605 = vector.broadcast %convert_element_type3A : f32 to vector<16xf32>
        %add3A_606 = arith.addf %get3A_604, %add3A_605 : vector<16xf32>
        %mul3A_607 = arith.constant 64 : i32
        %mul3A_608 = arith.muli %add3A_571, %mul3A_607 : i32
        %add3A_609 = arith.constant 16 : i32
        %add3A_610 = arith.addi %mul3A_608, %add3A_609 : i32
        %get3A_611 = arith.index_cast %add3A_610 : i32 to index
        %get3A_612 = tpu.vector_load %arg6[%get3A_611] {strides = array<i32>} : memref<4096xf32, #tpu.memory_space<vmem>>, vector<16xf32>,
        %add3A_613 = vector.broadcast %convert_element_type3A : f32 to vector<16xf32>
        %add3A_614 = arith.addf %get3A_612, %add3A_613 : vector<16xf32>
        %mul3A_615 = arith.constant 64 : i32
        %mul3A_616 = arith.muli %add3A_571, %mul3A_615 : i32
        %add3A_617 = arith.constant 32 : i32
        %add3A_618 = arith.addi %mul3A_616, %add3A_617 : i32
        %get3A_619 = arith.index_cast %add3A_618 : i32 to index
        %get3A_620 = tpu.vector_load %arg6[%get3A_619] {strides = array<i32>} : memref<4096xf32, #tpu.memory_space<vmem>>, vector<16xf32>,
        %add3A_621 = vector.broadcast %convert_element_type3A : f32 to vector<16xf32>
        %add3A_622 = arith.addf %get3A_620, %add3A_621 : vector<16xf32>
        %mul3A_623 = arith.constant 64 : i32
        %mul3A_624 = arith.muli %add3A_571, %mul3A_623 : i32
        %add3A_625 = arith.constant 48 : i32
        %add3A_626 = arith.addi %mul3A_624, %add3A_625 : i32
        %get3A_627 = arith.index_cast %add3A_626 : i32 to index
        %get3A_628 = tpu.vector_load %arg6[%get3A_627] {strides = array<i32>} : memref<4096xf32, #tpu.memory_space<vmem>>, vector<16xf32>,
        %add3A_629 = vector.broadcast %convert_element_type3A : f32 to vector<16xf32>
        %add3A_630 = arith.addf %get3A_628, %add3A_629 : vector<16xf32>
        %and3A_631 = arith.constant 16843009 : i32
        %and3A_632 = vector.broadcast %and3A_631 : i32 to vector<16xi32>
        %and3A_633 = arith.andi %gather3A_595, %and3A_632 : vector<16xi32>
        %mul3A_634 = arith.constant 16843009 : i32
        %mul3A_635 = vector.broadcast %mul3A_634 : i32 to vector<16xi32>
        %mul3A_636 = arith.muli %and3A_633, %mul3A_635 : vector<16xi32>
        %and3A_637 = arith.constant 16843009 : i32
        %and3A_638 = vector.broadcast %and3A_637 : i32 to vector<16xi32>
        %and3A_639 = arith.andi %gather3A_596, %and3A_638 : vector<16xi32>
        %mul3A_640 = arith.constant 16843009 : i32
        %mul3A_641 = vector.broadcast %mul3A_640 : i32 to vector<16xi32>
        %mul3A_642 = arith.muli %and3A_639, %mul3A_641 : vector<16xi32>
        %and3A_643 = arith.constant 16843009 : i32
        %and3A_644 = vector.broadcast %and3A_643 : i32 to vector<16xi32>
        %and3A_645 = arith.andi %gather3A_597, %and3A_644 : vector<16xi32>
        %mul3A_646 = arith.constant 16843009 : i32
        %mul3A_647 = vector.broadcast %mul3A_646 : i32 to vector<16xi32>
        %mul3A_648 = arith.muli %and3A_645, %mul3A_647 : vector<16xi32>
        %and3A_649 = arith.constant 16843009 : i32
        %and3A_650 = vector.broadcast %and3A_649 : i32 to vector<16xi32>
        %and3A_651 = arith.andi %gather3A_598, %and3A_650 : vector<16xi32>
        %mul3A_652 = arith.constant 16843009 : i32
        %mul3A_653 = vector.broadcast %mul3A_652 : i32 to vector<16xi32>
        %mul3A_654 = arith.muli %and3A_651, %mul3A_653 : vector<16xi32>
        %shift_right_logical3A_655 = arith.shrui %gather3A_595, %mul3A_7 : vector<16xi32>
        %and3A_656 = arith.constant 1 : i32
        %and3A_657 = vector.broadcast %and3A_656 : i32 to vector<16xi32>
        %and3A_658 = arith.andi %shift_right_logical3A_655, %and3A_657 : vector<16xi32>
        %ne3A_659 = arith.constant 0 : i32
        %ne3A_660 = vector.broadcast %ne3A_659 : i32 to vector<16xi32>
        %ne3A_661 = arith.cmpi ne, %and3A_658, %ne3A_660 : vector<16xi32>
        %shift_right_logical3A_662 = arith.shrui %gather3A_596, %mul3A_7 : vector<16xi32>
        %and3A_663 = arith.constant 1 : i32
        %and3A_664 = vector.broadcast %and3A_663 : i32 to vector<16xi32>
        %and3A_665 = arith.andi %shift_right_logical3A_662, %and3A_664 : vector<16xi32>
        %ne3A_666 = arith.constant 0 : i32
        %ne3A_667 = vector.broadcast %ne3A_666 : i32 to vector<16xi32>
        %ne3A_668 = arith.cmpi ne, %and3A_665, %ne3A_667 : vector<16xi32>
        %shift_right_logical3A_669 = arith.shrui %gather3A_597, %mul3A_7 : vector<16xi32>
        %and3A_670 = arith.constant 1 : i32
        %and3A_671 = vector.broadcast %and3A_670 : i32 to vector<16xi32>
        %and3A_672 = arith.andi %shift_right_logical3A_669, %and3A_671 : vector<16xi32>
        %ne3A_673 = arith.constant 0 : i32
        %ne3A_674 = vector.broadcast %ne3A_673 : i32 to vector<16xi32>
        %ne3A_675 = arith.cmpi ne, %and3A_672, %ne3A_674 : vector<16xi32>
        %shift_right_logical3A_676 = arith.shrui %gather3A_598, %mul3A_7 : vector<16xi32>
        %and3A_677 = arith.constant 1 : i32
        %and3A_678 = vector.broadcast %and3A_677 : i32 to vector<16xi32>
        %and3A_679 = arith.andi %shift_right_logical3A_676, %and3A_678 : vector<16xi32>
        %ne3A_680 = arith.constant 0 : i32
        %ne3A_681 = vector.broadcast %ne3A_680 : i32 to vector<16xi32>
        %ne3A_682 = arith.cmpi ne, %and3A_679, %ne3A_681 : vector<16xi32>
        %all_reduce_population_count3A_683 = tpu.all_reduce %ne3A_661 {dim = 0 : i64, kind = #tpu.reduction_kind<sum>} : vector<16xi1> -> vector<16xi32>
        %all_reduce_population_count3A_684 = tpu.all_reduce %ne3A_668 {dim = 0 : i64, kind = #tpu.reduction_kind<sum>} : vector<16xi1> -> vector<16xi32>
        %all_reduce_population_count3A_685 = tpu.all_reduce %ne3A_675 {dim = 0 : i64, kind = #tpu.reduction_kind<sum>} : vector<16xi1> -> vector<16xi32>
        %all_reduce_population_count3A_686 = tpu.all_reduce %ne3A_682 {dim = 0 : i64, kind = #tpu.reduction_kind<sum>} : vector<16xi1> -> vector<16xi32>
        %shift_right_logical3A_687 = arith.shrui %mul3A_636, %mul3A_7 : vector<16xi32>
        %and3A_688 = arith.constant 255 : i32
        %and3A_689 = vector.broadcast %and3A_688 : i32 to vector<16xi32>
        %and3A_690 = arith.andi %shift_right_logical3A_687, %and3A_689 : vector<16xi32>
        %shift_right_logical3A_691 = arith.constant 1 : i32
        %shift_right_logical3A_692 = vector.broadcast %shift_right_logical3A_691 : i32 to vector<16xi32>
        %shift_right_logical3A_693 = arith.shrui %gather3A_595, %shift_right_logical3A_692 : vector<16xi32>
        %and3A_694 = arith.constant 63 : i32
        %and3A_695 = vector.broadcast %and3A_694 : i32 to vector<16xi32>
        %and3A_696 = arith.andi %shift_right_logical3A_693, %and3A_695 : vector<16xi32>
        %add3A_697 = arith.addi %and3A_690, %and3A_696 : vector<16xi32>
        %shift_right_logical3A_698 = arith.shrui %mul3A_642, %mul3A_7 : vector<16xi32>
        %and3A_699 = arith.constant 255 : i32
        %and3A_700 = vector.broadcast %and3A_699 : i32 to vector<16xi32>
        %and3A_701 = arith.andi %shift_right_logical3A_698, %and3A_700 : vector<16xi32>
        %shift_right_logical3A_702 = arith.constant 1 : i32
        %shift_right_logical3A_703 = vector.broadcast %shift_right_logical3A_702 : i32 to vector<16xi32>
        %shift_right_logical3A_704 = arith.shrui %gather3A_596, %shift_right_logical3A_703 : vector<16xi32>
        %and3A_705 = arith.constant 63 : i32
        %and3A_706 = vector.broadcast %and3A_705 : i32 to vector<16xi32>
        %and3A_707 = arith.andi %shift_right_logical3A_704, %and3A_706 : vector<16xi32>
        %add3A_708 = arith.addi %and3A_701, %and3A_707 : vector<16xi32>
        %shift_right_logical3A_709 = arith.shrui %mul3A_648, %mul3A_7 : vector<16xi32>
        %and3A_710 = arith.constant 255 : i32
        %and3A_711 = vector.broadcast %and3A_710 : i32 to vector<16xi32>
        %and3A_712 = arith.andi %shift_right_logical3A_709, %and3A_711 : vector<16xi32>
        %shift_right_logical3A_713 = arith.constant 1 : i32
        %shift_right_logical3A_714 = vector.broadcast %shift_right_logical3A_713 : i32 to vector<16xi32>
        %shift_right_logical3A_715 = arith.shrui %gather3A_597, %shift_right_logical3A_714 : vector<16xi32>
        %and3A_716 = arith.constant 63 : i32
        %and3A_717 = vector.broadcast %and3A_716 : i32 to vector<16xi32>
        %and3A_718 = arith.andi %shift_right_logical3A_715, %and3A_717 : vector<16xi32>
        %add3A_719 = arith.addi %and3A_712, %and3A_718 : vector<16xi32>
        %shift_right_logical3A_720 = arith.shrui %mul3A_654, %mul3A_7 : vector<16xi32>
        %and3A_721 = arith.constant 255 : i32
        %and3A_722 = vector.broadcast %and3A_721 : i32 to vector<16xi32>
        %and3A_723 = arith.andi %shift_right_logical3A_720, %and3A_722 : vector<16xi32>
        %shift_right_logical3A_724 = arith.constant 1 : i32
        %shift_right_logical3A_725 = vector.broadcast %shift_right_logical3A_724 : i32 to vector<16xi32>
        %shift_right_logical3A_726 = arith.shrui %gather3A_598, %shift_right_logical3A_725 : vector<16xi32>
        %and3A_727 = arith.constant 63 : i32
        %and3A_728 = vector.broadcast %and3A_727 : i32 to vector<16xi32>
        %and3A_729 = arith.andi %shift_right_logical3A_726, %and3A_728 : vector<16xi32>
        %add3A_730 = arith.addi %and3A_723, %and3A_729 : vector<16xi32>
        %add3A_731 = arith.addi %select_n3A_567, %add3A_697 : vector<16xi32>
        %ge3A_732 = arith.constant 12288 : i32
        %ge3A_733 = vector.broadcast %ge3A_732 : i32 to vector<16xi32>
        %ge3A_734 = arith.cmpi sge, %add3A_731, %ge3A_733 : vector<16xi32>
        %sub3A_735 = arith.constant 12288 : i32
        %sub3A_736 = vector.broadcast %sub3A_735 : i32 to vector<16xi32>
        %sub3A_737 = arith.subi %add3A_731, %sub3A_736 : vector<16xi32>
        %select_n3A_738 = arith.select %ge3A_734, %sub3A_737, %add3A_731 : vector<16xi1>, vector<16xi32>
        tpu.vector_store_idx %arg10[%select_n3A_738], %add3A_606 masked %ne3A_661 : memref<12288xf32, #tpu.memory_space<vmem>>[vector<16xi32>], vector<16xf32>, vector<16xi1>
        %add3A_739 = arith.addi %select_n3A_567, %add3A_708 : vector<16xi32>
        %ge3A_740 = arith.constant 12288 : i32
        %ge3A_741 = vector.broadcast %ge3A_740 : i32 to vector<16xi32>
        %ge3A_742 = arith.cmpi sge, %add3A_739, %ge3A_741 : vector<16xi32>
        %sub3A_743 = arith.constant 12288 : i32
        %sub3A_744 = vector.broadcast %sub3A_743 : i32 to vector<16xi32>
        %sub3A_745 = arith.subi %add3A_739, %sub3A_744 : vector<16xi32>
        %select_n3A_746 = arith.select %ge3A_742, %sub3A_745, %add3A_739 : vector<16xi1>, vector<16xi32>
        tpu.vector_store_idx %arg10[%select_n3A_746], %add3A_614 masked %ne3A_668 : memref<12288xf32, #tpu.memory_space<vmem>>[vector<16xi32>], vector<16xf32>, vector<16xi1>
        %add3A_747 = arith.addi %select_n3A_567, %add3A_719 : vector<16xi32>
        %ge3A_748 = arith.constant 12288 : i32
        %ge3A_749 = vector.broadcast %ge3A_748 : i32 to vector<16xi32>
        %ge3A_750 = arith.cmpi sge, %add3A_747, %ge3A_749 : vector<16xi32>
        %sub3A_751 = arith.constant 12288 : i32
        %sub3A_752 = vector.broadcast %sub3A_751 : i32 to vector<16xi32>
        %sub3A_753 = arith.subi %add3A_747, %sub3A_752 : vector<16xi32>
        %select_n3A_754 = arith.select %ge3A_750, %sub3A_753, %add3A_747 : vector<16xi1>, vector<16xi32>
        tpu.vector_store_idx %arg10[%select_n3A_754], %add3A_622 masked %ne3A_675 : memref<12288xf32, #tpu.memory_space<vmem>>[vector<16xi32>], vector<16xf32>, vector<16xi1>
        %add3A_755 = arith.addi %select_n3A_567, %add3A_730 : vector<16xi32>
        %ge3A_756 = arith.constant 12288 : i32
        %ge3A_757 = vector.broadcast %ge3A_756 : i32 to vector<16xi32>
        %ge3A_758 = arith.cmpi sge, %add3A_755, %ge3A_757 : vector<16xi32>
        %sub3A_759 = arith.constant 12288 : i32
        %sub3A_760 = vector.broadcast %sub3A_759 : i32 to vector<16xi32>
        %sub3A_761 = arith.subi %add3A_755, %sub3A_760 : vector<16xi32>
        %select_n3A_762 = arith.select %ge3A_758, %sub3A_761, %add3A_755 : vector<16xi1>, vector<16xi32>
        tpu.vector_store_idx %arg10[%select_n3A_762], %add3A_630 masked %ne3A_682 : memref<12288xf32, #tpu.memory_space<vmem>>[vector<16xi32>], vector<16xf32>, vector<16xi1>
        %add3A_763 = arith.addi %all_reduce_population_count3A_683, %all_reduce_population_count3A_684 : vector<16xi32>
        %add3A_764 = arith.addi %all_reduce_population_count3A_685, %all_reduce_population_count3A_686 : vector<16xi32>
        %add3A_765 = arith.addi %add3A_763, %add3A_764 : vector<16xi32>
        %add3A_766 = arith.addi %select_n3A_567, %add3A_765 : vector<16xi32>
        %add3A_767 = arith.addi %add3A_560, %add3A_765 : vector<16xi32>
        %ge3A_768 = arith.constant 12288 : i32
        %ge3A_769 = vector.broadcast %ge3A_768 : i32 to vector<16xi32>
        %ge3A_770 = arith.cmpi sge, %add3A_766, %ge3A_769 : vector<16xi32>
        %sub3A_771 = arith.constant 12288 : i32
        %sub3A_772 = vector.broadcast %sub3A_771 : i32 to vector<16xi32>
        %sub3A_773 = arith.subi %add3A_766, %sub3A_772 : vector<16xi32>
        %select_n3A_774 = arith.select %ge3A_770, %sub3A_773, %add3A_766 : vector<16xi1>, vector<16xi32>
        scf.yield %select_n3A_774, %add3A_767 : vector<16xi32>, vector<16xi32>
      }
      %scan3A_305 = arith.constant 32 : i32
      %slice3A_306 = vector.extract_strided_slice %scan3A_304#1 {offsets = [0], sizes = [1], strides = [1]} : vector<16xi32> to vector<1xi32>
      %squeeze3A_307 = vector.extract %slice3A_306[0] : i32 from vector<1xi32>
      %add3A_308 = arith.addi %scan3A_281, %squeeze3A_307 : i32
      %ge3A_309 = arith.constant 4096 : i32
      %ge3A_310 = arith.cmpi sge, %add3A_308, %ge3A_309 : i32
      %convert_element_type3A_311 = arith.extui %ge3A_310 : i1 to i32
      %cond3A_312 = arith.constant 0 : i32
      %cond3A_313 = arith.cmpi ne, %convert_element_type3A_311, %cond3A_312 : i32
      scf.if %cond3A_313 {
        %ge3A_361 = arith.constant 1 : i32
        %ge3A_362 = arith.cmpi sge, %scan3A_282, %ge3A_361 : i32
        %convert_element_type3A_363 = arith.extui %ge3A_362 : i1 to i32
        %cond3A_364 = arith.constant 0 : i32
        %cond3A_365 = arith.cmpi ne, %convert_element_type3A_363, %cond3A_364 : i32
        scf.if %cond3A_365 {
          %dma_wait3A_382 = arith.constant 0 : i32
          %dma_wait3A_383 = tpu.memref_slice %arg5[%dma_wait3A_382] : memref<8388672xf32, #tpu.memory_space<hbm>> -> memref<4096xf32, #tpu.memory_space<hbm>>
          %dma_wait3A_384 = arith.constant 0 : i32
          %dma_wait3A_385 = tpu.memref_slice %arg5[%dma_wait3A_384] : memref<8388672xf32, #tpu.memory_space<hbm>> -> memref<4096xf32, #tpu.memory_space<hbm>>
          tpu.wait_dma2 semaphore(%arg19 : memref<!tpu.dma_semaphore, #tpu.memory_space<semaphore_mem>>) src(%dma_wait3A_385 : memref<4096xf32, #tpu.memory_space<hbm>>) dst(%arg11 : memref<4096xf32, #tpu.memory_space<vmem>>)
        } else {
        }
        %rem3A_366 = arith.constant 3 : i32
        %rem3A_367 = arith.remsi %scan3A_282, %rem3A_366 : i32
        %mul3A_368 = arith.constant 4096 : i32
        %mul3A_369 = arith.muli %rem3A_367, %mul3A_368 : i32
        %mul3A_370 = arith.constant 4096 : i32
        %mul3A_371 = arith.muli %scan3A_282, %mul3A_370 : i32
        %add3A_372 = arith.addi %sub3A, %mul3A_371 : i32
        %eq3A_373 = arith.constant 0 : i32
        %eq3A_374 = arith.cmpi eq, %scan3A_282, %eq3A_373 : i32
        %convert_element_type3A_375 = arith.extui %eq3A_374 : i1 to i32
        %cond3A_376 = arith.constant 0 : i32
        %cond3A_377 = arith.cmpi ne, %convert_element_type3A_375, %cond3A_376 : i32
        scf.if %cond3A_377 {
          %ge3A_382 = vector.broadcast %and3A_28 : i32 to vector<16xi32>
          %ge3A_383 = arith.cmpi sge, %iota3A, %ge3A_382 : vector<16xi32>
          %add3A_384 = vector.broadcast %add3A_372 : i32 to vector<16xi32>
          %add3A_385 = arith.addi %add3A_384, %iota3A : vector<16xi32>
          %add3A_386 = arith.constant 8388624 : i32
          %add3A_387 = vector.broadcast %add3A_386 : i32 to vector<16xi32>
          %add3A_388 = arith.addi %add3A_387, %iota3A : vector<16xi32>
          %select_n3A_389 = arith.select %ge3A_383, %add3A_385, %add3A_388 : vector<16xi1>, vector<16xi32>
          %multiple_of3A_390 = tpu.assume_multiple %mul3A_369, 16 : i32
          %get3A_391 = arith.index_cast %multiple_of3A_390 : i32 to index
          %get3A_392 = tpu.vector_load %arg10[%get3A_391] {strides = array<i32>} : memref<12288xf32, #tpu.memory_space<vmem>>, vector<16xf32>,
          %swap3A = arith.constant 0 : i32
          %swap3A_393 = arith.index_cast %swap3A : i32 to index
          %swap3A_394 = arith.constant 0 : index
          %swap3A_395 = tpu.vector_load %arg12[%swap3A_393, %swap3A_394] {strides = array<i32>} : memref<64x16xf32, #tpu.memory_space<vmem>>, vector<16xf32>,
          tpu.vector_store %arg12[%swap3A_393, %swap3A_394], %get3A_392 {strides = array<i32>} : memref<64x16xf32, #tpu.memory_space<vmem>>, vector<16xf32>,
          %dma_start3A_396 = arith.constant 0 : i32
          %dma_start3A_397 = arith.constant 0 : i32
          %dma_start3A_398 = tpu.memref_slice %arg12[%dma_start3A_396, %dma_start3A_397] : memref<64x16xf32, #tpu.memory_space<vmem>> -> memref<1x16xf32, #tpu.memory_space<vmem>>
          %dma_start3A_399 = tpu.memref_squeeze %dma_start3A_398 : memref<1x16xf32, #tpu.memory_space<vmem>> -> memref<16xf32, #tpu.memory_space<vmem>>
          %dma_start3A_400 = arith.constant 0 : i32
          %dma_start3A_401 = tpu.memref_slice %arg5[%dma_start3A_400] : memref<8388672xf32, #tpu.memory_space<hbm>> -> memref<8388672xf32, #tpu.memory_space<hbm>>
          tpu.enqueue_indirect_dma source(%dma_start3A_399 : memref<16xf32, #tpu.memory_space<vmem>>) target(%dma_start3A_401 : memref<8388672xf32, #tpu.memory_space<hbm>>) offsets(%select_n3A_389 : vector<16xi32>) semaphore(%arg19 : memref<!tpu.dma_semaphore, #tpu.memory_space<semaphore_mem>>)
          %add3A_402 = arith.constant 16 : i32
          %add3A_403 = arith.addi %mul3A_369, %add3A_402 : i32
          %multiple_of3A_404 = tpu.assume_multiple %add3A_403, 16 : i32
          %add3A_405 = arith.constant 16 : i32
          %add3A_406 = arith.addi %add3A_372, %add3A_405 : i32
          %multiple_of3A_407 = tpu.assume_multiple %add3A_406, 16 : i32
          %dma_start3A_408 = tpu.memref_slice %arg10[%multiple_of3A_404] : memref<12288xf32, #tpu.memory_space<vmem>> -> memref<4080xf32, #tpu.memory_space<vmem>>
          %dma_start3A_409 = tpu.memref_slice %arg5[%multiple_of3A_407] : memref<8388672xf32, #tpu.memory_space<hbm>> -> memref<4080xf32, #tpu.memory_space<hbm>>
          %dma_start3A_410 = tpu.memref_slice %arg5[%multiple_of3A_407] : memref<8388672xf32, #tpu.memory_space<hbm>> -> memref<4080xf32, #tpu.memory_space<hbm>>
          %dma_start3A_411 = tpu.memref_slice %arg10[%multiple_of3A_404] : memref<12288xf32, #tpu.memory_space<vmem>> -> memref<4080xf32, #tpu.memory_space<vmem>>
          tpu.enqueue_dma source(%dma_start3A_411 : memref<4080xf32, #tpu.memory_space<vmem>>) target(%dma_start3A_410 : memref<4080xf32, #tpu.memory_space<hbm>>) target_semaphore(%arg19 : memref<!tpu.dma_semaphore, #tpu.memory_space<semaphore_mem>>)
        } else {
        }
        %gt3A = arith.constant 0 : i32
        %gt3A_378 = arith.cmpi sgt, %scan3A_282, %gt3A : i32
        %convert_element_type3A_379 = arith.extui %gt3A_378 : i1 to i32
        %cond3A_380 = arith.constant 0 : i32
        %cond3A_381 = arith.cmpi ne, %convert_element_type3A_379, %cond3A_380 : i32
        scf.if %cond3A_381 {
          %multiple_of3A_382 = tpu.assume_multiple %mul3A_369, 16 : i32
          %multiple_of3A_383 = tpu.assume_multiple %add3A_372, 16 : i32
          %dma_start3A_384 = tpu.memref_slice %arg10[%multiple_of3A_382] : memref<12288xf32, #tpu.memory_space<vmem>> -> memref<4096xf32, #tpu.memory_space<vmem>>
          %dma_start3A_385 = tpu.memref_slice %arg5[%multiple_of3A_383] : memref<8388672xf32, #tpu.memory_space<hbm>> -> memref<4096xf32, #tpu.memory_space<hbm>>
          %dma_start3A_386 = tpu.memref_slice %arg5[%multiple_of3A_383] : memref<8388672xf32, #tpu.memory_space<hbm>> -> memref<4096xf32, #tpu.memory_space<hbm>>
          %dma_start3A_387 = tpu.memref_slice %arg10[%multiple_of3A_382] : memref<12288xf32, #tpu.memory_space<vmem>> -> memref<4096xf32, #tpu.memory_space<vmem>>
          tpu.enqueue_dma source(%dma_start3A_387 : memref<4096xf32, #tpu.memory_space<vmem>>) target(%dma_start3A_386 : memref<4096xf32, #tpu.memory_space<hbm>>) target_semaphore(%arg19 : memref<!tpu.dma_semaphore, #tpu.memory_space<semaphore_mem>>)
        } else {
        }
      } else {
      }
      %sub3A_314 = arith.constant 4096 : i32
      %sub3A_315 = arith.subi %add3A_308, %sub3A_314 : i32
      %select_n3A_316 = arith.select %ge3A_310, %sub3A_315, %add3A_308 : i32
      %add3A_317 = arith.constant 1 : i32
      %add3A_318 = arith.addi %scan3A_282, %add3A_317 : i32
      %select_n3A_319 = arith.select %ge3A_310, %add3A_318, %scan3A_282 : i32
      %mul3A_320 = arith.constant 2 : i32
      %mul3A_321 = arith.muli %mul3A_320, %scan3A_279 : i32
      %add3A_322 = arith.constant 1 : i32
      %add3A_323 = arith.addi %mul3A_321, %add3A_322 : i32
      %add3A_324 = arith.constant 1 : i32
      %add3A_325 = arith.addi %add3A_323, %add3A_324 : i32
      %lt3A_326 = arith.constant 64 : i32
      %lt3A_327 = arith.cmpi slt, %add3A_325, %lt3A_326 : i32
      %convert_element_type3A_328 = arith.extui %lt3A_327 : i1 to i32
      %cond3A_329 = arith.constant 0 : i32
      %cond3A_330 = arith.cmpi ne, %convert_element_type3A_328, %cond3A_329 : i32
      scf.if %cond3A_330 {
        %add3A_361 = arith.constant 1 : i32
        %add3A_362 = arith.addi %add3A_323, %add3A_361 : i32
        %mul3A_363 = arith.constant 4096 : i32
        %mul3A_364 = arith.muli %add3A_362, %mul3A_363 : i32
        %add3A_365 = arith.addi %mul3A_175, %mul3A_364 : i32
        %multiple_of3A_366 = tpu.assume_multiple %add3A_365, 4096 : i32
        %add3A_367 = arith.constant 1 : i32
        %add3A_368 = arith.addi %add3A_323, %add3A_367 : i32
        %mul3A_369 = arith.constant 1024 : i32
        %mul3A_370 = arith.muli %add3A_368, %mul3A_369 : i32
        %add3A_371 = arith.addi %mul3A_177, %mul3A_370 : i32
        %multiple_of3A_372 = tpu.assume_multiple %add3A_371, 1024 : i32
        %dma_start3A_373 = tpu.memref_slice %arg2[%multiple_of3A_366] : memref<8388608xf32, #tpu.memory_space<hbm>> -> memref<4096xf32, #tpu.memory_space<hbm>>
        %dma_start3A_374 = tpu.memref_slice %arg2[%multiple_of3A_366] : memref<8388608xf32, #tpu.memory_space<hbm>> -> memref<4096xf32, #tpu.memory_space<hbm>>
        tpu.enqueue_dma source(%dma_start3A_374 : memref<4096xf32, #tpu.memory_space<hbm>>) target(%arg6 : memref<4096xf32, #tpu.memory_space<vmem>>) target_semaphore(%arg17 : memref<!tpu.dma_semaphore, #tpu.memory_space<semaphore_mem>>)
        %dma_start3A_375 = tpu.memref_slice %arg3[%multiple_of3A_372] : memref<2097152xi32, #tpu.memory_space<hbm>> -> memref<1024xi32, #tpu.memory_space<hbm>>
        %dma_start3A_376 = tpu.memref_slice %arg3[%multiple_of3A_372] : memref<2097152xi32, #tpu.memory_space<hbm>> -> memref<1024xi32, #tpu.memory_space<hbm>>
        tpu.enqueue_dma source(%dma_start3A_376 : memref<1024xi32, #tpu.memory_space<hbm>>) target(%arg8 : memref<1024xi32, #tpu.memory_space<vmem>>) target_semaphore(%arg17 : memref<!tpu.dma_semaphore, #tpu.memory_space<semaphore_mem>>)
      } else {
      }
      %dma_wait3A_331 = arith.constant 0 : i32
      %dma_wait3A_332 = tpu.memref_slice %arg2[%dma_wait3A_331] : memref<8388608xf32, #tpu.memory_space<hbm>> -> memref<4096xf32, #tpu.memory_space<hbm>>
      %dma_wait3A_333 = arith.constant 0 : i32
      %dma_wait3A_334 = tpu.memref_slice %arg2[%dma_wait3A_333] : memref<8388608xf32, #tpu.memory_space<hbm>> -> memref<4096xf32, #tpu.memory_space<hbm>>
      tpu.wait_dma2 semaphore(%arg18 : memref<!tpu.dma_semaphore, #tpu.memory_space<semaphore_mem>>) src(%dma_wait3A_334 : memref<4096xf32, #tpu.memory_space<hbm>>) dst(%arg7 : memref<4096xf32, #tpu.memory_space<vmem>>)
      %dma_wait3A_335 = arith.constant 0 : i32
      %dma_wait3A_336 = tpu.memref_slice %arg3[%dma_wait3A_335] : memref<2097152xi32, #tpu.memory_space<hbm>> -> memref<1024xi32, #tpu.memory_space<hbm>>
      %dma_wait3A_337 = arith.constant 0 : i32
      %dma_wait3A_338 = tpu.memref_slice %arg3[%dma_wait3A_337] : memref<2097152xi32, #tpu.memory_space<hbm>> -> memref<1024xi32, #tpu.memory_space<hbm>>
      tpu.wait_dma2 semaphore(%arg18 : memref<!tpu.dma_semaphore, #tpu.memory_space<semaphore_mem>>) src(%dma_wait3A_338 : memref<1024xi32, #tpu.memory_space<hbm>>) dst(%arg9 : memref<1024xi32, #tpu.memory_space<vmem>>)
      %broadcast_in_dim3A_339 = arith.constant 0 : i32
      %broadcast_in_dim3A_340 = vector.broadcast %broadcast_in_dim3A_339 : i32 to vector<16xi32>
      %scan3A_341 = arith.constant 0 : i32
      %scan3A_342 = arith.constant 32 : i32
      %scan3A_343 = arith.addi %scan3A_341, %scan3A_342 : i32
      %scan3A_344 = arith.constant 1 : i32
      %scan3A_345:2 = scf.for %scan3A_361 = %scan3A_341 to %scan3A_343 step %scan3A_344 iter_args(%scan3A_362 = %scan3A_304#0, %scan3A_363 = %broadcast_in_dim3A_340) -> (vector<16xi32>, vector<16xi32>)  : i32 {
        %mul3A_364 = arith.constant 1 : i32
        %mul3A_365 = arith.muli %scan3A_361, %mul3A_364 : i32
        %add3A_366 = arith.constant 0 : i32
        %add3A_367 = arith.addi %add3A_366, %mul3A_365 : i32
        %mul3A_368 = arith.constant 2 : i32
        %mul3A_369 = arith.muli %mul3A_368, %add3A_367 : i32
        %mul3A_370 = arith.constant 16 : i32
        %mul3A_371 = arith.muli %mul3A_369, %mul3A_370 : i32
        %get3A_372 = arith.index_cast %mul3A_371 : i32 to index
        %get3A_373 = tpu.vector_load %arg9[%get3A_372] {strides = array<i32>} : memref<1024xi32, #tpu.memory_space<vmem>>, vector<16xi32>,
        %mul3A_374 = arith.constant 16843009 : i32
        %mul3A_375 = vector.broadcast %mul3A_374 : i32 to vector<16xi32>
        %mul3A_376 = arith.muli %get3A_373, %mul3A_375 : vector<16xi32>
        %shift_right_logical3A_377 = arith.constant 24 : i32
        %shift_right_logical3A_378 = vector.broadcast %shift_right_logical3A_377 : i32 to vector<16xi32>
        %shift_right_logical3A_379 = arith.shrui %mul3A_376, %shift_right_logical3A_378 : vector<16xi32>
        %broadcast_in_dim3A_380 = arith.constant true
        %broadcast_in_dim3A_381 = vector.broadcast %broadcast_in_dim3A_380 : i1 to vector<16xi1>
        %masked_cumsum3A = tpu.scan <sum>, %shift_right_logical3A_379 masked %broadcast_in_dim3A_381 : vector<16xi32>, vector<16xi1> -> vector<16xi32>
        %sub3A_382 = arith.subi %masked_cumsum3A, %shift_right_logical3A_379 : vector<16xi32>
        %and3A_383 = arith.constant 63 : i32
        %and3A_384 = vector.broadcast %and3A_383 : i32 to vector<16xi32>
        %and3A_385 = arith.andi %sub3A_382, %and3A_384 : vector<16xi32>
        %shift_left3A_386 = arith.constant 1 : i32
        %shift_left3A_387 = vector.broadcast %shift_left3A_386 : i32 to vector<16xi32>
        %shift_left3A_388 = arith.shli %and3A_385, %shift_left3A_387 : vector<16xi32>
        %or3A = arith.ori %get3A_373, %shift_left3A_388 : vector<16xi32>
        %swap3A = arith.constant 0 : index
        %swap3A_389 = tpu.vector_load %arg15[%swap3A] {strides = array<i32>} : memref<16xi32, #tpu.memory_space<vmem>>, vector<16xi32>,
        tpu.vector_store %arg15[%swap3A], %or3A {strides = array<i32>} : memref<16xi32, #tpu.memory_space<vmem>>, vector<16xi32>,
        %gather3A = tpu.vector_load_idx %arg15[%add3A_10] : memref<16xi32, #tpu.memory_space<vmem>>[vector<16xi32>], vector<16xi32>,
        %gather3A_390 = tpu.vector_load_idx %arg15[%add3A_13] : memref<16xi32, #tpu.memory_space<vmem>>[vector<16xi32>], vector<16xi32>,
        %gather3A_391 = tpu.vector_load_idx %arg15[%add3A_16] : memref<16xi32, #tpu.memory_space<vmem>>[vector<16xi32>], vector<16xi32>,
        %gather3A_392 = tpu.vector_load_idx %arg15[%add3A_19] : memref<16xi32, #tpu.memory_space<vmem>>[vector<16xi32>], vector<16xi32>,
        %mul3A_393 = arith.constant 64 : i32
        %mul3A_394 = arith.muli %mul3A_369, %mul3A_393 : i32
        %add3A_395 = arith.constant 0 : i32
        %add3A_396 = arith.addi %mul3A_394, %add3A_395 : i32
        %get3A_397 = arith.index_cast %add3A_396 : i32 to index
        %get3A_398 = tpu.vector_load %arg7[%get3A_397] {strides = array<i32>} : memref<4096xf32, #tpu.memory_space<vmem>>, vector<16xf32>,
        %add3A_399 = vector.broadcast %convert_element_type3A : f32 to vector<16xf32>
        %add3A_400 = arith.addf %get3A_398, %add3A_399 : vector<16xf32>
        %mul3A_401 = arith.constant 64 : i32
        %mul3A_402 = arith.muli %mul3A_369, %mul3A_401 : i32
        %add3A_403 = arith.constant 16 : i32
        %add3A_404 = arith.addi %mul3A_402, %add3A_403 : i32
        %get3A_405 = arith.index_cast %add3A_404 : i32 to index
        %get3A_406 = tpu.vector_load %arg7[%get3A_405] {strides = array<i32>} : memref<4096xf32, #tpu.memory_space<vmem>>, vector<16xf32>,
        %add3A_407 = vector.broadcast %convert_element_type3A : f32 to vector<16xf32>
        %add3A_408 = arith.addf %get3A_406, %add3A_407 : vector<16xf32>
        %mul3A_409 = arith.constant 64 : i32
        %mul3A_410 = arith.muli %mul3A_369, %mul3A_409 : i32
        %add3A_411 = arith.constant 32 : i32
        %add3A_412 = arith.addi %mul3A_410, %add3A_411 : i32
        %get3A_413 = arith.index_cast %add3A_412 : i32 to index
        %get3A_414 = tpu.vector_load %arg7[%get3A_413] {strides = array<i32>} : memref<4096xf32, #tpu.memory_space<vmem>>, vector<16xf32>,
        %add3A_415 = vector.broadcast %convert_element_type3A : f32 to vector<16xf32>
        %add3A_416 = arith.addf %get3A_414, %add3A_415 : vector<16xf32>
        %mul3A_417 = arith.constant 64 : i32
        %mul3A_418 = arith.muli %mul3A_369, %mul3A_417 : i32
        %add3A_419 = arith.constant 48 : i32
        %add3A_420 = arith.addi %mul3A_418, %add3A_419 : i32
        %get3A_421 = arith.index_cast %add3A_420 : i32 to index
        %get3A_422 = tpu.vector_load %arg7[%get3A_421] {strides = array<i32>} : memref<4096xf32, #tpu.memory_space<vmem>>, vector<16xf32>,
        %add3A_423 = vector.broadcast %convert_element_type3A : f32 to vector<16xf32>
        %add3A_424 = arith.addf %get3A_422, %add3A_423 : vector<16xf32>
        %and3A_425 = arith.constant 16843009 : i32
        %and3A_426 = vector.broadcast %and3A_425 : i32 to vector<16xi32>
        %and3A_427 = arith.andi %gather3A, %and3A_426 : vector<16xi32>
        %mul3A_428 = arith.constant 16843009 : i32
        %mul3A_429 = vector.broadcast %mul3A_428 : i32 to vector<16xi32>
        %mul3A_430 = arith.muli %and3A_427, %mul3A_429 : vector<16xi32>
        %and3A_431 = arith.constant 16843009 : i32
        %and3A_432 = vector.broadcast %and3A_431 : i32 to vector<16xi32>
        %and3A_433 = arith.andi %gather3A_390, %and3A_432 : vector<16xi32>
        %mul3A_434 = arith.constant 16843009 : i32
        %mul3A_435 = vector.broadcast %mul3A_434 : i32 to vector<16xi32>
        %mul3A_436 = arith.muli %and3A_433, %mul3A_435 : vector<16xi32>
        %and3A_437 = arith.constant 16843009 : i32
        %and3A_438 = vector.broadcast %and3A_437 : i32 to vector<16xi32>
        %and3A_439 = arith.andi %gather3A_391, %and3A_438 : vector<16xi32>
        %mul3A_440 = arith.constant 16843009 : i32
        %mul3A_441 = vector.broadcast %mul3A_440 : i32 to vector<16xi32>
        %mul3A_442 = arith.muli %and3A_439, %mul3A_441 : vector<16xi32>
        %and3A_443 = arith.constant 16843009 : i32
        %and3A_444 = vector.broadcast %and3A_443 : i32 to vector<16xi32>
        %and3A_445 = arith.andi %gather3A_392, %and3A_444 : vector<16xi32>
        %mul3A_446 = arith.constant 16843009 : i32
        %mul3A_447 = vector.broadcast %mul3A_446 : i32 to vector<16xi32>
        %mul3A_448 = arith.muli %and3A_445, %mul3A_447 : vector<16xi32>
        %shift_right_logical3A_449 = arith.shrui %gather3A, %mul3A_7 : vector<16xi32>
        %and3A_450 = arith.constant 1 : i32
        %and3A_451 = vector.broadcast %and3A_450 : i32 to vector<16xi32>
        %and3A_452 = arith.andi %shift_right_logical3A_449, %and3A_451 : vector<16xi32>
        %ne3A_453 = arith.constant 0 : i32
        %ne3A_454 = vector.broadcast %ne3A_453 : i32 to vector<16xi32>
        %ne3A_455 = arith.cmpi ne, %and3A_452, %ne3A_454 : vector<16xi32>
        %shift_right_logical3A_456 = arith.shrui %gather3A_390, %mul3A_7 : vector<16xi32>
        %and3A_457 = arith.constant 1 : i32
        %and3A_458 = vector.broadcast %and3A_457 : i32 to vector<16xi32>
        %and3A_459 = arith.andi %shift_right_logical3A_456, %and3A_458 : vector<16xi32>
        %ne3A_460 = arith.constant 0 : i32
        %ne3A_461 = vector.broadcast %ne3A_460 : i32 to vector<16xi32>
        %ne3A_462 = arith.cmpi ne, %and3A_459, %ne3A_461 : vector<16xi32>
        %shift_right_logical3A_463 = arith.shrui %gather3A_391, %mul3A_7 : vector<16xi32>
        %and3A_464 = arith.constant 1 : i32
        %and3A_465 = vector.broadcast %and3A_464 : i32 to vector<16xi32>
        %and3A_466 = arith.andi %shift_right_logical3A_463, %and3A_465 : vector<16xi32>
        %ne3A_467 = arith.constant 0 : i32
        %ne3A_468 = vector.broadcast %ne3A_467 : i32 to vector<16xi32>
        %ne3A_469 = arith.cmpi ne, %and3A_466, %ne3A_468 : vector<16xi32>
        %shift_right_logical3A_470 = arith.shrui %gather3A_392, %mul3A_7 : vector<16xi32>
        %and3A_471 = arith.constant 1 : i32
        %and3A_472 = vector.broadcast %and3A_471 : i32 to vector<16xi32>
        %and3A_473 = arith.andi %shift_right_logical3A_470, %and3A_472 : vector<16xi32>
        %ne3A_474 = arith.constant 0 : i32
        %ne3A_475 = vector.broadcast %ne3A_474 : i32 to vector<16xi32>
        %ne3A_476 = arith.cmpi ne, %and3A_473, %ne3A_475 : vector<16xi32>
        %all_reduce_population_count3A = tpu.all_reduce %ne3A_455 {dim = 0 : i64, kind = #tpu.reduction_kind<sum>} : vector<16xi1> -> vector<16xi32>
        %all_reduce_population_count3A_477 = tpu.all_reduce %ne3A_462 {dim = 0 : i64, kind = #tpu.reduction_kind<sum>} : vector<16xi1> -> vector<16xi32>
        %all_reduce_population_count3A_478 = tpu.all_reduce %ne3A_469 {dim = 0 : i64, kind = #tpu.reduction_kind<sum>} : vector<16xi1> -> vector<16xi32>
        %all_reduce_population_count3A_479 = tpu.all_reduce %ne3A_476 {dim = 0 : i64, kind = #tpu.reduction_kind<sum>} : vector<16xi1> -> vector<16xi32>
        %shift_right_logical3A_480 = arith.shrui %mul3A_430, %mul3A_7 : vector<16xi32>
        %and3A_481 = arith.constant 255 : i32
        %and3A_482 = vector.broadcast %and3A_481 : i32 to vector<16xi32>
        %and3A_483 = arith.andi %shift_right_logical3A_480, %and3A_482 : vector<16xi32>
        %shift_right_logical3A_484 = arith.constant 1 : i32
        %shift_right_logical3A_485 = vector.broadcast %shift_right_logical3A_484 : i32 to vector<16xi32>
        %shift_right_logical3A_486 = arith.shrui %gather3A, %shift_right_logical3A_485 : vector<16xi32>
        %and3A_487 = arith.constant 63 : i32
        %and3A_488 = vector.broadcast %and3A_487 : i32 to vector<16xi32>
        %and3A_489 = arith.andi %shift_right_logical3A_486, %and3A_488 : vector<16xi32>
        %add3A_490 = arith.addi %and3A_483, %and3A_489 : vector<16xi32>
        %shift_right_logical3A_491 = arith.shrui %mul3A_436, %mul3A_7 : vector<16xi32>
        %and3A_492 = arith.constant 255 : i32
        %and3A_493 = vector.broadcast %and3A_492 : i32 to vector<16xi32>
        %and3A_494 = arith.andi %shift_right_logical3A_491, %and3A_493 : vector<16xi32>
        %shift_right_logical3A_495 = arith.constant 1 : i32
        %shift_right_logical3A_496 = vector.broadcast %shift_right_logical3A_495 : i32 to vector<16xi32>
        %shift_right_logical3A_497 = arith.shrui %gather3A_390, %shift_right_logical3A_496 : vector<16xi32>
        %and3A_498 = arith.constant 63 : i32
        %and3A_499 = vector.broadcast %and3A_498 : i32 to vector<16xi32>
        %and3A_500 = arith.andi %shift_right_logical3A_497, %and3A_499 : vector<16xi32>
        %add3A_501 = arith.addi %and3A_494, %and3A_500 : vector<16xi32>
        %shift_right_logical3A_502 = arith.shrui %mul3A_442, %mul3A_7 : vector<16xi32>
        %and3A_503 = arith.constant 255 : i32
        %and3A_504 = vector.broadcast %and3A_503 : i32 to vector<16xi32>
        %and3A_505 = arith.andi %shift_right_logical3A_502, %and3A_504 : vector<16xi32>
        %shift_right_logical3A_506 = arith.constant 1 : i32
        %shift_right_logical3A_507 = vector.broadcast %shift_right_logical3A_506 : i32 to vector<16xi32>
        %shift_right_logical3A_508 = arith.shrui %gather3A_391, %shift_right_logical3A_507 : vector<16xi32>
        %and3A_509 = arith.constant 63 : i32
        %and3A_510 = vector.broadcast %and3A_509 : i32 to vector<16xi32>
        %and3A_511 = arith.andi %shift_right_logical3A_508, %and3A_510 : vector<16xi32>
        %add3A_512 = arith.addi %and3A_505, %and3A_511 : vector<16xi32>
        %shift_right_logical3A_513 = arith.shrui %mul3A_448, %mul3A_7 : vector<16xi32>
        %and3A_514 = arith.constant 255 : i32
        %and3A_515 = vector.broadcast %and3A_514 : i32 to vector<16xi32>
        %and3A_516 = arith.andi %shift_right_logical3A_513, %and3A_515 : vector<16xi32>
        %shift_right_logical3A_517 = arith.constant 1 : i32
        %shift_right_logical3A_518 = vector.broadcast %shift_right_logical3A_517 : i32 to vector<16xi32>
        %shift_right_logical3A_519 = arith.shrui %gather3A_392, %shift_right_logical3A_518 : vector<16xi32>
        %and3A_520 = arith.constant 63 : i32
        %and3A_521 = vector.broadcast %and3A_520 : i32 to vector<16xi32>
        %and3A_522 = arith.andi %shift_right_logical3A_519, %and3A_521 : vector<16xi32>
        %add3A_523 = arith.addi %and3A_516, %and3A_522 : vector<16xi32>
        %add3A_524 = arith.addi %scan3A_362, %add3A_490 : vector<16xi32>
        %ge3A_525 = arith.constant 12288 : i32
        %ge3A_526 = vector.broadcast %ge3A_525 : i32 to vector<16xi32>
        %ge3A_527 = arith.cmpi sge, %add3A_524, %ge3A_526 : vector<16xi32>
        %sub3A_528 = arith.constant 12288 : i32
        %sub3A_529 = vector.broadcast %sub3A_528 : i32 to vector<16xi32>
        %sub3A_530 = arith.subi %add3A_524, %sub3A_529 : vector<16xi32>
        %select_n3A_531 = arith.select %ge3A_527, %sub3A_530, %add3A_524 : vector<16xi1>, vector<16xi32>
        tpu.vector_store_idx %arg10[%select_n3A_531], %add3A_400 masked %ne3A_455 : memref<12288xf32, #tpu.memory_space<vmem>>[vector<16xi32>], vector<16xf32>, vector<16xi1>
        %add3A_532 = arith.addi %scan3A_362, %add3A_501 : vector<16xi32>
        %ge3A_533 = arith.constant 12288 : i32
        %ge3A_534 = vector.broadcast %ge3A_533 : i32 to vector<16xi32>
        %ge3A_535 = arith.cmpi sge, %add3A_532, %ge3A_534 : vector<16xi32>
        %sub3A_536 = arith.constant 12288 : i32
        %sub3A_537 = vector.broadcast %sub3A_536 : i32 to vector<16xi32>
        %sub3A_538 = arith.subi %add3A_532, %sub3A_537 : vector<16xi32>
        %select_n3A_539 = arith.select %ge3A_535, %sub3A_538, %add3A_532 : vector<16xi1>, vector<16xi32>
        tpu.vector_store_idx %arg10[%select_n3A_539], %add3A_408 masked %ne3A_462 : memref<12288xf32, #tpu.memory_space<vmem>>[vector<16xi32>], vector<16xf32>, vector<16xi1>
        %add3A_540 = arith.addi %scan3A_362, %add3A_512 : vector<16xi32>
        %ge3A_541 = arith.constant 12288 : i32
        %ge3A_542 = vector.broadcast %ge3A_541 : i32 to vector<16xi32>
        %ge3A_543 = arith.cmpi sge, %add3A_540, %ge3A_542 : vector<16xi32>
        %sub3A_544 = arith.constant 12288 : i32
        %sub3A_545 = vector.broadcast %sub3A_544 : i32 to vector<16xi32>
        %sub3A_546 = arith.subi %add3A_540, %sub3A_545 : vector<16xi32>
        %select_n3A_547 = arith.select %ge3A_543, %sub3A_546, %add3A_540 : vector<16xi1>, vector<16xi32>
        tpu.vector_store_idx %arg10[%select_n3A_547], %add3A_416 masked %ne3A_469 : memref<12288xf32, #tpu.memory_space<vmem>>[vector<16xi32>], vector<16xf32>, vector<16xi1>
        %add3A_548 = arith.addi %scan3A_362, %add3A_523 : vector<16xi32>
        %ge3A_549 = arith.constant 12288 : i32
        %ge3A_550 = vector.broadcast %ge3A_549 : i32 to vector<16xi32>
        %ge3A_551 = arith.cmpi sge, %add3A_548, %ge3A_550 : vector<16xi32>
        %sub3A_552 = arith.constant 12288 : i32
        %sub3A_553 = vector.broadcast %sub3A_552 : i32 to vector<16xi32>
        %sub3A_554 = arith.subi %add3A_548, %sub3A_553 : vector<16xi32>
        %select_n3A_555 = arith.select %ge3A_551, %sub3A_554, %add3A_548 : vector<16xi1>, vector<16xi32>
        tpu.vector_store_idx %arg10[%select_n3A_555], %add3A_424 masked %ne3A_476 : memref<12288xf32, #tpu.memory_space<vmem>>[vector<16xi32>], vector<16xf32>, vector<16xi1>
        %add3A_556 = arith.addi %all_reduce_population_count3A, %all_reduce_population_count3A_477 : vector<16xi32>
        %add3A_557 = arith.addi %all_reduce_population_count3A_478, %all_reduce_population_count3A_479 : vector<16xi32>
        %add3A_558 = arith.addi %add3A_556, %add3A_557 : vector<16xi32>
        %add3A_559 = arith.addi %scan3A_362, %add3A_558 : vector<16xi32>
        %add3A_560 = arith.addi %scan3A_363, %add3A_558 : vector<16xi32>
        %ge3A_561 = arith.constant 12288 : i32
        %ge3A_562 = vector.broadcast %ge3A_561 : i32 to vector<16xi32>
        %ge3A_563 = arith.cmpi sge, %add3A_559, %ge3A_562 : vector<16xi32>
        %sub3A_564 = arith.constant 12288 : i32
        %sub3A_565 = vector.broadcast %sub3A_564 : i32 to vector<16xi32>
        %sub3A_566 = arith.subi %add3A_559, %sub3A_565 : vector<16xi32>
        %select_n3A_567 = arith.select %ge3A_563, %sub3A_566, %add3A_559 : vector<16xi1>, vector<16xi32>
        %mul3A_568 = arith.constant 2 : i32
        %mul3A_569 = arith.muli %mul3A_568, %add3A_367 : i32
        %add3A_570 = arith.constant 1 : i32
        %add3A_571 = arith.addi %mul3A_569, %add3A_570 : i32
        %mul3A_572 = arith.constant 16 : i32
        %mul3A_573 = arith.muli %add3A_571, %mul3A_572 : i32
        %get3A_574 = arith.index_cast %mul3A_573 : i32 to index
        %get3A_575 = tpu.vector_load %arg9[%get3A_574] {strides = array<i32>} : memref<1024xi32, #tpu.memory_space<vmem>>, vector<16xi32>,
        %mul3A_576 = arith.constant 16843009 : i32
        %mul3A_577 = vector.broadcast %mul3A_576 : i32 to vector<16xi32>
        %mul3A_578 = arith.muli %get3A_575, %mul3A_577 : vector<16xi32>
        %shift_right_logical3A_579 = arith.constant 24 : i32
        %shift_right_logical3A_580 = vector.broadcast %shift_right_logical3A_579 : i32 to vector<16xi32>
        %shift_right_logical3A_581 = arith.shrui %mul3A_578, %shift_right_logical3A_580 : vector<16xi32>
        %broadcast_in_dim3A_582 = arith.constant true
        %broadcast_in_dim3A_583 = vector.broadcast %broadcast_in_dim3A_582 : i1 to vector<16xi1>
        %masked_cumsum3A_584 = tpu.scan <sum>, %shift_right_logical3A_581 masked %broadcast_in_dim3A_583 : vector<16xi32>, vector<16xi1> -> vector<16xi32>
        %sub3A_585 = arith.subi %masked_cumsum3A_584, %shift_right_logical3A_581 : vector<16xi32>
        %and3A_586 = arith.constant 63 : i32
        %and3A_587 = vector.broadcast %and3A_586 : i32 to vector<16xi32>
        %and3A_588 = arith.andi %sub3A_585, %and3A_587 : vector<16xi32>
        %shift_left3A_589 = arith.constant 1 : i32
        %shift_left3A_590 = vector.broadcast %shift_left3A_589 : i32 to vector<16xi32>
        %shift_left3A_591 = arith.shli %and3A_588, %shift_left3A_590 : vector<16xi32>
        %or3A_592 = arith.ori %get3A_575, %shift_left3A_591 : vector<16xi32>
        %swap3A_593 = arith.constant 0 : index
        %swap3A_594 = tpu.vector_load %arg16[%swap3A_593] {strides = array<i32>} : memref<16xi32, #tpu.memory_space<vmem>>, vector<16xi32>,
        tpu.vector_store %arg16[%swap3A_593], %or3A_592 {strides = array<i32>} : memref<16xi32, #tpu.memory_space<vmem>>, vector<16xi32>,
        %gather3A_595 = tpu.vector_load_idx %arg16[%add3A_10] : memref<16xi32, #tpu.memory_space<vmem>>[vector<16xi32>], vector<16xi32>,
        %gather3A_596 = tpu.vector_load_idx %arg16[%add3A_13] : memref<16xi32, #tpu.memory_space<vmem>>[vector<16xi32>], vector<16xi32>,
        %gather3A_597 = tpu.vector_load_idx %arg16[%add3A_16] : memref<16xi32, #tpu.memory_space<vmem>>[vector<16xi32>], vector<16xi32>,
        %gather3A_598 = tpu.vector_load_idx %arg16[%add3A_19] : memref<16xi32, #tpu.memory_space<vmem>>[vector<16xi32>], vector<16xi32>,
        %mul3A_599 = arith.constant 64 : i32
        %mul3A_600 = arith.muli %add3A_571, %mul3A_599 : i32
        %add3A_601 = arith.constant 0 : i32
        %add3A_602 = arith.addi %mul3A_600, %add3A_601 : i32
        %get3A_603 = arith.index_cast %add3A_602 : i32 to index
        %get3A_604 = tpu.vector_load %arg7[%get3A_603] {strides = array<i32>} : memref<4096xf32, #tpu.memory_space<vmem>>, vector<16xf32>,
        %add3A_605 = vector.broadcast %convert_element_type3A : f32 to vector<16xf32>
        %add3A_606 = arith.addf %get3A_604, %add3A_605 : vector<16xf32>
        %mul3A_607 = arith.constant 64 : i32
        %mul3A_608 = arith.muli %add3A_571, %mul3A_607 : i32
        %add3A_609 = arith.constant 16 : i32
        %add3A_610 = arith.addi %mul3A_608, %add3A_609 : i32
        %get3A_611 = arith.index_cast %add3A_610 : i32 to index
        %get3A_612 = tpu.vector_load %arg7[%get3A_611] {strides = array<i32>} : memref<4096xf32, #tpu.memory_space<vmem>>, vector<16xf32>,
        %add3A_613 = vector.broadcast %convert_element_type3A : f32 to vector<16xf32>
        %add3A_614 = arith.addf %get3A_612, %add3A_613 : vector<16xf32>
        %mul3A_615 = arith.constant 64 : i32
        %mul3A_616 = arith.muli %add3A_571, %mul3A_615 : i32
        %add3A_617 = arith.constant 32 : i32
        %add3A_618 = arith.addi %mul3A_616, %add3A_617 : i32
        %get3A_619 = arith.index_cast %add3A_618 : i32 to index
        %get3A_620 = tpu.vector_load %arg7[%get3A_619] {strides = array<i32>} : memref<4096xf32, #tpu.memory_space<vmem>>, vector<16xf32>,
        %add3A_621 = vector.broadcast %convert_element_type3A : f32 to vector<16xf32>
        %add3A_622 = arith.addf %get3A_620, %add3A_621 : vector<16xf32>
        %mul3A_623 = arith.constant 64 : i32
        %mul3A_624 = arith.muli %add3A_571, %mul3A_623 : i32
        %add3A_625 = arith.constant 48 : i32
        %add3A_626 = arith.addi %mul3A_624, %add3A_625 : i32
        %get3A_627 = arith.index_cast %add3A_626 : i32 to index
        %get3A_628 = tpu.vector_load %arg7[%get3A_627] {strides = array<i32>} : memref<4096xf32, #tpu.memory_space<vmem>>, vector<16xf32>,
        %add3A_629 = vector.broadcast %convert_element_type3A : f32 to vector<16xf32>
        %add3A_630 = arith.addf %get3A_628, %add3A_629 : vector<16xf32>
        %and3A_631 = arith.constant 16843009 : i32
        %and3A_632 = vector.broadcast %and3A_631 : i32 to vector<16xi32>
        %and3A_633 = arith.andi %gather3A_595, %and3A_632 : vector<16xi32>
        %mul3A_634 = arith.constant 16843009 : i32
        %mul3A_635 = vector.broadcast %mul3A_634 : i32 to vector<16xi32>
        %mul3A_636 = arith.muli %and3A_633, %mul3A_635 : vector<16xi32>
        %and3A_637 = arith.constant 16843009 : i32
        %and3A_638 = vector.broadcast %and3A_637 : i32 to vector<16xi32>
        %and3A_639 = arith.andi %gather3A_596, %and3A_638 : vector<16xi32>
        %mul3A_640 = arith.constant 16843009 : i32
        %mul3A_641 = vector.broadcast %mul3A_640 : i32 to vector<16xi32>
        %mul3A_642 = arith.muli %and3A_639, %mul3A_641 : vector<16xi32>
        %and3A_643 = arith.constant 16843009 : i32
        %and3A_644 = vector.broadcast %and3A_643 : i32 to vector<16xi32>
        %and3A_645 = arith.andi %gather3A_597, %and3A_644 : vector<16xi32>
        %mul3A_646 = arith.constant 16843009 : i32
        %mul3A_647 = vector.broadcast %mul3A_646 : i32 to vector<16xi32>
        %mul3A_648 = arith.muli %and3A_645, %mul3A_647 : vector<16xi32>
        %and3A_649 = arith.constant 16843009 : i32
        %and3A_650 = vector.broadcast %and3A_649 : i32 to vector<16xi32>
        %and3A_651 = arith.andi %gather3A_598, %and3A_650 : vector<16xi32>
        %mul3A_652 = arith.constant 16843009 : i32
        %mul3A_653 = vector.broadcast %mul3A_652 : i32 to vector<16xi32>
        %mul3A_654 = arith.muli %and3A_651, %mul3A_653 : vector<16xi32>
        %shift_right_logical3A_655 = arith.shrui %gather3A_595, %mul3A_7 : vector<16xi32>
        %and3A_656 = arith.constant 1 : i32
        %and3A_657 = vector.broadcast %and3A_656 : i32 to vector<16xi32>
        %and3A_658 = arith.andi %shift_right_logical3A_655, %and3A_657 : vector<16xi32>
        %ne3A_659 = arith.constant 0 : i32
        %ne3A_660 = vector.broadcast %ne3A_659 : i32 to vector<16xi32>
        %ne3A_661 = arith.cmpi ne, %and3A_658, %ne3A_660 : vector<16xi32>
        %shift_right_logical3A_662 = arith.shrui %gather3A_596, %mul3A_7 : vector<16xi32>
        %and3A_663 = arith.constant 1 : i32
        %and3A_664 = vector.broadcast %and3A_663 : i32 to vector<16xi32>
        %and3A_665 = arith.andi %shift_right_logical3A_662, %and3A_664 : vector<16xi32>
        %ne3A_666 = arith.constant 0 : i32
        %ne3A_667 = vector.broadcast %ne3A_666 : i32 to vector<16xi32>
        %ne3A_668 = arith.cmpi ne, %and3A_665, %ne3A_667 : vector<16xi32>
        %shift_right_logical3A_669 = arith.shrui %gather3A_597, %mul3A_7 : vector<16xi32>
        %and3A_670 = arith.constant 1 : i32
        %and3A_671 = vector.broadcast %and3A_670 : i32 to vector<16xi32>
        %and3A_672 = arith.andi %shift_right_logical3A_669, %and3A_671 : vector<16xi32>
        %ne3A_673 = arith.constant 0 : i32
        %ne3A_674 = vector.broadcast %ne3A_673 : i32 to vector<16xi32>
        %ne3A_675 = arith.cmpi ne, %and3A_672, %ne3A_674 : vector<16xi32>
        %shift_right_logical3A_676 = arith.shrui %gather3A_598, %mul3A_7 : vector<16xi32>
        %and3A_677 = arith.constant 1 : i32
        %and3A_678 = vector.broadcast %and3A_677 : i32 to vector<16xi32>
        %and3A_679 = arith.andi %shift_right_logical3A_676, %and3A_678 : vector<16xi32>
        %ne3A_680 = arith.constant 0 : i32
        %ne3A_681 = vector.broadcast %ne3A_680 : i32 to vector<16xi32>
        %ne3A_682 = arith.cmpi ne, %and3A_679, %ne3A_681 : vector<16xi32>
        %all_reduce_population_count3A_683 = tpu.all_reduce %ne3A_661 {dim = 0 : i64, kind = #tpu.reduction_kind<sum>} : vector<16xi1> -> vector<16xi32>
        %all_reduce_population_count3A_684 = tpu.all_reduce %ne3A_668 {dim = 0 : i64, kind = #tpu.reduction_kind<sum>} : vector<16xi1> -> vector<16xi32>
        %all_reduce_population_count3A_685 = tpu.all_reduce %ne3A_675 {dim = 0 : i64, kind = #tpu.reduction_kind<sum>} : vector<16xi1> -> vector<16xi32>
        %all_reduce_population_count3A_686 = tpu.all_reduce %ne3A_682 {dim = 0 : i64, kind = #tpu.reduction_kind<sum>} : vector<16xi1> -> vector<16xi32>
        %shift_right_logical3A_687 = arith.shrui %mul3A_636, %mul3A_7 : vector<16xi32>
        %and3A_688 = arith.constant 255 : i32
        %and3A_689 = vector.broadcast %and3A_688 : i32 to vector<16xi32>
        %and3A_690 = arith.andi %shift_right_logical3A_687, %and3A_689 : vector<16xi32>
        %shift_right_logical3A_691 = arith.constant 1 : i32
        %shift_right_logical3A_692 = vector.broadcast %shift_right_logical3A_691 : i32 to vector<16xi32>
        %shift_right_logical3A_693 = arith.shrui %gather3A_595, %shift_right_logical3A_692 : vector<16xi32>
        %and3A_694 = arith.constant 63 : i32
        %and3A_695 = vector.broadcast %and3A_694 : i32 to vector<16xi32>
        %and3A_696 = arith.andi %shift_right_logical3A_693, %and3A_695 : vector<16xi32>
        %add3A_697 = arith.addi %and3A_690, %and3A_696 : vector<16xi32>
        %shift_right_logical3A_698 = arith.shrui %mul3A_642, %mul3A_7 : vector<16xi32>
        %and3A_699 = arith.constant 255 : i32
        %and3A_700 = vector.broadcast %and3A_699 : i32 to vector<16xi32>
        %and3A_701 = arith.andi %shift_right_logical3A_698, %and3A_700 : vector<16xi32>
        %shift_right_logical3A_702 = arith.constant 1 : i32
        %shift_right_logical3A_703 = vector.broadcast %shift_right_logical3A_702 : i32 to vector<16xi32>
        %shift_right_logical3A_704 = arith.shrui %gather3A_596, %shift_right_logical3A_703 : vector<16xi32>
        %and3A_705 = arith.constant 63 : i32
        %and3A_706 = vector.broadcast %and3A_705 : i32 to vector<16xi32>
        %and3A_707 = arith.andi %shift_right_logical3A_704, %and3A_706 : vector<16xi32>
        %add3A_708 = arith.addi %and3A_701, %and3A_707 : vector<16xi32>
        %shift_right_logical3A_709 = arith.shrui %mul3A_648, %mul3A_7 : vector<16xi32>
        %and3A_710 = arith.constant 255 : i32
        %and3A_711 = vector.broadcast %and3A_710 : i32 to vector<16xi32>
        %and3A_712 = arith.andi %shift_right_logical3A_709, %and3A_711 : vector<16xi32>
        %shift_right_logical3A_713 = arith.constant 1 : i32
        %shift_right_logical3A_714 = vector.broadcast %shift_right_logical3A_713 : i32 to vector<16xi32>
        %shift_right_logical3A_715 = arith.shrui %gather3A_597, %shift_right_logical3A_714 : vector<16xi32>
        %and3A_716 = arith.constant 63 : i32
        %and3A_717 = vector.broadcast %and3A_716 : i32 to vector<16xi32>
        %and3A_718 = arith.andi %shift_right_logical3A_715, %and3A_717 : vector<16xi32>
        %add3A_719 = arith.addi %and3A_712, %and3A_718 : vector<16xi32>
        %shift_right_logical3A_720 = arith.shrui %mul3A_654, %mul3A_7 : vector<16xi32>
        %and3A_721 = arith.constant 255 : i32
        %and3A_722 = vector.broadcast %and3A_721 : i32 to vector<16xi32>
        %and3A_723 = arith.andi %shift_right_logical3A_720, %and3A_722 : vector<16xi32>
        %shift_right_logical3A_724 = arith.constant 1 : i32
        %shift_right_logical3A_725 = vector.broadcast %shift_right_logical3A_724 : i32 to vector<16xi32>
        %shift_right_logical3A_726 = arith.shrui %gather3A_598, %shift_right_logical3A_725 : vector<16xi32>
        %and3A_727 = arith.constant 63 : i32
        %and3A_728 = vector.broadcast %and3A_727 : i32 to vector<16xi32>
        %and3A_729 = arith.andi %shift_right_logical3A_726, %and3A_728 : vector<16xi32>
        %add3A_730 = arith.addi %and3A_723, %and3A_729 : vector<16xi32>
        %add3A_731 = arith.addi %select_n3A_567, %add3A_697 : vector<16xi32>
        %ge3A_732 = arith.constant 12288 : i32
        %ge3A_733 = vector.broadcast %ge3A_732 : i32 to vector<16xi32>
        %ge3A_734 = arith.cmpi sge, %add3A_731, %ge3A_733 : vector<16xi32>
        %sub3A_735 = arith.constant 12288 : i32
        %sub3A_736 = vector.broadcast %sub3A_735 : i32 to vector<16xi32>
        %sub3A_737 = arith.subi %add3A_731, %sub3A_736 : vector<16xi32>
        %select_n3A_738 = arith.select %ge3A_734, %sub3A_737, %add3A_731 : vector<16xi1>, vector<16xi32>
        tpu.vector_store_idx %arg10[%select_n3A_738], %add3A_606 masked %ne3A_661 : memref<12288xf32, #tpu.memory_space<vmem>>[vector<16xi32>], vector<16xf32>, vector<16xi1>
        %add3A_739 = arith.addi %select_n3A_567, %add3A_708 : vector<16xi32>
        %ge3A_740 = arith.constant 12288 : i32
        %ge3A_741 = vector.broadcast %ge3A_740 : i32 to vector<16xi32>
        %ge3A_742 = arith.cmpi sge, %add3A_739, %ge3A_741 : vector<16xi32>
        %sub3A_743 = arith.constant 12288 : i32
        %sub3A_744 = vector.broadcast %sub3A_743 : i32 to vector<16xi32>
        %sub3A_745 = arith.subi %add3A_739, %sub3A_744 : vector<16xi32>
        %select_n3A_746 = arith.select %ge3A_742, %sub3A_745, %add3A_739 : vector<16xi1>, vector<16xi32>
        tpu.vector_store_idx %arg10[%select_n3A_746], %add3A_614 masked %ne3A_668 : memref<12288xf32, #tpu.memory_space<vmem>>[vector<16xi32>], vector<16xf32>, vector<16xi1>
        %add3A_747 = arith.addi %select_n3A_567, %add3A_719 : vector<16xi32>
        %ge3A_748 = arith.constant 12288 : i32
        %ge3A_749 = vector.broadcast %ge3A_748 : i32 to vector<16xi32>
        %ge3A_750 = arith.cmpi sge, %add3A_747, %ge3A_749 : vector<16xi32>
        %sub3A_751 = arith.constant 12288 : i32
        %sub3A_752 = vector.broadcast %sub3A_751 : i32 to vector<16xi32>
        %sub3A_753 = arith.subi %add3A_747, %sub3A_752 : vector<16xi32>
        %select_n3A_754 = arith.select %ge3A_750, %sub3A_753, %add3A_747 : vector<16xi1>, vector<16xi32>
        tpu.vector_store_idx %arg10[%select_n3A_754], %add3A_622 masked %ne3A_675 : memref<12288xf32, #tpu.memory_space<vmem>>[vector<16xi32>], vector<16xf32>, vector<16xi1>
        %add3A_755 = arith.addi %select_n3A_567, %add3A_730 : vector<16xi32>
        %ge3A_756 = arith.constant 12288 : i32
        %ge3A_757 = vector.broadcast %ge3A_756 : i32 to vector<16xi32>
        %ge3A_758 = arith.cmpi sge, %add3A_755, %ge3A_757 : vector<16xi32>
        %sub3A_759 = arith.constant 12288 : i32
        %sub3A_760 = vector.broadcast %sub3A_759 : i32 to vector<16xi32>
        %sub3A_761 = arith.subi %add3A_755, %sub3A_760 : vector<16xi32>
        %select_n3A_762 = arith.select %ge3A_758, %sub3A_761, %add3A_755 : vector<16xi1>, vector<16xi32>
        tpu.vector_store_idx %arg10[%select_n3A_762], %add3A_630 masked %ne3A_682 : memref<12288xf32, #tpu.memory_space<vmem>>[vector<16xi32>], vector<16xf32>, vector<16xi1>
        %add3A_763 = arith.addi %all_reduce_population_count3A_683, %all_reduce_population_count3A_684 : vector<16xi32>
        %add3A_764 = arith.addi %all_reduce_population_count3A_685, %all_reduce_population_count3A_686 : vector<16xi32>
        %add3A_765 = arith.addi %add3A_763, %add3A_764 : vector<16xi32>
        %add3A_766 = arith.addi %select_n3A_567, %add3A_765 : vector<16xi32>
        %add3A_767 = arith.addi %add3A_560, %add3A_765 : vector<16xi32>
        %ge3A_768 = arith.constant 12288 : i32
        %ge3A_769 = vector.broadcast %ge3A_768 : i32 to vector<16xi32>
        %ge3A_770 = arith.cmpi sge, %add3A_766, %ge3A_769 : vector<16xi32>
        %sub3A_771 = arith.constant 12288 : i32
        %sub3A_772 = vector.broadcast %sub3A_771 : i32 to vector<16xi32>
        %sub3A_773 = arith.subi %add3A_766, %sub3A_772 : vector<16xi32>
        %select_n3A_774 = arith.select %ge3A_770, %sub3A_773, %add3A_766 : vector<16xi1>, vector<16xi32>
        scf.yield %select_n3A_774, %add3A_767 : vector<16xi32>, vector<16xi32>
      }
      %scan3A_346 = arith.constant 32 : i32
      %slice3A_347 = vector.extract_strided_slice %scan3A_345#1 {offsets = [0], sizes = [1], strides = [1]} : vector<16xi32> to vector<1xi32>
      %squeeze3A_348 = vector.extract %slice3A_347[0] : i32 from vector<1xi32>
      %add3A_349 = arith.addi %select_n3A_316, %squeeze3A_348 : i32
      %ge3A_350 = arith.constant 4096 : i32
      %ge3A_351 = arith.cmpi sge, %add3A_349, %ge3A_350 : i32
      %convert_element_type3A_352 = arith.extui %ge3A_351 : i1 to i32
      %cond3A_353 = arith.constant 0 : i32
      %cond3A_354 = arith.cmpi ne, %convert_element_type3A_352, %cond3A_353 : i32
      scf.if %cond3A_354 {
        %ge3A_361 = arith.constant 1 : i32
        %ge3A_362 = arith.cmpi sge, %select_n3A_319, %ge3A_361 : i32
        %convert_element_type3A_363 = arith.extui %ge3A_362 : i1 to i32
        %cond3A_364 = arith.constant 0 : i32
        %cond3A_365 = arith.cmpi ne, %convert_element_type3A_363, %cond3A_364 : i32
        scf.if %cond3A_365 {
          %dma_wait3A_382 = arith.constant 0 : i32
          %dma_wait3A_383 = tpu.memref_slice %arg5[%dma_wait3A_382] : memref<8388672xf32, #tpu.memory_space<hbm>> -> memref<4096xf32, #tpu.memory_space<hbm>>
          %dma_wait3A_384 = arith.constant 0 : i32
          %dma_wait3A_385 = tpu.memref_slice %arg5[%dma_wait3A_384] : memref<8388672xf32, #tpu.memory_space<hbm>> -> memref<4096xf32, #tpu.memory_space<hbm>>
          tpu.wait_dma2 semaphore(%arg19 : memref<!tpu.dma_semaphore, #tpu.memory_space<semaphore_mem>>) src(%dma_wait3A_385 : memref<4096xf32, #tpu.memory_space<hbm>>) dst(%arg11 : memref<4096xf32, #tpu.memory_space<vmem>>)
        } else {
        }
        %rem3A_366 = arith.constant 3 : i32
        %rem3A_367 = arith.remsi %select_n3A_319, %rem3A_366 : i32
        %mul3A_368 = arith.constant 4096 : i32
        %mul3A_369 = arith.muli %rem3A_367, %mul3A_368 : i32
        %mul3A_370 = arith.constant 4096 : i32
        %mul3A_371 = arith.muli %select_n3A_319, %mul3A_370 : i32
        %add3A_372 = arith.addi %sub3A, %mul3A_371 : i32
        %eq3A_373 = arith.constant 0 : i32
        %eq3A_374 = arith.cmpi eq, %select_n3A_319, %eq3A_373 : i32
        %convert_element_type3A_375 = arith.extui %eq3A_374 : i1 to i32
        %cond3A_376 = arith.constant 0 : i32
        %cond3A_377 = arith.cmpi ne, %convert_element_type3A_375, %cond3A_376 : i32
        scf.if %cond3A_377 {
          %ge3A_382 = vector.broadcast %and3A_28 : i32 to vector<16xi32>
          %ge3A_383 = arith.cmpi sge, %iota3A, %ge3A_382 : vector<16xi32>
          %add3A_384 = vector.broadcast %add3A_372 : i32 to vector<16xi32>
          %add3A_385 = arith.addi %add3A_384, %iota3A : vector<16xi32>
          %add3A_386 = arith.constant 8388624 : i32
          %add3A_387 = vector.broadcast %add3A_386 : i32 to vector<16xi32>
          %add3A_388 = arith.addi %add3A_387, %iota3A : vector<16xi32>
          %select_n3A_389 = arith.select %ge3A_383, %add3A_385, %add3A_388 : vector<16xi1>, vector<16xi32>
          %multiple_of3A_390 = tpu.assume_multiple %mul3A_369, 16 : i32
          %get3A_391 = arith.index_cast %multiple_of3A_390 : i32 to index
          %get3A_392 = tpu.vector_load %arg10[%get3A_391] {strides = array<i32>} : memref<12288xf32, #tpu.memory_space<vmem>>, vector<16xf32>,
          %swap3A = arith.constant 0 : i32
          %swap3A_393 = arith.index_cast %swap3A : i32 to index
          %swap3A_394 = arith.constant 0 : index
          %swap3A_395 = tpu.vector_load %arg12[%swap3A_393, %swap3A_394] {strides = array<i32>} : memref<64x16xf32, #tpu.memory_space<vmem>>, vector<16xf32>,
          tpu.vector_store %arg12[%swap3A_393, %swap3A_394], %get3A_392 {strides = array<i32>} : memref<64x16xf32, #tpu.memory_space<vmem>>, vector<16xf32>,
          %dma_start3A_396 = arith.constant 0 : i32
          %dma_start3A_397 = arith.constant 0 : i32
          %dma_start3A_398 = tpu.memref_slice %arg12[%dma_start3A_396, %dma_start3A_397] : memref<64x16xf32, #tpu.memory_space<vmem>> -> memref<1x16xf32, #tpu.memory_space<vmem>>
          %dma_start3A_399 = tpu.memref_squeeze %dma_start3A_398 : memref<1x16xf32, #tpu.memory_space<vmem>> -> memref<16xf32, #tpu.memory_space<vmem>>
          %dma_start3A_400 = arith.constant 0 : i32
          %dma_start3A_401 = tpu.memref_slice %arg5[%dma_start3A_400] : memref<8388672xf32, #tpu.memory_space<hbm>> -> memref<8388672xf32, #tpu.memory_space<hbm>>
          tpu.enqueue_indirect_dma source(%dma_start3A_399 : memref<16xf32, #tpu.memory_space<vmem>>) target(%dma_start3A_401 : memref<8388672xf32, #tpu.memory_space<hbm>>) offsets(%select_n3A_389 : vector<16xi32>) semaphore(%arg19 : memref<!tpu.dma_semaphore, #tpu.memory_space<semaphore_mem>>)
          %add3A_402 = arith.constant 16 : i32
          %add3A_403 = arith.addi %mul3A_369, %add3A_402 : i32
          %multiple_of3A_404 = tpu.assume_multiple %add3A_403, 16 : i32
          %add3A_405 = arith.constant 16 : i32
          %add3A_406 = arith.addi %add3A_372, %add3A_405 : i32
          %multiple_of3A_407 = tpu.assume_multiple %add3A_406, 16 : i32
          %dma_start3A_408 = tpu.memref_slice %arg10[%multiple_of3A_404] : memref<12288xf32, #tpu.memory_space<vmem>> -> memref<4080xf32, #tpu.memory_space<vmem>>
          %dma_start3A_409 = tpu.memref_slice %arg5[%multiple_of3A_407] : memref<8388672xf32, #tpu.memory_space<hbm>> -> memref<4080xf32, #tpu.memory_space<hbm>>
          %dma_start3A_410 = tpu.memref_slice %arg5[%multiple_of3A_407] : memref<8388672xf32, #tpu.memory_space<hbm>> -> memref<4080xf32, #tpu.memory_space<hbm>>
          %dma_start3A_411 = tpu.memref_slice %arg10[%multiple_of3A_404] : memref<12288xf32, #tpu.memory_space<vmem>> -> memref<4080xf32, #tpu.memory_space<vmem>>
          tpu.enqueue_dma source(%dma_start3A_411 : memref<4080xf32, #tpu.memory_space<vmem>>) target(%dma_start3A_410 : memref<4080xf32, #tpu.memory_space<hbm>>) target_semaphore(%arg19 : memref<!tpu.dma_semaphore, #tpu.memory_space<semaphore_mem>>)
        } else {
        }
        %gt3A = arith.constant 0 : i32
        %gt3A_378 = arith.cmpi sgt, %select_n3A_319, %gt3A : i32
        %convert_element_type3A_379 = arith.extui %gt3A_378 : i1 to i32
        %cond3A_380 = arith.constant 0 : i32
        %cond3A_381 = arith.cmpi ne, %convert_element_type3A_379, %cond3A_380 : i32
        scf.if %cond3A_381 {
          %multiple_of3A_382 = tpu.assume_multiple %mul3A_369, 16 : i32
          %multiple_of3A_383 = tpu.assume_multiple %add3A_372, 16 : i32
          %dma_start3A_384 = tpu.memref_slice %arg10[%multiple_of3A_382] : memref<12288xf32, #tpu.memory_space<vmem>> -> memref<4096xf32, #tpu.memory_space<vmem>>
          %dma_start3A_385 = tpu.memref_slice %arg5[%multiple_of3A_383] : memref<8388672xf32, #tpu.memory_space<hbm>> -> memref<4096xf32, #tpu.memory_space<hbm>>
          %dma_start3A_386 = tpu.memref_slice %arg5[%multiple_of3A_383] : memref<8388672xf32, #tpu.memory_space<hbm>> -> memref<4096xf32, #tpu.memory_space<hbm>>
          %dma_start3A_387 = tpu.memref_slice %arg10[%multiple_of3A_382] : memref<12288xf32, #tpu.memory_space<vmem>> -> memref<4096xf32, #tpu.memory_space<vmem>>
          tpu.enqueue_dma source(%dma_start3A_387 : memref<4096xf32, #tpu.memory_space<vmem>>) target(%dma_start3A_386 : memref<4096xf32, #tpu.memory_space<hbm>>) target_semaphore(%arg19 : memref<!tpu.dma_semaphore, #tpu.memory_space<semaphore_mem>>)
        } else {
        }
      } else {
      }
      %sub3A_355 = arith.constant 4096 : i32
      %sub3A_356 = arith.subi %add3A_349, %sub3A_355 : i32
      %select_n3A_357 = arith.select %ge3A_351, %sub3A_356, %add3A_349 : i32
      %add3A_358 = arith.constant 1 : i32
      %add3A_359 = arith.addi %select_n3A_319, %add3A_358 : i32
      %select_n3A_360 = arith.select %ge3A_351, %add3A_359, %select_n3A_319 : i32
      scf.yield %scan3A_345#0, %select_n3A_357, %select_n3A_360 : vector<16xi32>, i32, i32
    }
    %scan3A_190 = arith.constant 32 : i32
    %ge3A = arith.constant 1 : i32
    %ge3A_191 = arith.cmpi sge, %scan3A_189#2, %ge3A : i32
    %convert_element_type3A_192 = arith.extui %ge3A_191 : i1 to i32
    %cond3A = arith.constant 0 : i32
    %cond3A_193 = arith.cmpi ne, %convert_element_type3A_192, %cond3A : i32
    scf.if %cond3A_193 {
      %dma_wait3A = arith.constant 0 : i32
      %dma_wait3A_279 = tpu.memref_slice %arg5[%dma_wait3A] : memref<8388672xf32, #tpu.memory_space<hbm>> -> memref<4096xf32, #tpu.memory_space<hbm>>
      %dma_wait3A_280 = arith.constant 0 : i32
      %dma_wait3A_281 = tpu.memref_slice %arg5[%dma_wait3A_280] : memref<8388672xf32, #tpu.memory_space<hbm>> -> memref<4096xf32, #tpu.memory_space<hbm>>
      tpu.wait_dma2 semaphore(%arg19 : memref<!tpu.dma_semaphore, #tpu.memory_space<semaphore_mem>>) src(%dma_wait3A_281 : memref<4096xf32, #tpu.memory_space<hbm>>) dst(%arg11 : memref<4096xf32, #tpu.memory_space<vmem>>)
    } else {
    }
    %mul3A_194 = arith.constant 4096 : i32
    %mul3A_195 = arith.muli %scan3A_189#2, %mul3A_194 : i32
    %add3A_196 = arith.addi %mul3A_195, %scan3A_189#1 : i32
    %add3A_197 = arith.addi %add3A_196, %select_n3A : i32
    %add3A_198 = arith.addi %scan3A_189#1, %select_n3A : i32
    %add3A_199 = arith.constant 15 : i32
    %add3A_200 = arith.addi %add3A_198, %add3A_199 : i32
    %shift_right_arithmetic3A_201 = arith.constant 4 : i32
    %shift_right_arithmetic3A_202 = arith.shrsi %add3A_200, %shift_right_arithmetic3A_201 : i32
    %sub3A_203 = arith.constant 0 : i32
    %sub3A_204 = arith.subi %shift_right_arithmetic3A_202, %sub3A_203 : i32
    %sub3A_205 = arith.constant 1 : i32
    %sub3A_206 = arith.constant 1 : i32
    %sub3A_207 = arith.subi %sub3A_205, %sub3A_206 : i32
    %add3A_208 = arith.addi %sub3A_204, %sub3A_207 : i32
    %div3A_209 = arith.constant 1 : i32
    %div3A_210 = arith.divsi %add3A_208, %div3A_209 : i32
    %while3A_211 = arith.constant 1 : i32
    %while3A_212 = arith.constant 0 : i32
    %while3A_213 = arith.constant 0 : i32
    %while3A_214 = arith.subi %div3A_210, %while3A_213 : i32
    %while3A_215 = arith.addi %while3A_213, %while3A_214 : i32
    %while3A_216 = arith.constant 1 : i32
    %while3A_217 = arith.divsi %while3A_214, %while3A_216 : i32
    %while3A_218 = arith.muli %while3A_217, %while3A_216 : i32
    %while3A_219 = arith.addi %while3A_213, %while3A_218 : i32
    %while3A_220 = arith.constant 1 : i32
    scf.for %while3A_279 = %while3A_213 to %while3A_219 step %while3A_220  : i32 {
      %mul3A_280 = arith.muli %while3A_279, %while3A_211 : i32
      %add3A_281 = arith.addi %while3A_212, %mul3A_280 : i32
      %and3A_282 = arith.constant 63 : i32
      %and3A_283 = arith.andi %add3A_281, %and3A_282 : i32
      %mul3A_284 = arith.constant 16 : i32
      %mul3A_285 = arith.muli %add3A_281, %mul3A_284 : i32
      %add3A_286 = arith.addi %mul3A_195, %mul3A_285 : i32
      %rem3A_287 = arith.constant 12288 : i32
      %rem3A_288 = arith.remsi %add3A_286, %rem3A_287 : i32
      %multiple_of3A_289 = tpu.assume_multiple %rem3A_288, 16 : i32
      %get3A_290 = arith.index_cast %multiple_of3A_289 : i32 to index
      %get3A_291 = tpu.vector_load %arg10[%get3A_290] {strides = array<i32>} : memref<12288xf32, #tpu.memory_space<vmem>>, vector<16xf32>,
      %add3A_292 = vector.broadcast %add3A_286 : i32 to vector<16xi32>
      %add3A_293 = arith.addi %add3A_292, %iota3A : vector<16xi32>
      %lt3A = vector.broadcast %add3A_196 : i32 to vector<16xi32>
      %lt3A_294 = arith.cmpi slt, %add3A_293, %lt3A : vector<16xi32>
      %broadcast_in_dim3A_295 = vector.broadcast %convert_element_type3A : f32 to vector<16xf32>
      %select_n3A_296 = arith.select %lt3A_294, %get3A_291, %broadcast_in_dim3A_295 : vector<16xi1>, vector<16xf32>
      %ge3A_297 = vector.broadcast %and3A_28 : i32 to vector<16xi32>
      %ge3A_298 = arith.cmpi sge, %add3A_293, %ge3A_297 : vector<16xi32>
      %lt3A_299 = vector.broadcast %add3A_197 : i32 to vector<16xi32>
      %lt3A_300 = arith.cmpi slt, %add3A_293, %lt3A_299 : vector<16xi32>
      %and3A_301 = arith.andi %ge3A_298, %lt3A_300 : vector<16xi1>
      %add3A_302 = vector.broadcast %sub3A : i32 to vector<16xi32>
      %add3A_303 = arith.addi %add3A_302, %add3A_293 : vector<16xi32>
      %add3A_304 = arith.constant 8388624 : i32
      %add3A_305 = vector.broadcast %add3A_304 : i32 to vector<16xi32>
      %add3A_306 = arith.addi %add3A_305, %iota3A : vector<16xi32>
      %select_n3A_307 = arith.select %and3A_301, %add3A_303, %add3A_306 : vector<16xi1>, vector<16xi32>
      %swap3A = arith.index_cast %and3A_283 : i32 to index
      %swap3A_308 = arith.constant 0 : index
      %swap3A_309 = tpu.vector_load %arg12[%swap3A, %swap3A_308] {strides = array<i32>} : memref<64x16xf32, #tpu.memory_space<vmem>>, vector<16xf32>,
      tpu.vector_store %arg12[%swap3A, %swap3A_308], %select_n3A_296 {strides = array<i32>} : memref<64x16xf32, #tpu.memory_space<vmem>>, vector<16xf32>,
      %dma_start3A_310 = arith.constant 0 : i32
      %dma_start3A_311 = tpu.memref_slice %arg12[%and3A_283, %dma_start3A_310] : memref<64x16xf32, #tpu.memory_space<vmem>> -> memref<1x16xf32, #tpu.memory_space<vmem>>
      %dma_start3A_312 = tpu.memref_squeeze %dma_start3A_311 : memref<1x16xf32, #tpu.memory_space<vmem>> -> memref<16xf32, #tpu.memory_space<vmem>>
      %dma_start3A_313 = arith.constant 0 : i32
      %dma_start3A_314 = tpu.memref_slice %arg5[%dma_start3A_313] : memref<8388672xf32, #tpu.memory_space<hbm>> -> memref<8388672xf32, #tpu.memory_space<hbm>>
      tpu.enqueue_indirect_dma source(%dma_start3A_312 : memref<16xf32, #tpu.memory_space<vmem>>) target(%dma_start3A_314 : memref<8388672xf32, #tpu.memory_space<hbm>>) offsets(%select_n3A_307 : vector<16xi32>) semaphore(%arg17 : memref<!tpu.dma_semaphore, #tpu.memory_space<semaphore_mem>>)
      %eq3A_315 = arith.constant 63 : i32
      %eq3A_316 = arith.cmpi eq, %and3A_283, %eq3A_315 : i32
      %sub3A_317 = arith.constant 1 : i32
      %sub3A_318 = arith.subi %shift_right_arithmetic3A_202, %sub3A_317 : i32
      %eq3A_319 = arith.cmpi eq, %add3A_281, %sub3A_318 : i32
      %or3A = arith.ori %eq3A_316, %eq3A_319 : i1
      %convert_element_type3A_320 = arith.extui %or3A : i1 to i32
      %cond3A_321 = arith.constant 0 : i32
      %cond3A_322 = arith.cmpi ne, %convert_element_type3A_320, %cond3A_321 : i32
      scf.if %cond3A_322 {
        %add3A_323 = arith.constant 1 : i32
        %add3A_324 = arith.addi %and3A_283, %add3A_323 : i32
        %sub3A_325 = arith.constant 0 : i32
        %sub3A_326 = arith.subi %add3A_324, %sub3A_325 : i32
        %sub3A_327 = arith.constant 1 : i32
        %sub3A_328 = arith.constant 1 : i32
        %sub3A_329 = arith.subi %sub3A_327, %sub3A_328 : i32
        %add3A_330 = arith.addi %sub3A_326, %sub3A_329 : i32
        %div3A_331 = arith.constant 1 : i32
        %div3A_332 = arith.divsi %add3A_330, %div3A_331 : i32
        %while3A_333 = arith.constant 1 : i32
        %while3A_334 = arith.constant 0 : i32
        %while3A_335 = arith.constant 0 : i32
        %while3A_336 = arith.subi %div3A_332, %while3A_335 : i32
        %while3A_337 = arith.addi %while3A_335, %while3A_336 : i32
        %while3A_338 = arith.constant 1 : i32
        %while3A_339 = arith.divsi %while3A_336, %while3A_338 : i32
        %while3A_340 = arith.muli %while3A_339, %while3A_338 : i32
        %while3A_341 = arith.addi %while3A_335, %while3A_340 : i32
        %while3A_342 = arith.constant 1 : i32
        scf.for %while3A_344 = %while3A_335 to %while3A_341 step %while3A_342  : i32 {
          %mul3A_345 = arith.muli %while3A_344, %while3A_333 : i32
          %add3A_346 = arith.addi %while3A_334, %mul3A_345 : i32
          %dma_wait3A = arith.constant 0 : i32
          %dma_wait3A_347 = tpu.memref_slice %arg5[%dma_wait3A] : memref<8388672xf32, #tpu.memory_space<hbm>> -> memref<16xf32, #tpu.memory_space<hbm>>
          %dma_wait3A_348 = arith.constant 0 : i32
          %dma_wait3A_349 = tpu.memref_slice %arg5[%dma_wait3A_348] : memref<8388672xf32, #tpu.memory_space<hbm>> -> memref<16xf32, #tpu.memory_space<hbm>>
          tpu.wait_dma2 semaphore(%arg17 : memref<!tpu.dma_semaphore, #tpu.memory_space<semaphore_mem>>) src(%dma_wait3A_349 : memref<16xf32, #tpu.memory_space<hbm>>) dst(%arg14 : memref<16xf32, #tpu.memory_space<vmem>>)
        }
        %while3A_343 = arith.constant 1 : i32
        scf.for %while3A_344 = %while3A_341 to %while3A_337 step %while3A_343  : i32 {
          %mul3A_345 = arith.muli %while3A_344, %while3A_333 : i32
          %add3A_346 = arith.addi %while3A_334, %mul3A_345 : i32
          %dma_wait3A = arith.constant 0 : i32
          %dma_wait3A_347 = tpu.memref_slice %arg5[%dma_wait3A] : memref<8388672xf32, #tpu.memory_space<hbm>> -> memref<16xf32, #tpu.memory_space<hbm>>
          %dma_wait3A_348 = arith.constant 0 : i32
          %dma_wait3A_349 = tpu.memref_slice %arg5[%dma_wait3A_348] : memref<8388672xf32, #tpu.memory_space<hbm>> -> memref<16xf32, #tpu.memory_space<hbm>>
          tpu.wait_dma2 semaphore(%arg17 : memref<!tpu.dma_semaphore, #tpu.memory_space<semaphore_mem>>) src(%dma_wait3A_349 : memref<16xf32, #tpu.memory_space<hbm>>) dst(%arg14 : memref<16xf32, #tpu.memory_space<vmem>>)
        }
      } else {
      }
    }
    %while3A_221 = arith.constant 1 : i32
    scf.for %while3A_279 = %while3A_219 to %while3A_215 step %while3A_221  : i32 {
      %mul3A_280 = arith.muli %while3A_279, %while3A_211 : i32
      %add3A_281 = arith.addi %while3A_212, %mul3A_280 : i32
      %and3A_282 = arith.constant 63 : i32
      %and3A_283 = arith.andi %add3A_281, %and3A_282 : i32
      %mul3A_284 = arith.constant 16 : i32
      %mul3A_285 = arith.muli %add3A_281, %mul3A_284 : i32
      %add3A_286 = arith.addi %mul3A_195, %mul3A_285 : i32
      %rem3A_287 = arith.constant 12288 : i32
      %rem3A_288 = arith.remsi %add3A_286, %rem3A_287 : i32
      %multiple_of3A_289 = tpu.assume_multiple %rem3A_288, 16 : i32
      %get3A_290 = arith.index_cast %multiple_of3A_289 : i32 to index
      %get3A_291 = tpu.vector_load %arg10[%get3A_290] {strides = array<i32>} : memref<12288xf32, #tpu.memory_space<vmem>>, vector<16xf32>,
      %add3A_292 = vector.broadcast %add3A_286 : i32 to vector<16xi32>
      %add3A_293 = arith.addi %add3A_292, %iota3A : vector<16xi32>
      %lt3A = vector.broadcast %add3A_196 : i32 to vector<16xi32>
      %lt3A_294 = arith.cmpi slt, %add3A_293, %lt3A : vector<16xi32>
      %broadcast_in_dim3A_295 = vector.broadcast %convert_element_type3A : f32 to vector<16xf32>
      %select_n3A_296 = arith.select %lt3A_294, %get3A_291, %broadcast_in_dim3A_295 : vector<16xi1>, vector<16xf32>
      %ge3A_297 = vector.broadcast %and3A_28 : i32 to vector<16xi32>
      %ge3A_298 = arith.cmpi sge, %add3A_293, %ge3A_297 : vector<16xi32>
      %lt3A_299 = vector.broadcast %add3A_197 : i32 to vector<16xi32>
      %lt3A_300 = arith.cmpi slt, %add3A_293, %lt3A_299 : vector<16xi32>
      %and3A_301 = arith.andi %ge3A_298, %lt3A_300 : vector<16xi1>
      %add3A_302 = vector.broadcast %sub3A : i32 to vector<16xi32>
      %add3A_303 = arith.addi %add3A_302, %add3A_293 : vector<16xi32>
      %add3A_304 = arith.constant 8388624 : i32
      %add3A_305 = vector.broadcast %add3A_304 : i32 to vector<16xi32>
      %add3A_306 = arith.addi %add3A_305, %iota3A : vector<16xi32>
      %select_n3A_307 = arith.select %and3A_301, %add3A_303, %add3A_306 : vector<16xi1>, vector<16xi32>
      %swap3A = arith.index_cast %and3A_283 : i32 to index
      %swap3A_308 = arith.constant 0 : index
      %swap3A_309 = tpu.vector_load %arg12[%swap3A, %swap3A_308] {strides = array<i32>} : memref<64x16xf32, #tpu.memory_space<vmem>>, vector<16xf32>,
      tpu.vector_store %arg12[%swap3A, %swap3A_308], %select_n3A_296 {strides = array<i32>} : memref<64x16xf32, #tpu.memory_space<vmem>>, vector<16xf32>,
      %dma_start3A_310 = arith.constant 0 : i32
      %dma_start3A_311 = tpu.memref_slice %arg12[%and3A_283, %dma_start3A_310] : memref<64x16xf32, #tpu.memory_space<vmem>> -> memref<1x16xf32, #tpu.memory_space<vmem>>
      %dma_start3A_312 = tpu.memref_squeeze %dma_start3A_311 : memref<1x16xf32, #tpu.memory_space<vmem>> -> memref<16xf32, #tpu.memory_space<vmem>>
      %dma_start3A_313 = arith.constant 0 : i32
      %dma_start3A_314 = tpu.memref_slice %arg5[%dma_start3A_313] : memref<8388672xf32, #tpu.memory_space<hbm>> -> memref<8388672xf32, #tpu.memory_space<hbm>>
      tpu.enqueue_indirect_dma source(%dma_start3A_312 : memref<16xf32, #tpu.memory_space<vmem>>) target(%dma_start3A_314 : memref<8388672xf32, #tpu.memory_space<hbm>>) offsets(%select_n3A_307 : vector<16xi32>) semaphore(%arg17 : memref<!tpu.dma_semaphore, #tpu.memory_space<semaphore_mem>>)
      %eq3A_315 = arith.constant 63 : i32
      %eq3A_316 = arith.cmpi eq, %and3A_283, %eq3A_315 : i32
      %sub3A_317 = arith.constant 1 : i32
      %sub3A_318 = arith.subi %shift_right_arithmetic3A_202, %sub3A_317 : i32
      %eq3A_319 = arith.cmpi eq, %add3A_281, %sub3A_318 : i32
      %or3A = arith.ori %eq3A_316, %eq3A_319 : i1
      %convert_element_type3A_320 = arith.extui %or3A : i1 to i32
      %cond3A_321 = arith.constant 0 : i32
      %cond3A_322 = arith.cmpi ne, %convert_element_type3A_320, %cond3A_321 : i32
      scf.if %cond3A_322 {
        %add3A_323 = arith.constant 1 : i32
        %add3A_324 = arith.addi %and3A_283, %add3A_323 : i32
        %sub3A_325 = arith.constant 0 : i32
        %sub3A_326 = arith.subi %add3A_324, %sub3A_325 : i32
        %sub3A_327 = arith.constant 1 : i32
        %sub3A_328 = arith.constant 1 : i32
        %sub3A_329 = arith.subi %sub3A_327, %sub3A_328 : i32
        %add3A_330 = arith.addi %sub3A_326, %sub3A_329 : i32
        %div3A_331 = arith.constant 1 : i32
        %div3A_332 = arith.divsi %add3A_330, %div3A_331 : i32
        %while3A_333 = arith.constant 1 : i32
        %while3A_334 = arith.constant 0 : i32
        %while3A_335 = arith.constant 0 : i32
        %while3A_336 = arith.subi %div3A_332, %while3A_335 : i32
        %while3A_337 = arith.addi %while3A_335, %while3A_336 : i32
        %while3A_338 = arith.constant 1 : i32
        %while3A_339 = arith.divsi %while3A_336, %while3A_338 : i32
        %while3A_340 = arith.muli %while3A_339, %while3A_338 : i32
        %while3A_341 = arith.addi %while3A_335, %while3A_340 : i32
        %while3A_342 = arith.constant 1 : i32
        scf.for %while3A_344 = %while3A_335 to %while3A_341 step %while3A_342  : i32 {
          %mul3A_345 = arith.muli %while3A_344, %while3A_333 : i32
          %add3A_346 = arith.addi %while3A_334, %mul3A_345 : i32
          %dma_wait3A = arith.constant 0 : i32
          %dma_wait3A_347 = tpu.memref_slice %arg5[%dma_wait3A] : memref<8388672xf32, #tpu.memory_space<hbm>> -> memref<16xf32, #tpu.memory_space<hbm>>
          %dma_wait3A_348 = arith.constant 0 : i32
          %dma_wait3A_349 = tpu.memref_slice %arg5[%dma_wait3A_348] : memref<8388672xf32, #tpu.memory_space<hbm>> -> memref<16xf32, #tpu.memory_space<hbm>>
          tpu.wait_dma2 semaphore(%arg17 : memref<!tpu.dma_semaphore, #tpu.memory_space<semaphore_mem>>) src(%dma_wait3A_349 : memref<16xf32, #tpu.memory_space<hbm>>) dst(%arg14 : memref<16xf32, #tpu.memory_space<vmem>>)
        }
        %while3A_343 = arith.constant 1 : i32
        scf.for %while3A_344 = %while3A_341 to %while3A_337 step %while3A_343  : i32 {
          %mul3A_345 = arith.muli %while3A_344, %while3A_333 : i32
          %add3A_346 = arith.addi %while3A_334, %mul3A_345 : i32
          %dma_wait3A = arith.constant 0 : i32
          %dma_wait3A_347 = tpu.memref_slice %arg5[%dma_wait3A] : memref<8388672xf32, #tpu.memory_space<hbm>> -> memref<16xf32, #tpu.memory_space<hbm>>
          %dma_wait3A_348 = arith.constant 0 : i32
          %dma_wait3A_349 = tpu.memref_slice %arg5[%dma_wait3A_348] : memref<8388672xf32, #tpu.memory_space<hbm>> -> memref<16xf32, #tpu.memory_space<hbm>>
          tpu.wait_dma2 semaphore(%arg17 : memref<!tpu.dma_semaphore, #tpu.memory_space<semaphore_mem>>) src(%dma_wait3A_349 : memref<16xf32, #tpu.memory_space<hbm>>) dst(%arg14 : memref<16xf32, #tpu.memory_space<vmem>>)
        }
      } else {
      }
    }
    %sub3A_222 = arith.constant 0 : i32
    %sub3A_223 = arith.subi %shift_right_arithmetic3A_104, %sub3A_222 : i32
    %sub3A_224 = arith.constant 1 : i32
    %sub3A_225 = arith.constant 1 : i32
    %sub3A_226 = arith.subi %sub3A_224, %sub3A_225 : i32
    %add3A_227 = arith.addi %sub3A_223, %sub3A_226 : i32
    %div3A_228 = arith.constant 1 : i32
    %div3A_229 = arith.divsi %add3A_227, %div3A_228 : i32
    %while3A_230 = arith.constant 1 : i32
    %while3A_231 = arith.constant 0 : i32
    %while3A_232 = arith.constant 0 : i32
    %while3A_233 = arith.subi %div3A_229, %while3A_232 : i32
    %while3A_234 = arith.addi %while3A_232, %while3A_233 : i32
    %while3A_235 = arith.constant 1 : i32
    %while3A_236 = arith.divsi %while3A_233, %while3A_235 : i32
    %while3A_237 = arith.muli %while3A_236, %while3A_235 : i32
    %while3A_238 = arith.addi %while3A_232, %while3A_237 : i32
    %while3A_239 = arith.constant 1 : i32
    scf.for %while3A_279 = %while3A_232 to %while3A_238 step %while3A_239  : i32 {
      %mul3A_280 = arith.muli %while3A_279, %while3A_230 : i32
      %add3A_281 = arith.addi %while3A_231, %mul3A_280 : i32
      %dma_wait3A = arith.constant 0 : i32
      %dma_wait3A_282 = tpu.memref_slice %arg5[%dma_wait3A] : memref<8388672xf32, #tpu.memory_space<hbm>> -> memref<4096xf32, #tpu.memory_space<hbm>>
      %dma_wait3A_283 = arith.constant 0 : i32
      %dma_wait3A_284 = tpu.memref_slice %arg5[%dma_wait3A_283] : memref<8388672xf32, #tpu.memory_space<hbm>> -> memref<4096xf32, #tpu.memory_space<hbm>>
      tpu.wait_dma2 semaphore(%arg20 : memref<!tpu.dma_semaphore, #tpu.memory_space<semaphore_mem>>) src(%dma_wait3A_284 : memref<4096xf32, #tpu.memory_space<hbm>>) dst(%arg11 : memref<4096xf32, #tpu.memory_space<vmem>>)
    }
    %while3A_240 = arith.constant 1 : i32
    scf.for %while3A_279 = %while3A_238 to %while3A_234 step %while3A_240  : i32 {
      %mul3A_280 = arith.muli %while3A_279, %while3A_230 : i32
      %add3A_281 = arith.addi %while3A_231, %mul3A_280 : i32
      %dma_wait3A = arith.constant 0 : i32
      %dma_wait3A_282 = tpu.memref_slice %arg5[%dma_wait3A] : memref<8388672xf32, #tpu.memory_space<hbm>> -> memref<4096xf32, #tpu.memory_space<hbm>>
      %dma_wait3A_283 = arith.constant 0 : i32
      %dma_wait3A_284 = tpu.memref_slice %arg5[%dma_wait3A_283] : memref<8388672xf32, #tpu.memory_space<hbm>> -> memref<4096xf32, #tpu.memory_space<hbm>>
      tpu.wait_dma2 semaphore(%arg20 : memref<!tpu.dma_semaphore, #tpu.memory_space<semaphore_mem>>) src(%dma_wait3A_284 : memref<4096xf32, #tpu.memory_space<hbm>>) dst(%arg11 : memref<4096xf32, #tpu.memory_space<vmem>>)
    }
    %sub3A_241 = arith.constant 0 : i32
    %sub3A_242 = arith.subi %shift_right_arithmetic3A_127, %sub3A_241 : i32
    %sub3A_243 = arith.constant 1 : i32
    %sub3A_244 = arith.constant 1 : i32
    %sub3A_245 = arith.subi %sub3A_243, %sub3A_244 : i32
    %add3A_246 = arith.addi %sub3A_242, %sub3A_245 : i32
    %div3A_247 = arith.constant 1 : i32
    %div3A_248 = arith.divsi %add3A_246, %div3A_247 : i32
    %while3A_249 = arith.constant 1 : i32
    %while3A_250 = arith.constant 0 : i32
    %while3A_251 = arith.constant 0 : i32
    %while3A_252 = arith.subi %div3A_248, %while3A_251 : i32
    %while3A_253 = arith.addi %while3A_251, %while3A_252 : i32
    %while3A_254 = arith.constant 1 : i32
    %while3A_255 = arith.divsi %while3A_252, %while3A_254 : i32
    %while3A_256 = arith.muli %while3A_255, %while3A_254 : i32
    %while3A_257 = arith.addi %while3A_251, %while3A_256 : i32
    %while3A_258 = arith.constant 1 : i32
    scf.for %while3A_279 = %while3A_251 to %while3A_257 step %while3A_258  : i32 {
      %mul3A_280 = arith.muli %while3A_279, %while3A_249 : i32
      %add3A_281 = arith.addi %while3A_250, %mul3A_280 : i32
      %dma_wait3A = arith.constant 0 : i32
      %dma_wait3A_282 = tpu.memref_slice %arg11[%dma_wait3A] : memref<4096xf32, #tpu.memory_space<vmem>> -> memref<256xf32, #tpu.memory_space<vmem>>
      %dma_wait3A_283 = arith.constant 0 : i32
      %dma_wait3A_284 = tpu.memref_slice %arg5[%dma_wait3A_283] : memref<8388672xf32, #tpu.memory_space<hbm>> -> memref<256xf32, #tpu.memory_space<hbm>>
      %dma_wait3A_285 = arith.constant 0 : i32
      %dma_wait3A_286 = tpu.memref_slice %arg11[%dma_wait3A_285] : memref<4096xf32, #tpu.memory_space<vmem>> -> memref<256xf32, #tpu.memory_space<vmem>>
      %dma_wait3A_287 = arith.constant 0 : i32
      %dma_wait3A_288 = tpu.memref_slice %arg5[%dma_wait3A_287] : memref<8388672xf32, #tpu.memory_space<hbm>> -> memref<256xf32, #tpu.memory_space<hbm>>
      tpu.wait_dma2 semaphore(%arg20 : memref<!tpu.dma_semaphore, #tpu.memory_space<semaphore_mem>>) src(%dma_wait3A_288 : memref<256xf32, #tpu.memory_space<hbm>>) dst(%dma_wait3A_286 : memref<256xf32, #tpu.memory_space<vmem>>)
    }
    %while3A_259 = arith.constant 1 : i32
    scf.for %while3A_279 = %while3A_257 to %while3A_253 step %while3A_259  : i32 {
      %mul3A_280 = arith.muli %while3A_279, %while3A_249 : i32
      %add3A_281 = arith.addi %while3A_250, %mul3A_280 : i32
      %dma_wait3A = arith.constant 0 : i32
      %dma_wait3A_282 = tpu.memref_slice %arg11[%dma_wait3A] : memref<4096xf32, #tpu.memory_space<vmem>> -> memref<256xf32, #tpu.memory_space<vmem>>
      %dma_wait3A_283 = arith.constant 0 : i32
      %dma_wait3A_284 = tpu.memref_slice %arg5[%dma_wait3A_283] : memref<8388672xf32, #tpu.memory_space<hbm>> -> memref<256xf32, #tpu.memory_space<hbm>>
      %dma_wait3A_285 = arith.constant 0 : i32
      %dma_wait3A_286 = tpu.memref_slice %arg11[%dma_wait3A_285] : memref<4096xf32, #tpu.memory_space<vmem>> -> memref<256xf32, #tpu.memory_space<vmem>>
      %dma_wait3A_287 = arith.constant 0 : i32
      %dma_wait3A_288 = tpu.memref_slice %arg5[%dma_wait3A_287] : memref<8388672xf32, #tpu.memory_space<hbm>> -> memref<256xf32, #tpu.memory_space<hbm>>
      tpu.wait_dma2 semaphore(%arg20 : memref<!tpu.dma_semaphore, #tpu.memory_space<semaphore_mem>>) src(%dma_wait3A_288 : memref<256xf32, #tpu.memory_space<hbm>>) dst(%dma_wait3A_286 : memref<256xf32, #tpu.memory_space<vmem>>)
    }
    %sub3A_260 = arith.constant 0 : i32
    %sub3A_261 = arith.subi %and3A_151, %sub3A_260 : i32
    %sub3A_262 = arith.constant 1 : i32
    %sub3A_263 = arith.constant 1 : i32
    %sub3A_264 = arith.subi %sub3A_262, %sub3A_263 : i32
    %add3A_265 = arith.addi %sub3A_261, %sub3A_264 : i32
    %div3A_266 = arith.constant 1 : i32
    %div3A_267 = arith.divsi %add3A_265, %div3A_266 : i32
    %while3A_268 = arith.constant 1 : i32
    %while3A_269 = arith.constant 0 : i32
    %while3A_270 = arith.constant 0 : i32
    %while3A_271 = arith.subi %div3A_267, %while3A_270 : i32
    %while3A_272 = arith.addi %while3A_270, %while3A_271 : i32
    %while3A_273 = arith.constant 1 : i32
    %while3A_274 = arith.divsi %while3A_271, %while3A_273 : i32
    %while3A_275 = arith.muli %while3A_274, %while3A_273 : i32
    %while3A_276 = arith.addi %while3A_270, %while3A_275 : i32
    %while3A_277 = arith.constant 1 : i32
    scf.for %while3A_279 = %while3A_270 to %while3A_276 step %while3A_277  : i32 {
      %mul3A_280 = arith.muli %while3A_279, %while3A_268 : i32
      %add3A_281 = arith.addi %while3A_269, %mul3A_280 : i32
      %dma_wait3A = arith.constant 0 : i32
      %dma_wait3A_282 = tpu.memref_slice %arg5[%dma_wait3A] : memref<8388672xf32, #tpu.memory_space<hbm>> -> memref<16xf32, #tpu.memory_space<hbm>>
      %dma_wait3A_283 = arith.constant 0 : i32
      %dma_wait3A_284 = tpu.memref_slice %arg5[%dma_wait3A_283] : memref<8388672xf32, #tpu.memory_space<hbm>> -> memref<16xf32, #tpu.memory_space<hbm>>
      tpu.wait_dma2 semaphore(%arg20 : memref<!tpu.dma_semaphore, #tpu.memory_space<semaphore_mem>>) src(%dma_wait3A_284 : memref<16xf32, #tpu.memory_space<hbm>>) dst(%arg14 : memref<16xf32, #tpu.memory_space<vmem>>)
    }
    %while3A_278 = arith.constant 1 : i32
    scf.for %while3A_279 = %while3A_276 to %while3A_272 step %while3A_278  : i32 {
      %mul3A_280 = arith.muli %while3A_279, %while3A_268 : i32
      %add3A_281 = arith.addi %while3A_269, %mul3A_280 : i32
      %dma_wait3A = arith.constant 0 : i32
      %dma_wait3A_282 = tpu.memref_slice %arg5[%dma_wait3A] : memref<8388672xf32, #tpu.memory_space<hbm>> -> memref<16xf32, #tpu.memory_space<hbm>>
      %dma_wait3A_283 = arith.constant 0 : i32
      %dma_wait3A_284 = tpu.memref_slice %arg5[%dma_wait3A_283] : memref<8388672xf32, #tpu.memory_space<hbm>> -> memref<16xf32, #tpu.memory_space<hbm>>
      tpu.wait_dma2 semaphore(%arg20 : memref<!tpu.dma_semaphore, #tpu.memory_space<semaphore_mem>>) src(%dma_wait3A_284 : memref<16xf32, #tpu.memory_space<hbm>>) dst(%arg14 : memref<16xf32, #tpu.memory_space<vmem>>)
    }
    return
  }
}

#map = affine_map<(d0, d1) -> (0)>
#map1 = affine_map<(d0, d1) -> (0, 0)>
module attributes {stable_mosaic.version = 14 : i64} {
  func.func @count_k(%arg0: i32, %arg1: i32, %arg2: memref<2097152xi32, #tpu.memory_space<hbm>>, %arg3: memref<32x16xi32, #tpu.memory_space<hbm>>, %arg4: memref<4096xi32, #tpu.memory_space<vmem>>, %arg5: memref<4096xi32, #tpu.memory_space<vmem>>, %arg6: memref<16xi32, #tpu.memory_space<vmem>>, %arg7: memref<!tpu.dma_semaphore, #tpu.memory_space<semaphore_mem>>, %arg8: memref<!tpu.dma_semaphore, #tpu.memory_space<semaphore_mem>>) attributes {dimension_semantics = [#tpu.dimension_semantics<core_parallel>, #tpu.dimension_semantics<subcore_parallel>], iteration_bounds = array<i64: 2, 16>, scalar_prefetch = 0 : i64, scratch_operands = 5 : i64, tpu.core_type = #tpu.core_type<sc_vector_subcore>, window_params = [{transform_indices = #map}, {transform_indices = #map1}]} {
    %mul3A = arith.constant 2 : i32
    %mul3A_0 = arith.muli %arg1, %mul3A : i32
    %add3A = arith.addi %mul3A_0, %arg0 : i32
    %mul3A_1 = arith.constant 65536 : i32
    %mul3A_2 = arith.muli %add3A, %mul3A_1 : i32
    %multiple_of3A = tpu.assume_multiple %mul3A_2, 4096 : i32
    %dma_start3A = tpu.memref_slice %arg2[%multiple_of3A] : memref<2097152xi32, #tpu.memory_space<hbm>> -> memref<4096xi32, #tpu.memory_space<hbm>>
    %dma_start3A_3 = tpu.memref_slice %arg2[%multiple_of3A] : memref<2097152xi32, #tpu.memory_space<hbm>> -> memref<4096xi32, #tpu.memory_space<hbm>>
    tpu.enqueue_dma source(%dma_start3A_3 : memref<4096xi32, #tpu.memory_space<hbm>>) target(%arg4 : memref<4096xi32, #tpu.memory_space<vmem>>) target_semaphore(%arg7 : memref<!tpu.dma_semaphore, #tpu.memory_space<semaphore_mem>>)
    %broadcast_in_dim3A = arith.constant 0 : i32
    %broadcast_in_dim3A_4 = vector.broadcast %broadcast_in_dim3A : i32 to vector<16xi32>
    %scan3A = arith.constant 0 : i32
    %scan3A_5 = arith.constant 8 : i32
    %scan3A_6 = arith.addi %scan3A, %scan3A_5 : i32
    %scan3A_7 = arith.constant 1 : i32
    %scan3A_8 = scf.for %scan3A_15 = %scan3A to %scan3A_6 step %scan3A_7 iter_args(%scan3A_16 = %broadcast_in_dim3A_4) -> (vector<16xi32>)  : i32 {
      %mul3A_17 = arith.constant 2 : i32
      %mul3A_18 = arith.muli %mul3A_17, %scan3A_15 : i32
      %add3A_19 = arith.constant 1 : i32
      %add3A_20 = arith.addi %mul3A_18, %add3A_19 : i32
      %lt3A = arith.constant 16 : i32
      %lt3A_21 = arith.cmpi slt, %add3A_20, %lt3A : i32
      %convert_element_type3A = arith.extui %lt3A_21 : i1 to i32
      %cond3A = arith.constant 0 : i32
      %cond3A_22 = arith.cmpi ne, %convert_element_type3A, %cond3A : i32
      scf.if %cond3A_22 {
        %add3A_53 = arith.constant 1 : i32
        %add3A_54 = arith.addi %mul3A_18, %add3A_53 : i32
        %mul3A_55 = arith.constant 4096 : i32
        %mul3A_56 = arith.muli %add3A_54, %mul3A_55 : i32
        %add3A_57 = arith.addi %mul3A_2, %mul3A_56 : i32
        %multiple_of3A_58 = tpu.assume_multiple %add3A_57, 4096 : i32
        %dma_start3A_59 = tpu.memref_slice %arg2[%multiple_of3A_58] : memref<2097152xi32, #tpu.memory_space<hbm>> -> memref<4096xi32, #tpu.memory_space<hbm>>
        %dma_start3A_60 = tpu.memref_slice %arg2[%multiple_of3A_58] : memref<2097152xi32, #tpu.memory_space<hbm>> -> memref<4096xi32, #tpu.memory_space<hbm>>
        tpu.enqueue_dma source(%dma_start3A_60 : memref<4096xi32, #tpu.memory_space<hbm>>) target(%arg5 : memref<4096xi32, #tpu.memory_space<vmem>>) target_semaphore(%arg8 : memref<!tpu.dma_semaphore, #tpu.memory_space<semaphore_mem>>)
      } else {
      }
      %dma_wait3A = arith.constant 0 : i32
      %dma_wait3A_23 = tpu.memref_slice %arg2[%dma_wait3A] : memref<2097152xi32, #tpu.memory_space<hbm>> -> memref<4096xi32, #tpu.memory_space<hbm>>
      %dma_wait3A_24 = arith.constant 0 : i32
      %dma_wait3A_25 = tpu.memref_slice %arg2[%dma_wait3A_24] : memref<2097152xi32, #tpu.memory_space<hbm>> -> memref<4096xi32, #tpu.memory_space<hbm>>
      tpu.wait_dma2 semaphore(%arg7 : memref<!tpu.dma_semaphore, #tpu.memory_space<semaphore_mem>>) src(%dma_wait3A_25 : memref<4096xi32, #tpu.memory_space<hbm>>) dst(%arg4 : memref<4096xi32, #tpu.memory_space<vmem>>)
      %scan3A_26 = arith.constant 0 : i32
      %scan3A_27 = arith.constant 256 : i32
      %scan3A_28 = arith.addi %scan3A_26, %scan3A_27 : i32
      %scan3A_29 = arith.constant 8 : i32
      %scan3A_30 = scf.for %scan3A_53 = %scan3A_26 to %scan3A_28 step %scan3A_29 iter_args(%scan3A_54 = %scan3A_16) -> (vector<16xi32>)  : i32 {
        %mul3A_55 = arith.constant 1 : i32
        %mul3A_56 = arith.muli %scan3A_53, %mul3A_55 : i32
        %add3A_57 = arith.constant 0 : i32
        %add3A_58 = arith.addi %add3A_57, %mul3A_56 : i32
        %mul3A_59 = arith.constant 16 : i32
        %mul3A_60 = arith.muli %add3A_58, %mul3A_59 : i32
        %get3A = arith.index_cast %mul3A_60 : i32 to index
        %get3A_61 = tpu.vector_load %arg4[%get3A] {strides = array<i32>} : memref<4096xi32, #tpu.memory_space<vmem>>, vector<16xi32>,
        %mul3A_62 = arith.constant 16843009 : i32
        %mul3A_63 = vector.broadcast %mul3A_62 : i32 to vector<16xi32>
        %mul3A_64 = arith.muli %get3A_61, %mul3A_63 : vector<16xi32>
        %shift_right_logical3A = arith.constant 24 : i32
        %shift_right_logical3A_65 = vector.broadcast %shift_right_logical3A : i32 to vector<16xi32>
        %shift_right_logical3A_66 = arith.shrui %mul3A_64, %shift_right_logical3A_65 : vector<16xi32>
        %add3A_67 = arith.addi %scan3A_54, %shift_right_logical3A_66 : vector<16xi32>
        %scan3A_68 = arith.constant 1 : i32
        %scan3A_69 = arith.addi %scan3A_53, %scan3A_68 : i32
        %mul3A_70 = arith.constant 1 : i32
        %mul3A_71 = arith.muli %scan3A_69, %mul3A_70 : i32
        %add3A_72 = arith.constant 0 : i32
        %add3A_73 = arith.addi %add3A_72, %mul3A_71 : i32
        %mul3A_74 = arith.constant 16 : i32
        %mul3A_75 = arith.muli %add3A_73, %mul3A_74 : i32
        %get3A_76 = arith.index_cast %mul3A_75 : i32 to index
        %get3A_77 = tpu.vector_load %arg4[%get3A_76] {strides = array<i32>} : memref<4096xi32, #tpu.memory_space<vmem>>, vector<16xi32>,
        %mul3A_78 = arith.constant 16843009 : i32
        %mul3A_79 = vector.broadcast %mul3A_78 : i32 to vector<16xi32>
        %mul3A_80 = arith.muli %get3A_77, %mul3A_79 : vector<16xi32>
        %shift_right_logical3A_81 = arith.constant 24 : i32
        %shift_right_logical3A_82 = vector.broadcast %shift_right_logical3A_81 : i32 to vector<16xi32>
        %shift_right_logical3A_83 = arith.shrui %mul3A_80, %shift_right_logical3A_82 : vector<16xi32>
        %add3A_84 = arith.addi %add3A_67, %shift_right_logical3A_83 : vector<16xi32>
        %scan3A_85 = arith.constant 2 : i32
        %scan3A_86 = arith.addi %scan3A_53, %scan3A_85 : i32
        %mul3A_87 = arith.constant 1 : i32
        %mul3A_88 = arith.muli %scan3A_86, %mul3A_87 : i32
        %add3A_89 = arith.constant 0 : i32
        %add3A_90 = arith.addi %add3A_89, %mul3A_88 : i32
        %mul3A_91 = arith.constant 16 : i32
        %mul3A_92 = arith.muli %add3A_90, %mul3A_91 : i32
        %get3A_93 = arith.index_cast %mul3A_92 : i32 to index
        %get3A_94 = tpu.vector_load %arg4[%get3A_93] {strides = array<i32>} : memref<4096xi32, #tpu.memory_space<vmem>>, vector<16xi32>,
        %mul3A_95 = arith.constant 16843009 : i32
        %mul3A_96 = vector.broadcast %mul3A_95 : i32 to vector<16xi32>
        %mul3A_97 = arith.muli %get3A_94, %mul3A_96 : vector<16xi32>
        %shift_right_logical3A_98 = arith.constant 24 : i32
        %shift_right_logical3A_99 = vector.broadcast %shift_right_logical3A_98 : i32 to vector<16xi32>
        %shift_right_logical3A_100 = arith.shrui %mul3A_97, %shift_right_logical3A_99 : vector<16xi32>
        %add3A_101 = arith.addi %add3A_84, %shift_right_logical3A_100 : vector<16xi32>
        %scan3A_102 = arith.constant 3 : i32
        %scan3A_103 = arith.addi %scan3A_53, %scan3A_102 : i32
        %mul3A_104 = arith.constant 1 : i32
        %mul3A_105 = arith.muli %scan3A_103, %mul3A_104 : i32
        %add3A_106 = arith.constant 0 : i32
        %add3A_107 = arith.addi %add3A_106, %mul3A_105 : i32
        %mul3A_108 = arith.constant 16 : i32
        %mul3A_109 = arith.muli %add3A_107, %mul3A_108 : i32
        %get3A_110 = arith.index_cast %mul3A_109 : i32 to index
        %get3A_111 = tpu.vector_load %arg4[%get3A_110] {strides = array<i32>} : memref<4096xi32, #tpu.memory_space<vmem>>, vector<16xi32>,
        %mul3A_112 = arith.constant 16843009 : i32
        %mul3A_113 = vector.broadcast %mul3A_112 : i32 to vector<16xi32>
        %mul3A_114 = arith.muli %get3A_111, %mul3A_113 : vector<16xi32>
        %shift_right_logical3A_115 = arith.constant 24 : i32
        %shift_right_logical3A_116 = vector.broadcast %shift_right_logical3A_115 : i32 to vector<16xi32>
        %shift_right_logical3A_117 = arith.shrui %mul3A_114, %shift_right_logical3A_116 : vector<16xi32>
        %add3A_118 = arith.addi %add3A_101, %shift_right_logical3A_117 : vector<16xi32>
        %scan3A_119 = arith.constant 4 : i32
        %scan3A_120 = arith.addi %scan3A_53, %scan3A_119 : i32
        %mul3A_121 = arith.constant 1 : i32
        %mul3A_122 = arith.muli %scan3A_120, %mul3A_121 : i32
        %add3A_123 = arith.constant 0 : i32
        %add3A_124 = arith.addi %add3A_123, %mul3A_122 : i32
        %mul3A_125 = arith.constant 16 : i32
        %mul3A_126 = arith.muli %add3A_124, %mul3A_125 : i32
        %get3A_127 = arith.index_cast %mul3A_126 : i32 to index
        %get3A_128 = tpu.vector_load %arg4[%get3A_127] {strides = array<i32>} : memref<4096xi32, #tpu.memory_space<vmem>>, vector<16xi32>,
        %mul3A_129 = arith.constant 16843009 : i32
        %mul3A_130 = vector.broadcast %mul3A_129 : i32 to vector<16xi32>
        %mul3A_131 = arith.muli %get3A_128, %mul3A_130 : vector<16xi32>
        %shift_right_logical3A_132 = arith.constant 24 : i32
        %shift_right_logical3A_133 = vector.broadcast %shift_right_logical3A_132 : i32 to vector<16xi32>
        %shift_right_logical3A_134 = arith.shrui %mul3A_131, %shift_right_logical3A_133 : vector<16xi32>
        %add3A_135 = arith.addi %add3A_118, %shift_right_logical3A_134 : vector<16xi32>
        %scan3A_136 = arith.constant 5 : i32
        %scan3A_137 = arith.addi %scan3A_53, %scan3A_136 : i32
        %mul3A_138 = arith.constant 1 : i32
        %mul3A_139 = arith.muli %scan3A_137, %mul3A_138 : i32
        %add3A_140 = arith.constant 0 : i32
        %add3A_141 = arith.addi %add3A_140, %mul3A_139 : i32
        %mul3A_142 = arith.constant 16 : i32
        %mul3A_143 = arith.muli %add3A_141, %mul3A_142 : i32
        %get3A_144 = arith.index_cast %mul3A_143 : i32 to index
        %get3A_145 = tpu.vector_load %arg4[%get3A_144] {strides = array<i32>} : memref<4096xi32, #tpu.memory_space<vmem>>, vector<16xi32>,
        %mul3A_146 = arith.constant 16843009 : i32
        %mul3A_147 = vector.broadcast %mul3A_146 : i32 to vector<16xi32>
        %mul3A_148 = arith.muli %get3A_145, %mul3A_147 : vector<16xi32>
        %shift_right_logical3A_149 = arith.constant 24 : i32
        %shift_right_logical3A_150 = vector.broadcast %shift_right_logical3A_149 : i32 to vector<16xi32>
        %shift_right_logical3A_151 = arith.shrui %mul3A_148, %shift_right_logical3A_150 : vector<16xi32>
        %add3A_152 = arith.addi %add3A_135, %shift_right_logical3A_151 : vector<16xi32>
        %scan3A_153 = arith.constant 6 : i32
        %scan3A_154 = arith.addi %scan3A_53, %scan3A_153 : i32
        %mul3A_155 = arith.constant 1 : i32
        %mul3A_156 = arith.muli %scan3A_154, %mul3A_155 : i32
        %add3A_157 = arith.constant 0 : i32
        %add3A_158 = arith.addi %add3A_157, %mul3A_156 : i32
        %mul3A_159 = arith.constant 16 : i32
        %mul3A_160 = arith.muli %add3A_158, %mul3A_159 : i32
        %get3A_161 = arith.index_cast %mul3A_160 : i32 to index
        %get3A_162 = tpu.vector_load %arg4[%get3A_161] {strides = array<i32>} : memref<4096xi32, #tpu.memory_space<vmem>>, vector<16xi32>,
        %mul3A_163 = arith.constant 16843009 : i32
        %mul3A_164 = vector.broadcast %mul3A_163 : i32 to vector<16xi32>
        %mul3A_165 = arith.muli %get3A_162, %mul3A_164 : vector<16xi32>
        %shift_right_logical3A_166 = arith.constant 24 : i32
        %shift_right_logical3A_167 = vector.broadcast %shift_right_logical3A_166 : i32 to vector<16xi32>
        %shift_right_logical3A_168 = arith.shrui %mul3A_165, %shift_right_logical3A_167 : vector<16xi32>
        %add3A_169 = arith.addi %add3A_152, %shift_right_logical3A_168 : vector<16xi32>
        %scan3A_170 = arith.constant 7 : i32
        %scan3A_171 = arith.addi %scan3A_53, %scan3A_170 : i32
        %mul3A_172 = arith.constant 1 : i32
        %mul3A_173 = arith.muli %scan3A_171, %mul3A_172 : i32
        %add3A_174 = arith.constant 0 : i32
        %add3A_175 = arith.addi %add3A_174, %mul3A_173 : i32
        %mul3A_176 = arith.constant 16 : i32
        %mul3A_177 = arith.muli %add3A_175, %mul3A_176 : i32
        %get3A_178 = arith.index_cast %mul3A_177 : i32 to index
        %get3A_179 = tpu.vector_load %arg4[%get3A_178] {strides = array<i32>} : memref<4096xi32, #tpu.memory_space<vmem>>, vector<16xi32>,
        %mul3A_180 = arith.constant 16843009 : i32
        %mul3A_181 = vector.broadcast %mul3A_180 : i32 to vector<16xi32>
        %mul3A_182 = arith.muli %get3A_179, %mul3A_181 : vector<16xi32>
        %shift_right_logical3A_183 = arith.constant 24 : i32
        %shift_right_logical3A_184 = vector.broadcast %shift_right_logical3A_183 : i32 to vector<16xi32>
        %shift_right_logical3A_185 = arith.shrui %mul3A_182, %shift_right_logical3A_184 : vector<16xi32>
        %add3A_186 = arith.addi %add3A_169, %shift_right_logical3A_185 : vector<16xi32>
        scf.yield %add3A_186 : vector<16xi32>
      }
      %scan3A_31 = arith.constant 256 : i32
      %mul3A_32 = arith.constant 2 : i32
      %mul3A_33 = arith.muli %mul3A_32, %scan3A_15 : i32
      %add3A_34 = arith.constant 1 : i32
      %add3A_35 = arith.addi %mul3A_33, %add3A_34 : i32
      %add3A_36 = arith.constant 1 : i32
      %add3A_37 = arith.addi %add3A_35, %add3A_36 : i32
      %lt3A_38 = arith.constant 16 : i32
      %lt3A_39 = arith.cmpi slt, %add3A_37, %lt3A_38 : i32
      %convert_element_type3A_40 = arith.extui %lt3A_39 : i1 to i32
      %cond3A_41 = arith.constant 0 : i32
      %cond3A_42 = arith.cmpi ne, %convert_element_type3A_40, %cond3A_41 : i32
      scf.if %cond3A_42 {
        %add3A_53 = arith.constant 1 : i32
        %add3A_54 = arith.addi %add3A_35, %add3A_53 : i32
        %mul3A_55 = arith.constant 4096 : i32
        %mul3A_56 = arith.muli %add3A_54, %mul3A_55 : i32
        %add3A_57 = arith.addi %mul3A_2, %mul3A_56 : i32
        %multiple_of3A_58 = tpu.assume_multiple %add3A_57, 4096 : i32
        %dma_start3A_59 = tpu.memref_slice %arg2[%multiple_of3A_58] : memref<2097152xi32, #tpu.memory_space<hbm>> -> memref<4096xi32, #tpu.memory_space<hbm>>
        %dma_start3A_60 = tpu.memref_slice %arg2[%multiple_of3A_58] : memref<2097152xi32, #tpu.memory_space<hbm>> -> memref<4096xi32, #tpu.memory_space<hbm>>
        tpu.enqueue_dma source(%dma_start3A_60 : memref<4096xi32, #tpu.memory_space<hbm>>) target(%arg4 : memref<4096xi32, #tpu.memory_space<vmem>>) target_semaphore(%arg7 : memref<!tpu.dma_semaphore, #tpu.memory_space<semaphore_mem>>)
      } else {
      }
      %dma_wait3A_43 = arith.constant 0 : i32
      %dma_wait3A_44 = tpu.memref_slice %arg2[%dma_wait3A_43] : memref<2097152xi32, #tpu.memory_space<hbm>> -> memref<4096xi32, #tpu.memory_space<hbm>>
      %dma_wait3A_45 = arith.constant 0 : i32
      %dma_wait3A_46 = tpu.memref_slice %arg2[%dma_wait3A_45] : memref<2097152xi32, #tpu.memory_space<hbm>> -> memref<4096xi32, #tpu.memory_space<hbm>>
      tpu.wait_dma2 semaphore(%arg8 : memref<!tpu.dma_semaphore, #tpu.memory_space<semaphore_mem>>) src(%dma_wait3A_46 : memref<4096xi32, #tpu.memory_space<hbm>>) dst(%arg5 : memref<4096xi32, #tpu.memory_space<vmem>>)
      %scan3A_47 = arith.constant 0 : i32
      %scan3A_48 = arith.constant 256 : i32
      %scan3A_49 = arith.addi %scan3A_47, %scan3A_48 : i32
      %scan3A_50 = arith.constant 8 : i32
      %scan3A_51 = scf.for %scan3A_53 = %scan3A_47 to %scan3A_49 step %scan3A_50 iter_args(%scan3A_54 = %scan3A_30) -> (vector<16xi32>)  : i32 {
        %mul3A_55 = arith.constant 1 : i32
        %mul3A_56 = arith.muli %scan3A_53, %mul3A_55 : i32
        %add3A_57 = arith.constant 0 : i32
        %add3A_58 = arith.addi %add3A_57, %mul3A_56 : i32
        %mul3A_59 = arith.constant 16 : i32
        %mul3A_60 = arith.muli %add3A_58, %mul3A_59 : i32
        %get3A = arith.index_cast %mul3A_60 : i32 to index
        %get3A_61 = tpu.vector_load %arg5[%get3A] {strides = array<i32>} : memref<4096xi32, #tpu.memory_space<vmem>>, vector<16xi32>,
        %mul3A_62 = arith.constant 16843009 : i32
        %mul3A_63 = vector.broadcast %mul3A_62 : i32 to vector<16xi32>
        %mul3A_64 = arith.muli %get3A_61, %mul3A_63 : vector<16xi32>
        %shift_right_logical3A = arith.constant 24 : i32
        %shift_right_logical3A_65 = vector.broadcast %shift_right_logical3A : i32 to vector<16xi32>
        %shift_right_logical3A_66 = arith.shrui %mul3A_64, %shift_right_logical3A_65 : vector<16xi32>
        %add3A_67 = arith.addi %scan3A_54, %shift_right_logical3A_66 : vector<16xi32>
        %scan3A_68 = arith.constant 1 : i32
        %scan3A_69 = arith.addi %scan3A_53, %scan3A_68 : i32
        %mul3A_70 = arith.constant 1 : i32
        %mul3A_71 = arith.muli %scan3A_69, %mul3A_70 : i32
        %add3A_72 = arith.constant 0 : i32
        %add3A_73 = arith.addi %add3A_72, %mul3A_71 : i32
        %mul3A_74 = arith.constant 16 : i32
        %mul3A_75 = arith.muli %add3A_73, %mul3A_74 : i32
        %get3A_76 = arith.index_cast %mul3A_75 : i32 to index
        %get3A_77 = tpu.vector_load %arg5[%get3A_76] {strides = array<i32>} : memref<4096xi32, #tpu.memory_space<vmem>>, vector<16xi32>,
        %mul3A_78 = arith.constant 16843009 : i32
        %mul3A_79 = vector.broadcast %mul3A_78 : i32 to vector<16xi32>
        %mul3A_80 = arith.muli %get3A_77, %mul3A_79 : vector<16xi32>
        %shift_right_logical3A_81 = arith.constant 24 : i32
        %shift_right_logical3A_82 = vector.broadcast %shift_right_logical3A_81 : i32 to vector<16xi32>
        %shift_right_logical3A_83 = arith.shrui %mul3A_80, %shift_right_logical3A_82 : vector<16xi32>
        %add3A_84 = arith.addi %add3A_67, %shift_right_logical3A_83 : vector<16xi32>
        %scan3A_85 = arith.constant 2 : i32
        %scan3A_86 = arith.addi %scan3A_53, %scan3A_85 : i32
        %mul3A_87 = arith.constant 1 : i32
        %mul3A_88 = arith.muli %scan3A_86, %mul3A_87 : i32
        %add3A_89 = arith.constant 0 : i32
        %add3A_90 = arith.addi %add3A_89, %mul3A_88 : i32
        %mul3A_91 = arith.constant 16 : i32
        %mul3A_92 = arith.muli %add3A_90, %mul3A_91 : i32
        %get3A_93 = arith.index_cast %mul3A_92 : i32 to index
        %get3A_94 = tpu.vector_load %arg5[%get3A_93] {strides = array<i32>} : memref<4096xi32, #tpu.memory_space<vmem>>, vector<16xi32>,
        %mul3A_95 = arith.constant 16843009 : i32
        %mul3A_96 = vector.broadcast %mul3A_95 : i32 to vector<16xi32>
        %mul3A_97 = arith.muli %get3A_94, %mul3A_96 : vector<16xi32>
        %shift_right_logical3A_98 = arith.constant 24 : i32
        %shift_right_logical3A_99 = vector.broadcast %shift_right_logical3A_98 : i32 to vector<16xi32>
        %shift_right_logical3A_100 = arith.shrui %mul3A_97, %shift_right_logical3A_99 : vector<16xi32>
        %add3A_101 = arith.addi %add3A_84, %shift_right_logical3A_100 : vector<16xi32>
        %scan3A_102 = arith.constant 3 : i32
        %scan3A_103 = arith.addi %scan3A_53, %scan3A_102 : i32
        %mul3A_104 = arith.constant 1 : i32
        %mul3A_105 = arith.muli %scan3A_103, %mul3A_104 : i32
        %add3A_106 = arith.constant 0 : i32
        %add3A_107 = arith.addi %add3A_106, %mul3A_105 : i32
        %mul3A_108 = arith.constant 16 : i32
        %mul3A_109 = arith.muli %add3A_107, %mul3A_108 : i32
        %get3A_110 = arith.index_cast %mul3A_109 : i32 to index
        %get3A_111 = tpu.vector_load %arg5[%get3A_110] {strides = array<i32>} : memref<4096xi32, #tpu.memory_space<vmem>>, vector<16xi32>,
        %mul3A_112 = arith.constant 16843009 : i32
        %mul3A_113 = vector.broadcast %mul3A_112 : i32 to vector<16xi32>
        %mul3A_114 = arith.muli %get3A_111, %mul3A_113 : vector<16xi32>
        %shift_right_logical3A_115 = arith.constant 24 : i32
        %shift_right_logical3A_116 = vector.broadcast %shift_right_logical3A_115 : i32 to vector<16xi32>
        %shift_right_logical3A_117 = arith.shrui %mul3A_114, %shift_right_logical3A_116 : vector<16xi32>
        %add3A_118 = arith.addi %add3A_101, %shift_right_logical3A_117 : vector<16xi32>
        %scan3A_119 = arith.constant 4 : i32
        %scan3A_120 = arith.addi %scan3A_53, %scan3A_119 : i32
        %mul3A_121 = arith.constant 1 : i32
        %mul3A_122 = arith.muli %scan3A_120, %mul3A_121 : i32
        %add3A_123 = arith.constant 0 : i32
        %add3A_124 = arith.addi %add3A_123, %mul3A_122 : i32
        %mul3A_125 = arith.constant 16 : i32
        %mul3A_126 = arith.muli %add3A_124, %mul3A_125 : i32
        %get3A_127 = arith.index_cast %mul3A_126 : i32 to index
        %get3A_128 = tpu.vector_load %arg5[%get3A_127] {strides = array<i32>} : memref<4096xi32, #tpu.memory_space<vmem>>, vector<16xi32>,
        %mul3A_129 = arith.constant 16843009 : i32
        %mul3A_130 = vector.broadcast %mul3A_129 : i32 to vector<16xi32>
        %mul3A_131 = arith.muli %get3A_128, %mul3A_130 : vector<16xi32>
        %shift_right_logical3A_132 = arith.constant 24 : i32
        %shift_right_logical3A_133 = vector.broadcast %shift_right_logical3A_132 : i32 to vector<16xi32>
        %shift_right_logical3A_134 = arith.shrui %mul3A_131, %shift_right_logical3A_133 : vector<16xi32>
        %add3A_135 = arith.addi %add3A_118, %shift_right_logical3A_134 : vector<16xi32>
        %scan3A_136 = arith.constant 5 : i32
        %scan3A_137 = arith.addi %scan3A_53, %scan3A_136 : i32
        %mul3A_138 = arith.constant 1 : i32
        %mul3A_139 = arith.muli %scan3A_137, %mul3A_138 : i32
        %add3A_140 = arith.constant 0 : i32
        %add3A_141 = arith.addi %add3A_140, %mul3A_139 : i32
        %mul3A_142 = arith.constant 16 : i32
        %mul3A_143 = arith.muli %add3A_141, %mul3A_142 : i32
        %get3A_144 = arith.index_cast %mul3A_143 : i32 to index
        %get3A_145 = tpu.vector_load %arg5[%get3A_144] {strides = array<i32>} : memref<4096xi32, #tpu.memory_space<vmem>>, vector<16xi32>,
        %mul3A_146 = arith.constant 16843009 : i32
        %mul3A_147 = vector.broadcast %mul3A_146 : i32 to vector<16xi32>
        %mul3A_148 = arith.muli %get3A_145, %mul3A_147 : vector<16xi32>
        %shift_right_logical3A_149 = arith.constant 24 : i32
        %shift_right_logical3A_150 = vector.broadcast %shift_right_logical3A_149 : i32 to vector<16xi32>
        %shift_right_logical3A_151 = arith.shrui %mul3A_148, %shift_right_logical3A_150 : vector<16xi32>
        %add3A_152 = arith.addi %add3A_135, %shift_right_logical3A_151 : vector<16xi32>
        %scan3A_153 = arith.constant 6 : i32
        %scan3A_154 = arith.addi %scan3A_53, %scan3A_153 : i32
        %mul3A_155 = arith.constant 1 : i32
        %mul3A_156 = arith.muli %scan3A_154, %mul3A_155 : i32
        %add3A_157 = arith.constant 0 : i32
        %add3A_158 = arith.addi %add3A_157, %mul3A_156 : i32
        %mul3A_159 = arith.constant 16 : i32
        %mul3A_160 = arith.muli %add3A_158, %mul3A_159 : i32
        %get3A_161 = arith.index_cast %mul3A_160 : i32 to index
        %get3A_162 = tpu.vector_load %arg5[%get3A_161] {strides = array<i32>} : memref<4096xi32, #tpu.memory_space<vmem>>, vector<16xi32>,
        %mul3A_163 = arith.constant 16843009 : i32
        %mul3A_164 = vector.broadcast %mul3A_163 : i32 to vector<16xi32>
        %mul3A_165 = arith.muli %get3A_162, %mul3A_164 : vector<16xi32>
        %shift_right_logical3A_166 = arith.constant 24 : i32
        %shift_right_logical3A_167 = vector.broadcast %shift_right_logical3A_166 : i32 to vector<16xi32>
        %shift_right_logical3A_168 = arith.shrui %mul3A_165, %shift_right_logical3A_167 : vector<16xi32>
        %add3A_169 = arith.addi %add3A_152, %shift_right_logical3A_168 : vector<16xi32>
        %scan3A_170 = arith.constant 7 : i32
        %scan3A_171 = arith.addi %scan3A_53, %scan3A_170 : i32
        %mul3A_172 = arith.constant 1 : i32
        %mul3A_173 = arith.muli %scan3A_171, %mul3A_172 : i32
        %add3A_174 = arith.constant 0 : i32
        %add3A_175 = arith.addi %add3A_174, %mul3A_173 : i32
        %mul3A_176 = arith.constant 16 : i32
        %mul3A_177 = arith.muli %add3A_175, %mul3A_176 : i32
        %get3A_178 = arith.index_cast %mul3A_177 : i32 to index
        %get3A_179 = tpu.vector_load %arg5[%get3A_178] {strides = array<i32>} : memref<4096xi32, #tpu.memory_space<vmem>>, vector<16xi32>,
        %mul3A_180 = arith.constant 16843009 : i32
        %mul3A_181 = vector.broadcast %mul3A_180 : i32 to vector<16xi32>
        %mul3A_182 = arith.muli %get3A_179, %mul3A_181 : vector<16xi32>
        %shift_right_logical3A_183 = arith.constant 24 : i32
        %shift_right_logical3A_184 = vector.broadcast %shift_right_logical3A_183 : i32 to vector<16xi32>
        %shift_right_logical3A_185 = arith.shrui %mul3A_182, %shift_right_logical3A_184 : vector<16xi32>
        %add3A_186 = arith.addi %add3A_169, %shift_right_logical3A_185 : vector<16xi32>
        scf.yield %add3A_186 : vector<16xi32>
      }
      %scan3A_52 = arith.constant 256 : i32
      scf.yield %scan3A_51 : vector<16xi32>
    }
    %scan3A_9 = arith.constant 8 : i32
    %reduce_sum3A = arith.constant true
    %reduce_sum3A_10 = vector.broadcast %reduce_sum3A : i1 to vector<16xi1>
    %reduce_sum3A_11 = tpu.scan <sum>, %scan3A_8 masked %reduce_sum3A_10 : vector<16xi32>, vector<16xi1> -> vector<16xi32>
    %reduce_sum3A_12 = vector.extract %reduce_sum3A_11[15] : i32 from vector<16xi32>
    %broadcast_in_dim3A_13 = vector.broadcast %reduce_sum3A_12 : i32 to vector<16xi32>
    %swap3A = arith.constant 0 : index
    %swap3A_14 = tpu.vector_load %arg6[%swap3A] {strides = array<i32>} : memref<16xi32, #tpu.memory_space<vmem>>, vector<16xi32>,
    tpu.vector_store %arg6[%swap3A], %broadcast_in_dim3A_13 {strides = array<i32>} : memref<16xi32, #tpu.memory_space<vmem>>, vector<16xi32>,
    "tpu.region"() ({
      %run_scoped3A = tpu.sem_alloc : memref<!tpu.dma_semaphore, #tpu.memory_space<semaphore_mem>>
      %dma_start3A_15 = arith.constant 0 : i32
      %dma_start3A_16 = tpu.memref_slice %arg3[%add3A, %dma_start3A_15] : memref<32x16xi32, #tpu.memory_space<hbm>> -> memref<1x16xi32, #tpu.memory_space<hbm>>
      %dma_start3A_17 = tpu.memref_squeeze %dma_start3A_16 : memref<1x16xi32, #tpu.memory_space<hbm>> -> memref<16xi32, #tpu.memory_space<hbm>>
      %dma_start3A_18 = arith.constant 0 : i32
      %dma_start3A_19 = tpu.memref_slice %arg3[%add3A, %dma_start3A_18] : memref<32x16xi32, #tpu.memory_space<hbm>> -> memref<1x16xi32, #tpu.memory_space<hbm>>
      %dma_start3A_20 = tpu.memref_squeeze %dma_start3A_19 : memref<1x16xi32, #tpu.memory_space<hbm>> -> memref<16xi32, #tpu.memory_space<hbm>>
      tpu.enqueue_dma source(%arg6 : memref<16xi32, #tpu.memory_space<vmem>>) target(%dma_start3A_20 : memref<16xi32, #tpu.memory_space<hbm>>) target_semaphore(%run_scoped3A : memref<!tpu.dma_semaphore, #tpu.memory_space<semaphore_mem>>)
      %dma_wait3A = arith.constant 0 : i32
      %dma_wait3A_21 = tpu.memref_slice %arg3[%add3A, %dma_wait3A] : memref<32x16xi32, #tpu.memory_space<hbm>> -> memref<1x16xi32, #tpu.memory_space<hbm>>
      %dma_wait3A_22 = tpu.memref_squeeze %dma_wait3A_21 : memref<1x16xi32, #tpu.memory_space<hbm>> -> memref<16xi32, #tpu.memory_space<hbm>>
      %dma_wait3A_23 = arith.constant 0 : i32
      %dma_wait3A_24 = tpu.memref_slice %arg3[%add3A, %dma_wait3A_23] : memref<32x16xi32, #tpu.memory_space<hbm>> -> memref<1x16xi32, #tpu.memory_space<hbm>>
      %dma_wait3A_25 = tpu.memref_squeeze %dma_wait3A_24 : memref<1x16xi32, #tpu.memory_space<hbm>> -> memref<16xi32, #tpu.memory_space<hbm>>
      tpu.wait_dma2 semaphore(%run_scoped3A : memref<!tpu.dma_semaphore, #tpu.memory_space<semaphore_mem>>) src(%arg6 : memref<16xi32, #tpu.memory_space<vmem>>) dst(%dma_wait3A_25 : memref<16xi32, #tpu.memory_space<hbm>>)
      tpu.yield
    }) : () -> ()
    return
  }
}

</mosaic_0001>

<sc_bundles>
// kernel: kernel.4.cloned.1.call-start
scs
__scs_entry_jumppad:
0x0: {  	(pc) =	sbr.rel $0x88, $3  }
0x1: {  	(tag) =	ssettag $0x0;
	lr =	simm.s32 $0x1  }
0x2: {  	[smem:$0x3F9E] =	sst lr;
	_ =	strace $0xD0000000  }
0x3: {  	_ = 	snop  }
0x4: {  	_ = 	snop  }
0x5: {  	_ = 	snop  }
0x6: {  	_ = 	snop  }
0x7: {  	_ = 	snop  }
__scs_overlays_trampoline_lowered:
0x8: {  	[smem:$0x3FAD] =	sst s0  }
0x9: {  	[smem:$0x3FAE] =	sst s1  }
0xa: {  	[smem:$0x3FAF] =	sst s2  }
0xb: {  	[smem:$0x3FB0] =	sst s3  }
0xc: {  	[smem:$0x3FB1] =	sst s4  }
0xd: {  	[smem:$0x3FB2] =	sst s5  }
0xe: {  	[smem:$0x3FB3] =	sst s6  }
0xf: {  	[smem:$0x3FB4] =	sst s7  }
0x10: {  	[smem:$0x3FB5] =	sst s8  }
0x11: {  	[smem:$0x3FB6] =	sst s9;
	s0 =	simm.s32 @!p0 $0x0  }
0x12: {  	s1 =	sld [smem:$0x3F9C];
	s0 =	simm.s32 @p0 $0x1  }
0x13: {  	[smem:$0x3FB7] =	sst s0;
	s0 =	simm.s32 @!p1 $0x0  }
0x14: {  	s2 =	sld [smem:$0x3F9B];
	s0 =	simm.s32 @p1 $0x1  }
0x15: {  	[smem:$0x3FB8] =	sst s0;
	s0 =	simm.s32 @!p2 $0x0  }
0x16: {  	s3 =	sld [smem:$0x3FDB];
	s0 =	simm.s32 @p2 $0x1  }
0x17: {  	s4 =	simm.s32 $0x1BF5;
	[smem:$0x3FBA] =	sst s0  }
0x18: {  	s0 =	sld [smem:$0x3F9D];
	_ =	swait.ge [sflag:s4], $0x0  }
0x19: {  	s7 =	sld [smem:$0x3F9E]  }
0x1a: {  	s8 =	sadd.s32 $0xFFFFE003, lr  }
0x1b: {  	s9 =	sadd.s32 $0xFFFFFEF7, lr;
	s5 =	simm.s32 $0xFFFFFFFF;
	p2 =	slt.u32 s8, $0xFFFFF086  }
0x1c: {  	p1 =	slt.u32 s9, $0xF7A;
	s5 =	simm.s32 @!p2 $0x0  }
0x1d: {  	s5 =	simm.s32 @p1 $0x1;
	p0 =	seq.s32 s7, s2  }
0x1e: {  	s7 =	smul.u32 @!p0 $0xF7A, s2;
	p2 =	seq.s32 @!p0 s5, $0x0  }
0x1f: {  	s9 =	smul.u32 $0xF7A, s1;
	s8 =	simm.s32 @!p0 $0x1BF5;
	p2 =	por !p2, p0  }
0x20: {  	[sflag:s8] =	ssyncset.s32 @!p0 $0xFFFFF086;
	s6 =	sadd.s32 @!p0 s3, s7;
	s7 =	simm.s32 @!p0 $0x108  }
0x21: {  	s3 =	sadd.s32 s3, s9;
	s6 =	sadd.s32 @!p0 $0x88, s6;
	s7 =	simm.s32 @p2 $0x1082  }
0x22: {  	[simem:s7], [sflag:s8] =	dma.local @!p0 [hbm:s6], $0xF7A  }
0x23: {  	s9 =	sor.u32 $0xD0000000, s2;
	s6 =	simm.s32 $0x108;
	_ =	swait.ge @!p0 [sflag:s8], $0x0  }
0x24: {  	s3 =	sadd.s32 $0x88, s3;
	s6 =	simm.s32 @!p1 $0x1082;
	[sflag:s4] =	ssyncset.s32 $0xFFFFF086  }
0x25: {  	[simem:s6], [sflag:s4] =	dma.local [hbm:s3], $0xF7A  }
0x26: {  	[smem:$0x3F9E] =	sst s1;
	(tag) =	ssettag s2;
	_ =	strace s9  }
0x27: {  	s1 =	sld [smem:$0x3FAE]  }
0x28: {  	s2 =	sld [smem:$0x3FAF]  }
0x29: {  	s4 =	sld [smem:$0x3FB1]  }
0x2a: {  	p0 =	seq.s32 s5, $0x0;
	s5 =	sld [smem:$0x3FB2]  }
0x2b: {  	s6 =	sld [smem:$0x3FB3]  }
0x2c: {  	s7 =	sld [smem:$0x3FB4]  }
0x2d: {  	s3 =	simm.s32 $0x108;
	s8 =	sld [smem:$0x3FB5]  }
0x2e: {  	s3 =	simm.s32 @!p0 $0x1082;
	s9 =	sld [smem:$0x3FB6]  }
0x2f: {  	lr =	sadd.s32 s0, s3;
	s0 =	sld [smem:$0x3FAD]  }
0x30: {  	s3 =	sld [smem:$0x3FB0]  }
0x31: {  	[smem:$0x3FB9] =	sst s10  }
0x32: {  	s10 =	sld [smem:$0x3FB7];
	_ =	sdelay $0x3  }
0x33: {  	p0 =	seq.s32 s10, $0x1;
	s10 =	sld [smem:$0x3FB9];
	_ =	sdelay $0x3  }
0x34: {  	[smem:$0x3FB9] =	sst s10  }
0x35: {  	s10 =	sld [smem:$0x3FB8];
	_ =	sdelay $0x3  }
0x36: {  	p1 =	seq.s32 s10, $0x1;
	s10 =	sld [smem:$0x3FB9];
	_ =	sdelay $0x3  }
0x37: {  	[smem:$0x3FB9] =	sst s10  }
0x38: {  	s10 =	sld [smem:$0x3FBA]  }
0x39: {  	_ = 	snop;
	(pc) =	sbr.ind lr, $3  }
0x3a: {  	_ = 	snop  }
0x3b: {  	_ = 	snop  }
0x3c: {  	p2 =	seq.s32 s10, $0x1;
	s10 =	sld [smem:$0x3FB9]  }
0x3d: {  	_ =	shalt  }
0x3e: {  	_ =	shalt  }
0x3f: {  	_ =	shalt  }
0x40: {  	_ =	shalt  }
0x41: {  	_ =	shalt  }
0x42: {  	_ =	shalt  }
0x43: {  	_ =	shalt  }
0x44: {  	_ =	shalt  }
0x45: {  	_ =	shalt  }
0x46: {  	_ =	shalt  }
0x47: {  	_ =	shalt  }
0x48: {  	_ =	shalt  }
0x49: {  	_ =	shalt  }
0x4a: {  	_ =	shalt  }
0x4b: {  	_ =	shalt  }
0x4c: {  	_ =	shalt  }
0x4d: {  	_ =	shalt  }
0x4e: {  	_ =	shalt  }
0x4f: {  	_ =	shalt  }
0x50: {  	_ =	shalt  }
0x51: {  	_ =	shalt  }
0x52: {  	_ =	shalt  }
0x53: {  	_ =	shalt  }
0x54: {  	_ =	shalt  }
0x55: {  	_ =	shalt  }
0x56: {  	_ =	shalt  }
0x57: {  	_ =	shalt  }
0x58: {  	_ =	shalt  }
0x59: {  	_ =	shalt  }
0x5a: {  	_ =	shalt  }
0x5b: {  	_ =	shalt  }
0x5c: {  	_ =	shalt  }
0x5d: {  	_ =	shalt  }
0x5e: {  	_ =	shalt  }
0x5f: {  	_ =	shalt  }
0x60: {  	_ =	shalt  }
0x61: {  	_ =	shalt  }
0x62: {  	_ =	shalt  }
0x63: {  	_ =	shalt  }
0x64: {  	_ =	shalt  }
0x65: {  	_ =	shalt  }
0x66: {  	_ =	shalt  }
0x67: {  	_ =	shalt  }
0x68: {  	_ =	shalt  }
0x69: {  	_ =	shalt  }
0x6a: {  	_ =	shalt  }
0x6b: {  	_ =	shalt  }
0x6c: {  	_ =	shalt  }
0x6d: {  	_ =	shalt  }
0x6e: {  	_ =	shalt  }
0x6f: {  	_ =	shalt  }
0x70: {  	_ =	shalt  }
0x71: {  	_ =	shalt  }
0x72: {  	_ =	shalt  }
0x73: {  	_ =	shalt  }
0x74: {  	_ =	shalt  }
0x75: {  	_ =	shalt  }
0x76: {  	_ =	shalt  }
0x77: {  	_ =	shalt  }
0x78: {  	_ =	shalt  }
0x79: {  	_ =	shalt  }
0x7a: {  	_ =	shalt  }
0x7b: {  	_ =	shalt  }
0x7c: {  	_ =	shalt  }
0x7d: {  	_ =	shalt  }
0x7e: {  	_ =	shalt  }
0x7f: {  	_ =	shalt  }
0x80: {  	_ =	shalt  }
0x81: {  	_ =	shalt  }
0x82: {  	_ =	shalt  }
0x83: {  	_ =	shalt  }
0x84: {  	_ =	shalt  }
0x85: {  	_ =	shalt  }
0x86: {  	_ =	shalt  }
0x87: {  	_ =	shalt  }
.Lfunc_end0:
.L_simem_size_0:
called_computation.1_lowered:
.L_overlay_start_0:
0x88: {  	s2 =	sld [smem:$0x3FD9]  }
0x89: {  	s3 =	sld [smem:$0x3FFE];
	_ =	sdelay $0x1  }
0x8a: {  	s1 =	srdreg.scid  }
0x8b: {  	s0 =	sand.u32 $0x1, s1  }
0x8c: {  	s16 =	sshll.u32 s0, $0xA;
	s2 =	sadd.s32 s3, s2  }
0x8d: {  	s2 =	sadd.s32 s2, s16  }
0x8e: {  	[smem:$0x3FC5] =	sst s2  }
0x8f: {  	_ = 	snop  }
0x90: {  	(tm) =	ssettm $0x1  }
0x91: {  	s17 =	sld [smem:$0x3FFB];
	_ =	sdelay $0x3  }
0x92: {  	_ =	strace s17  }
0x93: {  	s2 =	sld [smem:$0x3FFC];
	_ =	sdelay $0x3  }
0x94: {  	_ =	strace s2  }
0x95: {  	s2 =	sld [smem:$0x3FFD];
	_ =	sdelay $0x3  }
0x96: {  	_ =	strace s2  }
0x97: {  	_ =	strace $0x8FFFFFFF  }
0x98: {  	s18 =	sld [smem:$0x3FDB];
	_ =	sdelay $0x1  }
0x99: {  	s19 =	simm.s32 $_scs_section_size  }
0x9a: {  	s4 =	simm.s32 $_size__tile_overlayer_lowered;
	s5 =	simm.s32 $_tile_overlayer_lowered  }
0x9b: {  	s22 =	simm.s32 $0x1BFF;
	s21 =	sshll.u32 s5, $0x1;
	s2 =	sadd.s32 s19, s18  }
0x9c: {  	s6 =	simm.s32 $0x0;
	s20 =	sshll.u32 s4, $0x1;
	s4 =	sadd.s32 s21, s2  }
0x9d: {  	[timem:s6], [sflag:s22] =	dma.local [hbm:s4], s20  }
0x9e: {  	_ =	swait.ge [sflag:s22], s20  }
0x9f: {  	s3 =	ssub.s32 $0x0, s20;
	[sflag:s22] =	ssyncset.done $0x0  }
0xa0: {  	[sflag:s22] =	ssyncadd.s32 s3;
	_ =	sdelay $0x1  }
0xa1: {  	s23 =	simm.s32 $0x1B8B  }
0xa2: {  	_ =	swait.ge [sflag:s23], $0x1  }
0xa3: {  	[sflag:s23] =	ssyncset.done $0x0  }
0xa4: {  	s25 =	simm.s32 $0x1B8E;
	s24 =	sld [smem:$0x3FFE];
	[sflag:s23] =	ssyncadd.s32 $0xFFFFFFFF  }
0xa5: {  	s26 =	simm.s32 $execute0_lowered;
	[smem:$0x3FD2] =	sst s25  }
0xa6: {  	s4 =	sshll.u32 s26, $0x1;
	_ =	strace $0x80000046;
	[dreg:$0x1] =	wrdreg $0xFFFFFFFF  }
0xa7: {  	s28 =	simm.s32 $_size_execute0_lowered;
	s2 =	sadd.s32 s2, s4;
	[dreg:$0x0] =	wrdreg $0x0  }
0xa8: {  	s4 =	sshll.u32 s28, $0x1;
	[dreg:$0x2] =	wrdreg s2  }
0xa9: {  	[dreg:$0x3] =	wrdreg s4  }
0xaa: {  	[dreg:$0x4] =	wrdreg $0xC0  }
0xab: {  	_ =	task [dreg:s6], $0x5FFFF  }
0xac: {  	[dreg:$0x1] =	wrdreg $0xFFFFFFFF  }
0xad: {  	[dreg:$0x0] =	wrdreg $0x60  }
0xae: {  	[dreg:$0x2] =	wrdreg s24  }
0xaf: {  	[dreg:$0x3] =	wrdreg $0xA  }
0xb0: {  	_ =	task.clear_ibuf [dreg:s6], $0x4FFFF;
	_ =	strace $0x90000046  }
0xb1: {  	s29 =	simm.s32 $0xA;
	_ =	strace $0x80000048  }
0xb2: {  	_ =	swait.ge [sflag:s29], $0x1  }
0xb3: {  	[sflag:s29] =	ssyncadd.s32 $0xFFFFFFFF  }
0xb4: {  	_ =	strace $0x90000048  }
0xb5: {  	_ =	sfence  }
0xb6: {  	s30 =	sld [smem:$0x0];
	_ =	sdelay $0x2  }
0xb7: {  	s31 =	sshll.u32 s1, $0xD;
	s1 =	sshrl.u32 s1, $0x2  }
0xb8: {  	s3 =	sand.u32 $0x4000, s31;
	s1 =	sadd.s32 s1, s30  }
0xb9: {  	s0 =	sor.u32 s3, s0;
	s1 =	sshll.u32 s1, $0x11  }
0xba: {  	s0 =	sor.u32 s1, s0  }
0xbb: {  	s0 =	sadd.s32 $0x8F2B, s0  }
0xbc: {  	[sflag:s0] =	ssyncadd.remote.s32 $0x1  }
0xbd: {  	_ =	sfence.sel $0xFFFF  }
0xbe: {  	[dreg:$0x0] =	wrdreg $0xFFFFFFFF;
	(pc) =	sbr.abs _section_cstart, $3  }
0xbf: {  	[dreg:$0x1] =	wrdreg $0xFFFFFFFF  }
0xc0: {  	_ =	task.clear_ibuf [dreg:s6], $0x2FFFF;
	_ =	strace $0x9FFFFFFF  }
0xc1: {  	(tm) =	ssettm $0x7FFFFFFF  }
tec
execute0_lowered:
.L_overlay_start_1:
0x0: {  	(tag) =	ssettag $0x1  }
0x1: {  	s2 =	rddreg [dreg:$0x0]  }
0x2: {  	s0 =	rddreg [dreg:$0x1];
	s4 =	srdreg.scid  }
0x3: {  	s1 =	stileid.u32;
	s3 =	simm.s32 $0x0;
	s10 =	simm.s32 $0x1  }
0x4: {  	s11 =	simm.s32 $0x2;
	s12 =	simm.s32 $0x2000;
	s13 =	simm.s32 $0x3  }
0x5: {  	s14 =	simm.s32 $0x0;
	s4 =	sand.u32 $0x1, s4;
	s5 =	sshll.u32 s1, $0x1  }
0x6: {  	[smem:$0x7FF] =	sst s3;
	s5 =	sor.u32 s4, s5;
	s4 =	ssub.s32 $0x2, s4  }
0x7: {  	_ =	strace $0x80000047;
	s6 =	sshll.u32 s5, $0x4;
	s31 =	sshrl.u32 s4, $0x1  }
0x8: {  	s8 =	sshll.u32 s5, $0xD;
	s9 =	ssub.s32 s4, s31;
	s4 =	sshll.u32 s5, $0x10  }
0x9: {  	s7 =	sadd.s32 s6, s2;
	s5 =	sadd.s32 s2, s8;
	s6 =	sor.u32 $0x2000, s4  }
0xa: {  	s7 =	sadd.s32 $0x40000, s7;
	s8 =	smax.u32 s9, $0x1;
	s9 =	simm.s32 $0x1000  }
.LBB2_1:
0xb: {  	[tilespmem:s3], [sflag:$0x1] =	stream.linear.gather [hbm4b:s5+s3], $0x1000, $0x38;
	[tilespmem:$0x2080] =	vst v63  }
0xc: {  	v5 =	vimm.s32 $0x0;
	s15 =	simm.s32 $0x0  }
.LBB2_2:
0xd: {  	s16 =	sshll.u32 s15, $0xD  }
0xe: {  	s17 =	sor.u32 s16, s4  }
0xf: {  	s17 =	sshrl.u32 s17, $0x3  }
0x10: {  	s17 =	sadd.s32 s17, s2  }
0x11: {  	s17 =	sadd.s32 $0x200, s17  }
0x12: {  	[tilespmem:s9], [sflag:$0x2] =	stream.linear.gather [hbm4b:s17+s3], $0x1000, $0x38;
	[tilespmem:$0x2080] =	vst v63  }
0x13: {  	_ =	swait.ge [sflag:s10], $0x1000  }
0x14: {  	[sflag:s10] =	ssyncset.done $0x0  }
0x15: {  	s18 =	simm.s32 $0x40;
	[sflag:s10] =	ssyncadd.s32 $0xFFFFF000  }
0x16: {  	v0 =	vld [tilespmem:s18+$0xFFFFFFC0]  }
0x17: {  	v1 =	vld [tilespmem:s18+$0xFFFFFFD0]  }
0x18: {  	v6 =	vld [tilespmem:s18+$0xFFFFFFE0]  }
0x19: {  	v4 =	vld [tilespmem:s18+$0xFFFFFFF0]  }
0x1a: {  	v3 =	vld [tilespmem:s18+$0x0]  }
0x1b: {  	v2 =	vld [tilespmem:s18+$0x10];
	v8 =	vmul.u32 $0x1010101, v0  }
0x1c: {  	v0 =	vld [tilespmem:s18+$0x20];
	v7 =	vmul.u32 $0x1010101, v1  }
0x1d: {  	s17 =	simm.s32 $0x0;
	v6 =	vmul.u32 $0x1010101, v6;
	v1 =	vld [tilespmem:s18+$0x30];
	s18 =	simm.s32 $0xC0;
	v8 =	vshrl.u32 v8, $0x18  }
.LBB2_3:
0x1e: {  	v9 =	vld [tilespmem:s18+$0xFFFFFFC0];
	s17 =	sadd.s32 $0x8, s17;
	v5 =	vadd.s32 v5, v8;
	v7 =	vshrl.u32 v7, $0x18;
	v4 =	vmul.u32 $0x1010101, v4  }
0x1f: {  	v8 =	vld [tilespmem:s18+$0xFFFFFFD0];
	p0 =	slt.u32 s17, $0xF8;
	v5 =	vadd.s32 v7, v5;
	v6 =	vshrl.u32 v6, $0x18;
	v3 =	vmul.u32 $0x1010101, v3  }
0x20: {  	v10 =	vld [tilespmem:s18+$0xFFFFFFE0];
	v5 =	vadd.s32 v6, v5;
	v6 =	vshrl.u32 v4, $0x18;
	v2 =	vmul.u32 $0x1010101, v2  }
.Ltmp0:
0x21: {  	v4 =	vld [tilespmem:s18+$0xFFFFFFF0];
	v5 =	vadd.s32 v6, v5;
	v6 =	vshrl.u32 v3, $0x18;
	v0 =	vmul.u32 $0x1010101, v0;
	(pc) =	sbr.rel @p0 .LBB2_3-.Ltmp0, $4  }
0x22: {  	v3 =	vld [tilespmem:s18+$0x0];
	v5 =	vadd.s32 v6, v5;
	v6 =	vshrl.u32 v2, $0x18;
	v1 =	vmul.u32 $0x1010101, v1  }
0x23: {  	v9 =	vmul.u32 $0x1010101, v9;
	v2 =	vld [tilespmem:s18+$0x10];
	v5 =	vadd.s32 v6, v5;
	v6 =	vshrl.u32 v0, $0x18  }
0x24: {  	v7 =	vmul.u32 $0x1010101, v8;
	v0 =	vld [tilespmem:s18+$0x20];
	v5 =	vadd.s32 v6, v5;
	v11 =	vshrl.u32 v1, $0x18  }
0x25: {  	v8 =	vshrl.u32 v9, $0x18;
	v6 =	vmul.u32 $0x1010101, v10;
	v1 =	vld [tilespmem:s18+$0x30];
	s18 =	sadd.s32 $0x80, s18;
	v5 =	vadd.s32 v11, v5  }
0x26: {  	p0 =	seq.s32 s15, $0x7  }
0x27: {  	s16 =	sadd.s32 @!p0 s16, s6  }
0x28: {  	s16 =	sshrl.u32 @!p0 s16, $0x3  }
0x29: {  	s17 =	simm.s32 @!p0 $0x0;
	s16 =	sadd.s32 @!p0 s2, s16  }
0x2a: {  	[tilespmem:s17], [sflag:$0x1] =	stream.linear.gather @!p0 [hbm4b:s16+s17], $0x1000, $0x38;
	[tilespmem:$0x2080] =	vst v63  }
0x2b: {  	_ =	swait.ge [sflag:s11], $0x1000  }
0x2c: {  	[sflag:s11] =	ssyncset.done $0x0  }
0x2d: {  	v5 =	vadd.s32 v5, v8;
	v7 =	vshrl.u32 v7, $0x18;
	v4 =	vmul.u32 $0x1010101, v4;
	s31 =	simm.s32 $0x1040;
	[sflag:s11] =	ssyncadd.s32 $0xFFFFF000  }
0x2e: {  	v5 =	vadd.s32 v7, v5;
	v6 =	vshrl.u32 v6, $0x18;
	v3 =	vmul.u32 $0x1010101, v3;
	v7 =	vld [tilespmem:s31+$0xFFFFFFC0]  }
0x2f: {  	v5 =	vadd.s32 v6, v5;
	v4 =	vshrl.u32 v4, $0x18;
	v2 =	vmul.u32 $0x1010101, v2;
	v6 =	vld [tilespmem:s31+$0xFFFFFFD0]  }
0x30: {  	v4 =	vadd.s32 v4, v5;
	v3 =	vshrl.u32 v3, $0x18;
	v0 =	vmul.u32 $0x1010101, v0;
	v5 =	vld [tilespmem:s31+$0xFFFFFFE0]  }
0x31: {  	v3 =	vadd.s32 v3, v4;
	v2 =	vshrl.u32 v2, $0x18;
	v4 =	vmul.u32 $0x1010101, v1;
	v1 =	vld [tilespmem:s31+$0xFFFFFFF0]  }
0x32: {  	v2 =	vadd.s32 v2, v3;
	v3 =	vshrl.u32 v0, $0x18;
	v0 =	vld [tilespmem:s31+$0x0]  }
0x33: {  	v2 =	vadd.s32 v3, v2;
	v4 =	vshrl.u32 v4, $0x18;
	v3 =	vld [tilespmem:s31+$0x10];
	v7 =	vmul.u32 $0x1010101, v7  }
0x34: {  	v8 =	vadd.s32 v4, v2;
	v2 =	vld [tilespmem:s31+$0x20];
	v6 =	vmul.u32 $0x1010101, v6  }
0x35: {  	s16 =	simm.s32 $0x0;
	s17 =	simm.s32 $0x10C0;
	v4 =	vld [tilespmem:s31+$0x30];
	v5 =	vmul.u32 $0x1010101, v5;
	v7 =	vshrl.u32 v7, $0x18  }
.LBB2_5:
0x36: {  	v9 =	vld [tilespmem:s17+$0xFFFFFFC0];
	s16 =	sadd.s32 $0x8, s16;
	v7 =	vadd.s32 v8, v7;
	v6 =	vshrl.u32 v6, $0x18;
	v1 =	vmul.u32 $0x1010101, v1  }
0x37: {  	v8 =	vld [tilespmem:s17+$0xFFFFFFD0];
	p0 =	slt.u32 s16, $0xF8;
	v6 =	vadd.s32 v6, v7;
	v5 =	vshrl.u32 v5, $0x18;
	v0 =	vmul.u32 $0x1010101, v0  }
0x38: {  	v10 =	vld [tilespmem:s17+$0xFFFFFFE0];
	v5 =	vadd.s32 v5, v6;
	v6 =	vshrl.u32 v1, $0x18;
	v3 =	vmul.u32 $0x1010101, v3  }
.Ltmp1:
0x39: {  	v1 =	vld [tilespmem:s17+$0xFFFFFFF0];
	v5 =	vadd.s32 v6, v5;
	v6 =	vshrl.u32 v0, $0x18;
	v2 =	vmul.u32 $0x1010101, v2;
	(pc) =	sbr.rel @p0 .LBB2_5-.Ltmp1, $4  }
0x3a: {  	v0 =	vld [tilespmem:s17+$0x0];
	v5 =	vadd.s32 v6, v5;
	v6 =	vshrl.u32 v3, $0x18;
	v4 =	vmul.u32 $0x1010101, v4  }
0x3b: {  	v7 =	vmul.u32 $0x1010101, v9;
	v3 =	vld [tilespmem:s17+$0x10];
	v5 =	vadd.s32 v6, v5;
	v9 =	vshrl.u32 v2, $0x18  }
0x3c: {  	v6 =	vmul.u32 $0x1010101, v8;
	v2 =	vld [tilespmem:s17+$0x20];
	v8 =	vadd.s32 v9, v5;
	v9 =	vshrl.u32 v4, $0x18  }
0x3d: {  	v7 =	vshrl.u32 v7, $0x18;
	v5 =	vmul.u32 $0x1010101, v10;
	v4 =	vld [tilespmem:s17+$0x30];
	s17 =	sadd.s32 $0x80, s17;
	v8 =	vadd.s32 v9, v8  }
0x3e: {  	v7 =	vadd.s32 v8, v7;
	v6 =	vshrl.u32 v6, $0x18;
	v1 =	vmul.u32 $0x1010101, v1  }
0x3f: {  	s15 =	sadd.s32 $0x1, s15;
	v6 =	vadd.s32 v6, v7;
	v5 =	vshrl.u32 v5, $0x18;
	v0 =	vmul.u32 $0x1010101, v0  }
0x40: {  	p0 =	sne.s32 s15, $0x8;
	v5 =	vadd.s32 v5, v6;
	v1 =	vshrl.u32 v1, $0x18;
	v3 =	vmul.u32 $0x1010101, v3  }
.Ltmp2:
0x41: {  	v1 =	vadd.s32 v1, v5;
	v0 =	vshrl.u32 v0, $0x18;
	v2 =	vmul.u32 $0x1010101, v2;
	(pc) =	sbr.rel @p0 .LBB2_2-.Ltmp2, $4  }
0x42: {  	v0 =	vadd.s32 v0, v1;
	v61 =	vshrl.u32 v3, $0x18;
	v3 =	vmul.u32 $0x1010101, v4  }
0x43: {  	v0 =	vadd.s32 v61, v0;
	v62 =	vshrl.u32 v2, $0x18  }
0x44: {  	v0 =	vadd.s32 v62, v0;
	v63 =	vshrl.u32 v3, $0x18  }
0x45: {  	v5 =	vadd.s32 v63, v0  }
0x46: {  	(xrf0) =	vadd.scan.msk.s32 $0xffff, v5;
	_ =	sdelay $0x5  }
0x47: {  	v0, _, _ =	vpop (xrf0)  }
0x48: {  	s14 =	sadd.s32 $0x1, s14;
	v0 =	vbroadcast v0, $0xF  }
0x49: {  	p0 =	sne.s32 s14, s8  }
.Ltmp3:
0x4a: {  	[tilespmem:$0x2000] =	vst v0;
	(pc) =	sbr.rel @p0 .LBB2_1-.Ltmp3, $4  }
0x4b: {  	[hbm4b:s7+s3] =	stream.linear.scatter [tilespmem:s12], [sflag:$0x3], $0x80, $0x38;
	[tilespmem:$0x2080] =	vst v63  }
0x4c: {  	_ =	swait.ge [sflag:s13], $0x80  }
0x4d: {  	[sflag:s13] =	ssyncset.done $0x0  }
0x4e: {  	[sflag:s13] =	ssyncadd.s32 $0xFFFFFF80  }
0x4f: {  	_ =	sfence.sel $0x180000  }
0x50: {  	[bflag:$0x0] =	sbarrier.arrive $0xFFFF  }
0x51: {  	p0 =	sne.s32 s1, $0x0;
	_ =	strace $0x90000047  }
0x52: {  	s0 =	sadd.s32 @!p0 $0x100000, s0;
	[bflag:$0x2] =	sbarrier.arrive $0xFFFF  }
0x53: {  	[sflag:s0] =	ssyncadd.tile.s32 @!p0 $0x1;
	_ =	shalt  }
.Lfunc_end2:
_tile_overlayer_lowered:
.L_overlay_start_2:
0x54: {  	(tag) =	ssettag $0x2  }
0x55: {  	s0 =	rddreg [dreg:$0x0];
	s2 =	stileid.u32  }
0x56: {  	s1 =	rddreg [dreg:$0x1];
	p0 =	sne.s32 s2, $0x0  }
0x57: {  	s3 =	rddreg [dreg:$0x2];
	[bflag:$0x3] =	sbarrier.arrive $0xFFFF;
	s2 =	simm.s32 @!p0 $0x1C03  }
0x58: {  	[timem:s3], [sflag:s2] =	dma.local @!p0 [hbm:s0], s1  }
0x59: {  	s0 =	simm.s32 @!p0 $0x3  }
0x5a: {  	_ =	swait.ge @!p0 [sflag:s0], s1  }
0x5b: {  	s1 =	ssub.s32 @!p0 $0x0, s1;
	[sflag:s0] =	ssyncset.done @!p0 $0x0  }
0x5c: {  	[sflag:s0] =	ssyncadd.s32 @!p0 s1  }
0x5d: {  	[bflag:$0x3] =	sbarrier.arrive $0xFFFF  }
0x5e: {  	_ =	shalt  }

// kernel: kernel.7.cloned.1.call-start
scs
__scs_entry_jumppad:
0x0: {  	(pc) =	sbr.rel $0x88, $3  }
0x1: {  	(tag) =	ssettag $0x0;
	lr =	simm.s32 $0x1  }
0x2: {  	[smem:$0x3F9E] =	sst lr;
	_ =	strace $0xD0000000  }
0x3: {  	_ = 	snop  }
0x4: {  	_ = 	snop  }
0x5: {  	_ = 	snop  }
0x6: {  	_ = 	snop  }
0x7: {  	_ = 	snop  }
__scs_overlays_trampoline_lowered:
0x8: {  	[smem:$0x3FAD] =	sst s0  }
0x9: {  	[smem:$0x3FAE] =	sst s1  }
0xa: {  	[smem:$0x3FAF] =	sst s2  }
0xb: {  	[smem:$0x3FB0] =	sst s3  }
0xc: {  	[smem:$0x3FB1] =	sst s4  }
0xd: {  	[smem:$0x3FB2] =	sst s5  }
0xe: {  	[smem:$0x3FB3] =	sst s6  }
0xf: {  	[smem:$0x3FB4] =	sst s7  }
0x10: {  	[smem:$0x3FB5] =	sst s8  }
0x11: {  	[smem:$0x3FB6] =	sst s9;
	s0 =	simm.s32 @!p0 $0x0  }
0x12: {  	s1 =	sld [smem:$0x3F9C];
	s0 =	simm.s32 @p0 $0x1  }
0x13: {  	[smem:$0x3FB7] =	sst s0;
	s0 =	simm.s32 @!p1 $0x0  }
0x14: {  	s2 =	sld [smem:$0x3F9B];
	s0 =	simm.s32 @p1 $0x1  }
0x15: {  	[smem:$0x3FB8] =	sst s0;
	s0 =	simm.s32 @!p2 $0x0  }
0x16: {  	s3 =	sld [smem:$0x3FDB];
	s0 =	simm.s32 @p2 $0x1  }
0x17: {  	s4 =	simm.s32 $0x1BF5;
	[smem:$0x3FBA] =	sst s0  }
0x18: {  	s0 =	sld [smem:$0x3F9D];
	_ =	swait.ge [sflag:s4], $0x0  }
0x19: {  	s7 =	sld [smem:$0x3F9E]  }
0x1a: {  	s8 =	sadd.s32 $0xFFFFE003, lr  }
0x1b: {  	s9 =	sadd.s32 $0xFFFFFEF7, lr;
	s5 =	simm.s32 $0xFFFFFFFF;
	p2 =	slt.u32 s8, $0xFFFFF086  }
0x1c: {  	p1 =	slt.u32 s9, $0xF7A;
	s5 =	simm.s32 @!p2 $0x0  }
0x1d: {  	s5 =	simm.s32 @p1 $0x1;
	p0 =	seq.s32 s7, s2  }
0x1e: {  	s7 =	smul.u32 @!p0 $0xF7A, s2;
	p2 =	seq.s32 @!p0 s5, $0x0  }
0x1f: {  	s9 =	smul.u32 $0xF7A, s1;
	s8 =	simm.s32 @!p0 $0x1BF5;
	p2 =	por !p2, p0  }
0x20: {  	[sflag:s8] =	ssyncset.s32 @!p0 $0xFFFFF086;
	s6 =	sadd.s32 @!p0 s3, s7;
	s7 =	simm.s32 @!p0 $0x108  }
0x21: {  	s3 =	sadd.s32 s3, s9;
	s6 =	sadd.s32 @!p0 $0x88, s6;
	s7 =	simm.s32 @p2 $0x1082  }
0x22: {  	[simem:s7], [sflag:s8] =	dma.local @!p0 [hbm:s6], $0xF7A  }
0x23: {  	s9 =	sor.u32 $0xD0000000, s2;
	s6 =	simm.s32 $0x108;
	_ =	swait.ge @!p0 [sflag:s8], $0x0  }
0x24: {  	s3 =	sadd.s32 $0x88, s3;
	s6 =	simm.s32 @!p1 $0x1082;
	[sflag:s4] =	ssyncset.s32 $0xFFFFF086  }
0x25: {  	[simem:s6], [sflag:s4] =	dma.local [hbm:s3], $0xF7A  }
0x26: {  	[smem:$0x3F9E] =	sst s1;
	(tag) =	ssettag s2;
	_ =	strace s9  }
0x27: {  	s1 =	sld [smem:$0x3FAE]  }
0x28: {  	s2 =	sld [smem:$0x3FAF]  }
0x29: {  	s4 =	sld [smem:$0x3FB1]  }
0x2a: {  	p0 =	seq.s32 s5, $0x0;
	s5 =	sld [smem:$0x3FB2]  }
0x2b: {  	s6 =	sld [smem:$0x3FB3]  }
0x2c: {  	s7 =	sld [smem:$0x3FB4]  }
0x2d: {  	s3 =	simm.s32 $0x108;
	s8 =	sld [smem:$0x3FB5]  }
0x2e: {  	s3 =	simm.s32 @!p0 $0x1082;
	s9 =	sld [smem:$0x3FB6]  }
0x2f: {  	lr =	sadd.s32 s0, s3;
	s0 =	sld [smem:$0x3FAD]  }
0x30: {  	s3 =	sld [smem:$0x3FB0]  }
0x31: {  	[smem:$0x3FB9] =	sst s10  }
0x32: {  	s10 =	sld [smem:$0x3FB7];
	_ =	sdelay $0x3  }
0x33: {  	p0 =	seq.s32 s10, $0x1;
	s10 =	sld [smem:$0x3FB9];
	_ =	sdelay $0x3  }
0x34: {  	[smem:$0x3FB9] =	sst s10  }
0x35: {  	s10 =	sld [smem:$0x3FB8];
	_ =	sdelay $0x3  }
0x36: {  	p1 =	seq.s32 s10, $0x1;
	s10 =	sld [smem:$0x3FB9];
	_ =	sdelay $0x3  }
0x37: {  	[smem:$0x3FB9] =	sst s10  }
0x38: {  	s10 =	sld [smem:$0x3FBA]  }
0x39: {  	_ = 	snop;
	(pc) =	sbr.ind lr, $3  }
0x3a: {  	_ = 	snop  }
0x3b: {  	_ = 	snop  }
0x3c: {  	p2 =	seq.s32 s10, $0x1;
	s10 =	sld [smem:$0x3FB9]  }
0x3d: {  	_ =	shalt  }
0x3e: {  	_ =	shalt  }
0x3f: {  	_ =	shalt  }
0x40: {  	_ =	shalt  }
0x41: {  	_ =	shalt  }
0x42: {  	_ =	shalt  }
0x43: {  	_ =	shalt  }
0x44: {  	_ =	shalt  }
0x45: {  	_ =	shalt  }
0x46: {  	_ =	shalt  }
0x47: {  	_ =	shalt  }
0x48: {  	_ =	shalt  }
0x49: {  	_ =	shalt  }
0x4a: {  	_ =	shalt  }
0x4b: {  	_ =	shalt  }
0x4c: {  	_ =	shalt  }
0x4d: {  	_ =	shalt  }
0x4e: {  	_ =	shalt  }
0x4f: {  	_ =	shalt  }
0x50: {  	_ =	shalt  }
0x51: {  	_ =	shalt  }
0x52: {  	_ =	shalt  }
0x53: {  	_ =	shalt  }
0x54: {  	_ =	shalt  }
0x55: {  	_ =	shalt  }
0x56: {  	_ =	shalt  }
0x57: {  	_ =	shalt  }
0x58: {  	_ =	shalt  }
0x59: {  	_ =	shalt  }
0x5a: {  	_ =	shalt  }
0x5b: {  	_ =	shalt  }
0x5c: {  	_ =	shalt  }
0x5d: {  	_ =	shalt  }
0x5e: {  	_ =	shalt  }
0x5f: {  	_ =	shalt  }
0x60: {  	_ =	shalt  }
0x61: {  	_ =	shalt  }
0x62: {  	_ =	shalt  }
0x63: {  	_ =	shalt  }
0x64: {  	_ =	shalt  }
0x65: {  	_ =	shalt  }
0x66: {  	_ =	shalt  }
0x67: {  	_ =	shalt  }
0x68: {  	_ =	shalt  }
0x69: {  	_ =	shalt  }
0x6a: {  	_ =	shalt  }
0x6b: {  	_ =	shalt  }
0x6c: {  	_ =	shalt  }
0x6d: {  	_ =	shalt  }
0x6e: {  	_ =	shalt  }
0x6f: {  	_ =	shalt  }
0x70: {  	_ =	shalt  }
0x71: {  	_ =	shalt  }
0x72: {  	_ =	shalt  }
0x73: {  	_ =	shalt  }
0x74: {  	_ =	shalt  }
0x75: {  	_ =	shalt  }
0x76: {  	_ =	shalt  }
0x77: {  	_ =	shalt  }
0x78: {  	_ =	shalt  }
0x79: {  	_ =	shalt  }
0x7a: {  	_ =	shalt  }
0x7b: {  	_ =	shalt  }
0x7c: {  	_ =	shalt  }
0x7d: {  	_ =	shalt  }
0x7e: {  	_ =	shalt  }
0x7f: {  	_ =	shalt  }
0x80: {  	_ =	shalt  }
0x81: {  	_ =	shalt  }
0x82: {  	_ =	shalt  }
0x83: {  	_ =	shalt  }
0x84: {  	_ =	shalt  }
0x85: {  	_ =	shalt  }
0x86: {  	_ =	shalt  }
0x87: {  	_ =	shalt  }
.Lfunc_end0:
.L_simem_size_0:
called_computation.2_lowered:
.L_overlay_start_0:
0x88: {  	s2 =	sld [smem:$0x3FD9]  }
0x89: {  	s3 =	sld [smem:$0x3FFE];
	_ =	sdelay $0x1  }
0x8a: {  	s1 =	srdreg.scid  }
0x8b: {  	s0 =	sand.u32 $0x1, s1  }
0x8c: {  	s17 =	sshll.u32 s0, $0xA;
	s2 =	sadd.s32 s3, s2  }
0x8d: {  	s2 =	sadd.s32 s2, s17  }
0x8e: {  	[smem:$0x3FC5] =	sst s2  }
0x8f: {  	_ = 	snop  }
0x90: {  	s2 =	sld [smem:$0x3FD0];
	(tm) =	ssettm $0x1  }
0x91: {  	s18 =	sld [smem:$0x3FFB];
	_ =	sdelay $0x3  }
0x92: {  	_ =	strace s18  }
0x93: {  	s3 =	sld [smem:$0x3FFC];
	_ =	sdelay $0x3  }
0x94: {  	_ =	strace s3  }
0x95: {  	s3 =	sld [smem:$0x3FFD];
	_ =	sdelay $0x3  }
0x96: {  	_ =	strace s3  }
0x97: {  	_ =	strace $0x8FFFFFFF  }
0x98: {  	s19 =	sld [smem:$0x3FDB];
	_ =	sdelay $0x1  }
0x99: {  	s4 =	simm.s32 $_scs_section_size  }
0x9a: {  	s5 =	simm.s32 $_size__tile_overlayer_lowered;
	s6 =	simm.s32 $_tile_overlayer_lowered  }
0x9b: {  	s22 =	simm.s32 $0x1BFF;
	s21 =	sshll.u32 s6, $0x1;
	s3 =	sadd.s32 s4, s19  }
0x9c: {  	s7 =	simm.s32 $0x0;
	s20 =	sshll.u32 s5, $0x1;
	s5 =	sadd.s32 s21, s3  }
0x9d: {  	[timem:s7], [sflag:s22] =	dma.local [hbm:s5], s20  }
0x9e: {  	_ =	swait.ge [sflag:s22], s20  }
0x9f: {  	s4 =	ssub.s32 $0x0, s20;
	[sflag:s22] =	ssyncset.done $0x0  }
0xa0: {  	[sflag:s22] =	ssyncadd.s32 s4;
	_ =	sdelay $0x1  }
0xa1: {  	s23 =	simm.s32 $0x1B8B  }
0xa2: {  	_ =	swait.ge [sflag:s23], $0x1  }
0xa3: {  	[sflag:s23] =	ssyncset.done $0x0  }
0xa4: {  	s25 =	simm.s32 $0x1B8E;
	s24 =	sld [smem:$0x3FFE];
	[sflag:s23] =	ssyncadd.s32 $0xFFFFFFFF  }
0xa5: {  	s26 =	simm.s32 $execute0_lowered;
	[smem:$0x3FD2] =	sst s25  }
0xa6: {  	s5 =	sshll.u32 s26, $0x1;
	_ =	strace $0x8000004C;
	[dreg:$0x1] =	wrdreg $0xFFFFFFFF  }
0xa7: {  	s28 =	simm.s32 $_size_execute0_lowered;
	s3 =	sadd.s32 s3, s5;
	[dreg:$0x0] =	wrdreg $0x0  }
0xa8: {  	s5 =	sshll.u32 s28, $0x1;
	[dreg:$0x2] =	wrdreg s3  }
0xa9: {  	[dreg:$0x3] =	wrdreg s5  }
0xaa: {  	[dreg:$0x4] =	wrdreg $0xC0  }
0xab: {  	_ =	task [dreg:s7], $0x5FFFF  }
0xac: {  	[dreg:$0x1] =	wrdreg $0xFFFFFFFF  }
0xad: {  	[dreg:$0x0] =	wrdreg $0x60  }
0xae: {  	[dreg:$0x2] =	wrdreg s2  }
0xaf: {  	[dreg:$0x3] =	wrdreg s24  }
0xb0: {  	[dreg:$0x4] =	wrdreg $0x9  }
0xb1: {  	_ =	task.clear_ibuf [dreg:s7], $0x5FFFF;
	_ =	strace $0x9000004C  }
0xb2: {  	s29 =	simm.s32 $0x9;
	_ =	strace $0x8000004E  }
0xb3: {  	_ =	swait.ge [sflag:s29], $0x1  }
0xb4: {  	[sflag:s29] =	ssyncadd.s32 $0xFFFFFFFF  }
0xb5: {  	_ =	strace $0x9000004E  }
0xb6: {  	_ =	sfence  }
0xb7: {  	s30 =	sld [smem:$0x0];
	_ =	sdelay $0x2  }
0xb8: {  	s31 =	sshll.u32 s1, $0xD;
	s1 =	sshrl.u32 s1, $0x2  }
0xb9: {  	s3 =	sand.u32 $0x4000, s31;
	s1 =	sadd.s32 s1, s30  }
0xba: {  	s0 =	sor.u32 s3, s0;
	s1 =	sshll.u32 s1, $0x11  }
0xbb: {  	s0 =	sor.u32 s1, s0  }
0xbc: {  	s0 =	sadd.s32 $0x8F2B, s0  }
0xbd: {  	[sflag:s0] =	ssyncadd.remote.s32 $0x1  }
0xbe: {  	_ =	sfence.sel $0xFFFF  }
0xbf: {  	[dreg:$0x0] =	wrdreg $0xFFFFFFFF;
	(pc) =	sbr.abs _section_cstart, $3  }
0xc0: {  	[dreg:$0x1] =	wrdreg $0xFFFFFFFF  }
0xc1: {  	_ =	task.clear_ibuf [dreg:s7], $0x2FFFF;
	_ =	strace $0x9FFFFFFF  }
0xc2: {  	(tm) =	ssettm $0x7FFFFFFF  }
0xc3: {  	_ =	shalt  }
tec
execute0_lowered:
.L_overlay_start_1:
0x0: {  	(tag) =	ssettag $0x1  }
0x1: {  	s1 =	rddreg [dreg:$0x0]  }
0x2: {  	s2 =	rddreg [dreg:$0x1];
	v0 =	vimm.s32 $0x1000000;
	vm0 =	vcmask $0x300;
	s3 =	simm.s32 $0x0;
	s0 =	srdreg.scid  }
0x3: {  	vm5 =	vcmask $0x704;
	s5 =	stileid.u32;
	s16 =	simm.s32 $0x1;
	s18 =	simm.s32 $0x1000;
	v0 =	vsel vm0, $0x1, v0  }
0x4: {  	vm6 =	vcmask $0xB08;
	s19 =	simm.s32 $0x2400;
	s20 =	simm.s32 $0x8880;
	s21 =	simm.s32 $0x2800;
	v0 =	vsel vm5, $0x100, v0  }
0x5: {  	vm7 =	vcmask $0x1310;
	s22 =	simm.s32 $0x8900;
	s23 =	simm.s32 $0x2;
	s24 =	simm.s32 $0x4;
	v0 =	vsel vm6, $0x10000, v0  }
0x6: {  	vm8 =	vcmask $0x1714;
	s25 =	simm.s32 $0x5800;
	[smem:$0x7FF] =	sst s3;
	s0 =	sand.u32 $0x1, s0;
	v1 =	vsel vm7, $0x1, v0  }
0x7: {  	vm9 =	vcmask $0x1B18;
	vm10 =	vcmask $0x2320;
	s5 =	sshll.u32 s5, $0x1;
	s6 =	sadd.s32 $0x40000, s2;
	_ =	strace $0x8000004D;
	v2 =	vsel vm8, $0x100, v1  }
0x8: {  	vm11 =	vcmask $0x2724;
	vm12 =	vcmask $0x2B28;
	s4 =	ssub.s32 $0x2, s0;
	[dreg:$0x3] =	wrdreg s6;
	s6 =	sor.u32 s0, s5;
	v3 =	vsel vm9, $0x10000, v2  }
0x9: {  	vm13 =	vcmask $0x3330;
	vm14 =	vcmask $0x3734;
	s26 =	simm.s32 $0x0;
	s8 =	sshrl.u32 s4, $0x1;
	s29 =	sshll.u32 s6, $0xF;
	v4 =	vsel vm10, $0x1, v3  }
.Ltmp0:
0xa: {  	vm15 =	vcmask $0x3B38;
	s5 =	sshll.u32 s6, $0xD;
	s31 =	sshll.u32 s6, $0xC;
	v0 =	vlaneseq.u32;
	v5 =	vsel vm11, $0x100, v4;
	(pc) =	sbr.rel .LBB2_1-.Ltmp0, $4  }
0xb: {  	s28 =	ssub.s32 s4, s8;
	s4 =	sadd.s32 s1, s29;
	[dreg:$0x7] =	wrdreg s31;
	v1 =	vadd.s32 $0x1, v0;
	v8 =	vand.u32 $0x3, v0;
	v6 =	vsel vm12, $0x10000, v5  }
0xc: {  	s7 =	sadd.s32 $0x40200, s2;
	s30 =	sadd.s32 s2, s5;
	[dreg:$0x4] =	wrdreg s4;
	v2 =	vor.u32 $0x800010, v0;
	v3 =	vshrl.u32 v0, $0x2;
	v6 =	vsel vm13, $0x1, v6  }
0xd: {  	s9 =	sshll.u32 s6, $0x10;
	[dreg:$0x5] =	wrdreg s30;
	s0 =	smax.u32 s28, $0x1;
	v8 =	vmul.u32 $0x8, v8;
	v4 =	vor.u32 $0x4, v3;
	v6 =	vsel vm14, $0x100, v6  }
0xe: {  	p0 =	seq.s32 s6, $0x1F;
	s8 =	sshll.u32 s6, $0x12;
	[dreg:$0x6] =	wrdreg s0;
	v7 =	vor.u32 $0xC, v3;
	v5 =	vor.u32 $0x8, v3;
	v6 =	vsel vm15, $0x10000, v6  }
.LBB2_39:
0xf: {  	[sflag:s24] =	ssyncadd.s32 $0xFFFFFFF0  }
.LBB2_40:
0x10: {  	s26 =	sadd.s32 $0x1, s26;
	s0 =	rddreg [dreg:$0x6]  }
0x11: {  	p1 =	sne.s32 s26, s0  }
.Ltmp1:
0x12: {  	_ = 	snop;
	(pc) =	sbr.rel @!p1 .LBB2_41-.Ltmp1, $1  }
0x13: {  	_ =	sdelay $0x3  }
.LBB2_1:
0x14: {  	s0 =	rddreg [dreg:$0x3];
	s4 =	simm.s32 $0x8800;
	s30 =	simm.s32 $0x5  }
0x15: {  	[tilespmem:s4], [sflag:$0x5] =	stream.linear.gather [hbm4b:s0+s3], $0x80, $0x38;
	[tilespmem:$0x8980] =	vst v63  }
0x16: {  	_ =	swait.ge [sflag:s30], $0x80  }
0x17: {  	[sflag:s30] =	ssyncset.done $0x0  }
0x18: {  	[sflag:s30] =	ssyncadd.s32 $0xFFFFFF80  }
0x19: {  	v10 =	vld [tilespmem:$0x8820];
	_ =	sdelay $0x4  }
0x1a: {  	(v2sf) =	vpush v10, $0x1;
	_ =	sdelay $0xe  }
0x1b: {  	s31 =	spop (v2sf)  }
0x1c: {  	s0 =	scvt.s32.f32 s31;
	_ =	sdelay $0x1  }
0x1d: {  	s12 =	simm.s32 $0x0;
	v11 =	vld [tilespmem:s6+$0x8800];
	v9 =	vmov s0;
	s0 =	simm.s32 $0x40  }
.LBB2_2:
0x1e: {  	p1 =	sne.s32 s0, $0x3FC0;
	[tilespmem:s12+$0x5800] =	vst v9;
	s4 =	smov.u32 s0;
	s0 =	sadd.s32 $0x40, s0  }
.Ltmp2:
0x1f: {  	(pc) =	sbr.rel @p1 .LBB2_2-.Ltmp2, $2  }
0x20: {  	_ =	sdelay $0x2  }
0x21: {  	s12 =	sshra.s32 s4, $0x2  }
0x22: {  	(v2sf) =	vpush v11, $0x0  }
0x23: {  	(v2sf) =	vpush v10, $0x0;
	_ =	sdelay $0xd  }
0x24: {  	s4 =	spop (v2sf)  }
0x25: {  	s10 =	spop (v2sf)  }
0x26: {  	s0 =	sadd.s32 $0xF, s10  }
0x27: {  	s0 =	sshra.s32 s0, $0x4  }
0x28: {  	s5 =	ssub.s32 $0x8001F, s0  }
0x29: {  	s11 =	sand.u32 $0x1F, s5  }
0x2a: {  	p1 =	sgt.s32 s0, $0x8001E;
	s13 =	sshra.s32 s5, $0x1F;
	p2 =	sne.s32 s11, $0x0  }
0x2b: {  	s17 =	sshrl.u32 s13, $0x1B;
	p1 =	por !p1, !p2  }
0x2c: {  	s11 =	simm.s32 $0x1;
	s5 =	sadd.s32 s17, s5;
	p1 =	por !p1, !p1  }
0x2d: {  	s5 =	sshra.s32 s5, $0x5;
	s11 =	simm.s32 @!p1 $0x0  }
0x2e: {  	s5 =	ssub.s32 s5, s11  }
0x2f: {  	s11 =	sadd.s32 $0xFF, s5  }
0x30: {  	s29 =	sand.u32 $0xFF, s11  }
0x31: {  	p5 =	slt.s32 s5, $0xFFFFFF02;
	s14 =	sshra.s32 s11, $0x1F;
	p6 =	sne.s32 s29, $0x0  }
0x32: {  	s30 =	sshrl.u32 s14, $0x18;
	p1 =	por !p5, !p6  }
0x33: {  	s5 =	sadd.s32 s30, s11;
	s11 =	simm.s32 $0x1;
	p1 =	por !p1, !p1  }
0x34: {  	s5 =	sshra.s32 s5, $0x8;
	s11 =	simm.s32 @!p1 $0x0  }
0x35: {  	s5 =	ssub.s32 s5, s11  }
0x36: {  	s11 =	sshll.u32 s5, $0x8  }
0x37: {  	s31 =	smul.u32 s6, s11;
	_ =	sdelay $0x1  }
0x38: {  	s13 =	sadd.s32 s0, s31  }
0x39: {  	s11 =	sadd.s32 s11, s13  }
0x3a: {  	p1 =	slt.s32 s11, $0x80000  }
0x3b: {  	s11 =	simm.s32 @!p1 $0x80000  }
0x3c: {  	s11 =	ssub.s32 s11, s13  }
0x3d: {  	p1 =	sgt.s32 s11, $0x0  }
0x3e: {  	s11 =	simm.s32 @!p1 $0x0  }
0x3f: {  	s28 =	sshrl.u32 s11, $0x8  }
0x40: {  	p1 =	seq.s32 s28, $0x0  }
.Ltmp3:
0x41: {  	_ = 	snop;
	(pc) =	sbr.rel @p1 .LBB2_7-.Ltmp3, $2  }
0x42: {  	_ =	sdelay $0x2  }
0x43: {  	[tilespmem:s12+$0x5800] =	vst v9;
	s13 =	sshll.u32 s13, $0x4  }
0x44: {  	s12 =	ssub.s32 $0x0, s28  }
0x45: {  	s12 =	sadd.s32 $0x1, s12  }
0x46: {  	p2 =	seq.s32 s12, $0x0  }
.Ltmp4:
0x47: {  	_ = 	snop;
	(pc) =	sbr.rel @p2 .LBB2_6-.Ltmp4, $3  }
0x48: {  	_ =	sdelay $0x1  }
0x49: {  	s14 =	sshrl.u32 s13, $0x3  }
0x4a: {  	s15 =	sadd.s32 s7, s14;
	s14 =	sadd.s32 $0x1000, s13  }
.LBB2_5:
0x4b: {  	[hbm4b:s15+s3] =	stream.linear.scatter [tilespmem:s25], [sflag:$0x4], $0x1000, $0x38;
	[tilespmem:$0x8980] =	vst v63  }
0x4c: {  	s12 =	sadd.s32 $0x1, s12  }
0x4d: {  	p2 =	seq.s32 s12, $0x0  }
.Ltmp5:
0x4e: {  	(pc) =	sbr.rel @!p2 .LBB2_5-.Ltmp5, $3  }
0x4f: {  	_ =	sdelay $0x1  }
0x50: {  	s15 =	sshrl.u32 s14, $0x3  }
0x51: {  	s14 =	sadd.s32 $0x1000, s14;
	s15 =	sadd.s32 s7, s15  }
.LBB2_6:
0x52: {  	[hbm4b:s15+s3] =	stream.linear.scatter [tilespmem:s25], [sflag:$0x4], $0x1000, $0x38;
	[tilespmem:$0x8980] =	vst v63  }
.LBB2_7:
0x53: {  	s12 =	sshrl.u32 s11, $0x4  }
0x54: {  	s29 =	sand.u32 $0xF, s12  }
0x55: {  	p2 =	seq.s32 s29, $0x0  }
.Ltmp6:
0x56: {  	_ = 	snop;
	(pc) =	sbr.rel @p2 .LBB2_11-.Ltmp6, $2  }
0x57: {  	_ =	sdelay $0x2  }
0x58: {  	s12 =	sshll.u32 s28, $0xC  }
0x59: {  	s31 =	sshll.u32 s29, $0x8  }
0x5a: {  	p3 =	sne.s32 s31, $0x100  }
.Ltmp7:
0x5b: {  	_ = 	snop;
	(pc) =	sbr.rel @!p3 .LBB2_10-.Ltmp7, $4  }
0x5c: {  	_ = 	snop  }
0x5d: {  	s14 =	sadd.s32 s13, s12  }
0x5e: {  	s15 =	sshrl.u32 s14, $0x3  }
0x5f: {  	s13 =	sadd.s32 $0xFFFFFF00, s31;
	s14 =	sadd.s32 $0x100, s14;
	s15 =	sadd.s32 s7, s15  }
.LBB2_9:
0x60: {  	[hbm4b:s15+s3] =	stream.linear.scatter [tilespmem:s25], [sflag:$0x4], $0x100, $0x38;
	[tilespmem:$0x8980] =	vst v63  }
0x61: {  	p3 =	sne.s32 s13, $0x100  }
.Ltmp8:
0x62: {  	s13 =	sadd.s32 $0xFFFFFF00, s13;
	(pc) =	sbr.rel @p3 .LBB2_9-.Ltmp8, $3  }
0x63: {  	_ =	sdelay $0x1  }
0x64: {  	s15 =	sshrl.u32 s14, $0x3  }
0x65: {  	s14 =	sadd.s32 $0x100, s14;
	s15 =	sadd.s32 s7, s15  }
.LBB2_10:
0x66: {  	[hbm4b:s15+s3] =	stream.linear.scatter [tilespmem:s25], [sflag:$0x4], $0x100, $0x38;
	[tilespmem:$0x8980] =	vst v63  }
.LBB2_11:
0x67: {  	s30 =	sand.u32 $0xF, s11  }
0x68: {  	p3 =	seq.s32 s30, $0x0  }
.Ltmp9:
0x69: {  	_ = 	snop;
	(pc) =	sbr.rel @p3 .LBB2_15-.Ltmp9, $1  }
0x6a: {  	_ =	sdelay $0x3  }
0x6b: {  	s11 =	rddreg [dreg:$0x7]  }
0x6c: {  	s17 =	sshll.u32 s30, $0x4;
	s5 =	smul.u32 s5, s11  }
0x6d: {  	p4 =	sne.s32 s17, $0x10  }
.Ltmp10:
0x6e: {  	s15 =	sshll.u32 s29, $0x8;
	s5 =	sadd.s32 s12, s5;
	(pc) =	sbr.rel @!p4 .LBB2_14-.Ltmp10, $4  }
0x6f: {  	s0 =	sshll.u32 s0, $0x4;
	s5 =	sadd.s32 s15, s5  }
0x70: {  	s5 =	sadd.s32 s0, s5  }
0x71: {  	s31 =	sshrl.u32 s5, $0x3  }
0x72: {  	s0 =	sadd.s32 $0xFFFFFFF0, s17;
	s5 =	sadd.s32 $0x10, s5;
	s11 =	sadd.s32 s7, s31  }
.LBB2_13:
0x73: {  	[hbm4b:s11+s3] =	stream.linear.scatter [tilespmem:s25], [sflag:$0x4], $0x10, $0x38;
	[tilespmem:$0x8980] =	vst v63  }
0x74: {  	p4 =	sne.s32 s0, $0x10  }
.Ltmp11:
0x75: {  	s0 =	sadd.s32 $0xFFFFFFF0, s0;
	(pc) =	sbr.rel @p4 .LBB2_13-.Ltmp11, $3  }
0x76: {  	_ =	sdelay $0x1  }
0x77: {  	s11 =	sshrl.u32 s5, $0x3  }
0x78: {  	s5 =	sadd.s32 $0x10, s5;
	s11 =	sadd.s32 s7, s11  }
.LBB2_14:
0x79: {  	[hbm4b:s11+s3] =	stream.linear.scatter [tilespmem:s25], [sflag:$0x4], $0x10, $0x38;
	[tilespmem:$0x8980] =	vst v63  }
.LBB2_15:
0x7a: {  	s0 =	simm.s32 $0x0;
	s5 =	rddreg [dreg:$0x4];
	s10 =	ssub.s32 $0x0, s10  }
0x7b: {  	[tilespmem:s0], [sflag:$0x1] =	stream.linear.gather [hbm4b:s5+s0], $0x1000, $0x38;
	[tilespmem:$0x8980] =	vst v63  }
0x7c: {  	s11 =	rddreg [dreg:$0x5];
	s5 =	sand.u32 $0xF, s4;
	s4 =	sand.u32 $0xFFFFFFF0, s4  }
0x7d: {  	s12 =	simm.s32 $0x2000;
	s13 =	simm.s32 $0x0;
	s15 =	sadd.s32 $0x10, s4  }
0x7e: {  	v10 =	vmov s5;
	[tilespmem:s12], [sflag:$0x1] =	stream.linear.gather [hbm4b:s11+s0], $0x400, $0x38;
	[tilespmem:$0x8980] =	vst v63  }
0x7f: {  	s31 =	sand.u32 $0xF, s10;
	s17 =	sadd.s32 $0xFFFFFFFF, s5;
	v12 =	vor.u32 s4, v0;
	vm0 =	vlt.u32 v10, v1;
	s10 =	sshrl.u32 s15, $0x3  }
0x80: {  	s31 =	simm.s32 @!p0 $0x0;
	v11 =	vmov s4;
	v13 =	vmov s17;
	s17 =	simm.s32 $0x0;
	s14 =	sadd.s32 s7, s10;
	v12 =	vsel vm0, v12, v2  }
.LBB2_16:
0x81: {  	s10 =	sshllo.u32 s17, $0x1  }
0x82: {  	s11 =	sshll.u32 s10, $0xC  }
0x83: {  	s10 =	sshll.u32 s10, $0xA;
	s11 =	sadd.s32 s8, s11  }
0x84: {  	s10 =	sadd.s32 s9, s10;
	s11 =	sshrl.u32 s11, $0x3  }
0x85: {  	s10 =	sshrl.u32 s10, $0x3;
	s11 =	sadd.s32 s1, s11  }
0x86: {  	[tilespmem:s18], [sflag:$0x2] =	stream.linear.gather [hbm4b:s11+s0], $0x1000, $0x38;
	[tilespmem:$0x8980] =	vst v63  }
0x87: {  	s10 =	sadd.s32 s2, s10  }
0x88: {  	[tilespmem:s19], [sflag:$0x2] =	stream.linear.gather [hbm4b:s10+s0], $0x400, $0x38;
	[tilespmem:$0x8980] =	vst v63  }
0x89: {  	_ =	swait.ge [sflag:s16], $0x1000  }
0x8a: {  	[sflag:s16] =	ssyncset.done $0x0  }
0x8b: {  	[sflag:s16] =	ssyncadd.s32 $0xFFFFF000  }
0x8c: {  	_ =	swait.ge [sflag:s16], $0x400  }
0x8d: {  	[sflag:s16] =	ssyncset.done $0x0  }
0x8e: {  	s15 =	simm.s32 $0x0;
	[sflag:s16] =	ssyncadd.s32 $0xFFFFFC00  }
0x8f: {  	v14 =	vld [tilespmem:s15+$0x2000];
	_ =	sdelay $0x4  }
0x90: {  	v15 =	vmul.u32 $0x1010101, v14;
	_ =	sdelay $0x1  }
0x91: {  	v15 =	vshrl.u32 v15, $0x18  }
0x92: {  	(xrf0) =	vadd.scan.msk.s32 $0xffff, v15;
	_ =	sdelay $0x5  }
0x93: {  	v16, _, _ =	vpop (xrf0)  }
0x94: {  	v15 =	vsub.s32 v16, v15  }
0x95: {  	v15 =	vshll.u32 v15, $0x1  }
0x96: {  	v15 =	vand.u32 $0x7E, v15  }
0x97: {  	v14 =	vor.u32 v14, v15  }
0x98: {  	[tilespmem:$0x8880] =	vst v14  }
0x99: {  	v14 =	vld.idx.msk [tilespmem:v3+s20+$0x0], $0xffff  }
0x9a: {  	v15 =	vld.idx.msk [tilespmem:v4+s20+$0x0], $0xffff  }
0x9b: {  	v16 =	vld.idx.msk [tilespmem:v5+s20+$0x0], $0xffff;
	_ =	sdelay $0x3  }
0x9c: {  	v17 =	vand.u32 $0x1010101, v14;
	v18 =	vand.u32 v6, v14;
	v14 =	vshrl.u32 v14, $0x1  }
0x9d: {  	v19 =	vand.u32 $0x1010101, v15;
	v20 =	vand.u32 v6, v15;
	v21 =	vand.u32 $0x1010101, v16  }
0x9e: {  	v22 =	vshrl.u32 v16, $0x1;
	v15 =	vshrl.u32 v15, $0x1;
	v16 =	vand.u32 v6, v16  }
0x9f: {  	v17 =	vmul.u32 $0x1010101, v17;
	v19 =	vmul.u32 $0x1010101, v19;
	vm0 =	vne.s32 v18, $0x0  }
0xa0: {  	v18 =	vld.idx.msk [tilespmem:v7+s20+$0x0], $0xffff;
	v21 =	vmul.u32 $0x1010101, v21;
	v14 =	vand.u32 $0x3F, v14;
	v15 =	vand.u32 $0x3F, v15  }
0xa1: {  	v22 =	vand.u32 $0x3F, v22;
	vm13 =	vne.s32 v20, $0x0;
	vm3 =	vne.s32 v16, $0x0  }
0xa2: {  	v14 =	vadd.s32 v13, v14;
	v17 =	vshrl.u32 v17, v8;
	v19 =	vshrl.u32 v19, v8  }
0xa3: {  	v15 =	vadd.s32 v13, v15;
	v17 =	vand.u32 $0xFF, v17;
	v19 =	vand.u32 $0xFF, v19  }
0xa4: {  	v14 =	vadd.s32 v17, v14;
	v17 =	vshrl.u32 v21, v8;
	v21 =	vadd.s32 v13, v22  }
0xa5: {  	v15 =	vadd.s32 v19, v15;
	v17 =	vand.u32 $0xFF, v17;
	v22 =	vshrl.u32 v18, $0x1  }
0xa6: {  	vm1 =	vgt.s32 v14, $0x2FFF;
	v23 =	vand.u32 $0x1010101, v18;
	v24 =	vadd.s32 $0xFFFFD000, v14  }
0xa7: {  	s11 =	simm.s32 $0x40;
	vm12 =	vgt.s32 v15, $0x2FFF;
	v17 =	vadd.s32 v17, v21;
	v21 =	vmul.u32 $0x1010101, v23  }
0xa8: {  	v14 =	vsel vm1, v24, v14;
	v23 =	vld [tilespmem:s11+$0xFFFFFFC0];
	vm2 =	vgt.s32 v17, $0x2FFF;
	v19 =	vadd.s32 $0xFFFFD000, v17  }
0xa9: {  	v17 =	vsel vm2, v19, v17;
	v19 =	vand.u32 $0x3F, v22;
	v22 =	vld [tilespmem:s11+$0xFFFFFFD0];
	v20 =	vshrl.u32 v21, v8  }
0xaa: {  	v24 =	vadd.s32 $0xFFFFD000, v15;
	v21 =	vld [tilespmem:s11+$0xFFFFFFE0];
	v19 =	vadd.s32 v13, v19;
	v20 =	vand.u32 $0xFF, v20  }
0xab: {  	v16 =	vld [tilespmem:s11+$0xFFFFFFF0];
	v18 =	vand.u32 v6, v18;
	v15 =	vsel vm12, v24, v15;
	v19 =	vadd.s32 v20, v19  }
0xac: {  	vm14 =	vne.s32 v18, $0x0;
	vm4 =	vgt.s32 v19, $0x2FFF;
	v18 =	vadd.s32 $0xFFFFD000, v19  }
0xad: {  	v20 =	vadd.f32 v23, v9;
	v18 =	vsel vm4, v18, v19  }
0xae: {  	v19 =	vadd.f32 v22, v9  }
0xaf: {  	v21 =	vadd.f32 v21, v9;
	[tilespmem:v14+s21+$0x0] =	vst.idx.msk vm0, v20  }
0xb0: {  	v14 =	vadd.f32 v16, v9;
	[tilespmem:v15+s21+$0x0] =	vst.idx.msk vm13, v19  }
0xb1: {  	[tilespmem:v17+s21+$0x0] =	vst.idx.msk vm3, v21  }
0xb2: {  	[tilespmem:v18+s21+$0x0] =	vst.idx.msk vm14, v14  }
0xb3: {  	v14 =	vld [tilespmem:s15+$0x2010];
	_ =	sdelay $0x4  }
0xb4: {  	v15 =	vmul.u32 $0x1010101, v14;
	_ =	sdelay $0x1  }
0xb5: {  	v15 =	vshrl.u32 v15, $0x18  }
0xb6: {  	(xrf0) =	vadd.scan.msk.s32 $0xffff, v15;
	_ =	sdelay $0x5  }
0xb7: {  	v16, _, _ =	vpop (xrf0)  }
0xb8: {  	v15 =	vsub.s32 v16, v15  }
0xb9: {  	v15 =	vshll.u32 v15, $0x1  }
0xba: {  	v17 =	vmpcnt.ones.xlane vm13;
	v16 =	vmpcnt.ones.xlane vm0;
	v15 =	vand.u32 $0x7E, v15  }
0xbb: {  	v18 =	vmpcnt.ones.xlane vm3;
	v14 =	vor.u32 v14, v15  }
0xbc: {  	v16 =	vadd.s32 v16, v17;
	v15 =	vmpcnt.ones.xlane vm14;
	[tilespmem:$0x8900] =	vst v14  }
0xbd: {  	v14 =	vadd.s32 v18, v16;
	v16 =	vld.idx.msk [tilespmem:v3+s22+$0x0], $0xffff  }
0xbe: {  	v15 =	vadd.s32 v15, v14;
	v23 =	vld.idx.msk [tilespmem:v4+s22+$0x0], $0xffff  }
0xbf: {  	v24 =	vld.idx.msk [tilespmem:v5+s22+$0x0], $0xffff;
	v14 =	vadd.s32 v13, v15  }
0xc0: {  	vm15 =	vgt.s32 v14, $0x2FFF;
	v17 =	vadd.s32 $0xFFFFD000, v14  }
0xc1: {  	v13 =	vimm.s32 $0x0;
	v14 =	vsel vm15, v17, v14  }
0xc2: {  	v17 =	vand.u32 $0x1010101, v16;
	v21 =	vand.u32 v6, v16;
	v18 =	vshrl.u32 v16, $0x1  }
0xc3: {  	v20 =	vld.idx.msk [tilespmem:v7+s22+$0x0], $0xffff;
	v27 =	vshrl.u32 v23, $0x1;
	v19 =	vmul.u32 $0x1010101, v17;
	v17 =	vand.u32 $0x1010101, v23  }
0xc4: {  	v16 =	vld [tilespmem:s11+$0x0];
	v25 =	vand.u32 $0x1010101, v24;
	v26 =	vshrl.u32 v24, $0x1;
	v22 =	vmul.u32 $0x1010101, v17  }
0xc5: {  	v25 =	vmul.u32 $0x1010101, v25;
	v28 =	vand.u32 $0x3F, v18;
	v18 =	vld [tilespmem:s11+$0x20];
	v19 =	vshrl.u32 v19, v8  }
0xc6: {  	v17 =	vld [tilespmem:s11+$0x10];
	v30 =	vadd.s32 v14, v28;
	v29 =	vand.u32 $0xFF, v19;
	v22 =	vshrl.u32 v22, v8  }
0xc7: {  	s12 =	simm.s32 $0x80;
	s10 =	sshll.u32 s17, $0x1;
	v28 =	vshrl.u32 v25, v8;
	v19 =	vld [tilespmem:s11+$0x30];
	v22 =	vand.u32 $0xFF, v22;
	v25 =	vadd.s32 v29, v30  }
.LBB2_17:
0xc8: {  	p4 =	sne.s32 s12, $0xF80  }
0xc9: {  	v29 =	vand.u32 $0x1010101, v20;
	v27 =	vand.u32 $0x3F, v27;
	v28 =	vand.u32 $0xFF, v28;
	s11 =	sadd.s32 $0x80, s11;
	s15 =	smov.u32 s12;
	s12 =	sadd.s32 $0x80, s12  }
0xca: {  	v23 =	vand.u32 v6, v23;
	v30 =	vshrl.u32 v20, $0x1;
	v29 =	vmul.u32 $0x1010101, v29  }
0xcb: {  	v24 =	vand.u32 v6, v24;
	v20 =	vand.u32 v6, v20  }
0xcc: {  	v30 =	vand.u32 $0x3F, v30;
	v29 =	vshrl.u32 v29, v8  }
0xcd: {  	v30 =	vadd.s32 v14, v30;
	v29 =	vand.u32 $0xFF, v29  }
0xce: {  	vm0 =	vne.s32 v23, $0x0;
	v23 =	vand.u32 $0x3F, v26;
	v26 =	vadd.s32 v29, v30  }
0xcf: {  	v23 =	vadd.s32 v14, v23;
	vm1 =	vgt.s32 v26, $0x2FFF;
	v29 =	vadd.s32 $0xFFFFD000, v26  }
0xd0: {  	vm2 =	vne.s32 v21, $0x0;
	v21 =	vadd.s32 v28, v23;
	v23 =	vsel vm1, v29, v26  }
0xd1: {  	v26 =	vadd.s32 v14, v27;
	vm1 =	vgt.s32 v21, $0x2FFF;
	v27 =	vadd.s32 $0xFFFFD000, v21  }
0xd2: {  	vm3 =	vgt.s32 v25, $0x2FFF;
	v28 =	vadd.s32 $0xFFFFD000, v25;
	v22 =	vadd.s32 v22, v26  }
0xd3: {  	v25 =	vsel vm3, v28, v25;
	vm3 =	vgt.s32 v22, $0x2FFF;
	v26 =	vadd.s32 $0xFFFFD000, v22  }
0xd4: {  	vm4 =	vne.s32 v24, $0x0;
	v21 =	vsel vm1, v27, v21;
	v22 =	vsel vm3, v26, v22  }
0xd5: {  	vm1 =	vne.s32 v20, $0x0;
	v20 =	vmpcnt.ones.xlane vm2  }
0xd6: {  	v16 =	vadd.f32 v16, v9;
	v24 =	vmpcnt.ones.xlane vm0;
	v26 =	vmpcnt.ones.xlane vm4  }
0xd7: {  	v17 =	vadd.f32 v17, v9;
	v27 =	vmpcnt.ones.xlane vm1  }
0xd8: {  	v18 =	vadd.f32 v18, v9;
	[tilespmem:v25+s21+$0x0] =	vst.idx.msk vm2, v16;
	v16 =	vadd.s32 v20, v24  }
0xd9: {  	v19 =	vadd.f32 v19, v9;
	[tilespmem:v22+s21+$0x0] =	vst.idx.msk vm0, v17;
	v16 =	vadd.s32 v26, v16  }
0xda: {  	v13 =	vadd.s32 v13, v15;
	[tilespmem:v21+s21+$0x0] =	vst.idx.msk vm4, v18;
	v15 =	vadd.s32 v27, v16  }
0xdb: {  	s15 =	sshra.s32 s15, $0x2;
	[tilespmem:v23+s21+$0x0] =	vst.idx.msk vm1, v19;
	v14 =	vadd.s32 v14, v15;
	v13 =	vadd.s32 v15, v13  }
0xdc: {  	v15 =	vld [tilespmem:s15+$0x2000];
	vm0 =	vgt.s32 v14, $0x2FFF;
	v16 =	vadd.s32 $0xFFFFD000, v14  }
0xdd: {  	v14 =	vsel vm0, v16, v14;
	_ =	sdelay $0x3  }
0xde: {  	v16 =	vmul.u32 $0x1010101, v15;
	_ =	sdelay $0x1  }
0xdf: {  	v16 =	vshrl.u32 v16, $0x18  }
0xe0: {  	(xrf0) =	vadd.scan.msk.s32 $0xffff, v16;
	_ =	sdelay $0x5  }
0xe1: {  	v17, _, _ =	vpop (xrf0)  }
0xe2: {  	v16 =	vsub.s32 v17, v16  }
0xe3: {  	v16 =	vshll.u32 v16, $0x1  }
0xe4: {  	v16 =	vand.u32 $0x7E, v16  }
0xe5: {  	v15 =	vor.u32 v15, v16  }
0xe6: {  	[tilespmem:$0x8880] =	vst v15  }
0xe7: {  	v15 =	vld.idx.msk [tilespmem:v3+s20+$0x0], $0xffff  }
0xe8: {  	v16 =	vld.idx.msk [tilespmem:v4+s20+$0x0], $0xffff  }
0xe9: {  	v17 =	vld.idx.msk [tilespmem:v5+s20+$0x0], $0xffff;
	_ =	sdelay $0x3  }
0xea: {  	v19 =	vand.u32 $0x1010101, v15;
	v20 =	vand.u32 v6, v15;
	v15 =	vshrl.u32 v15, $0x1;
	v18 =	vld.idx.msk [tilespmem:v7+s20+$0x0], $0xffff  }
0xeb: {  	v19 =	vmul.u32 $0x1010101, v19;
	v21 =	vand.u32 $0x1010101, v16;
	v22 =	vand.u32 v6, v16  }
0xec: {  	vm0 =	vne.s32 v20, $0x0;
	v21 =	vmul.u32 $0x1010101, v21;
	v23 =	vand.u32 $0x1010101, v17  }
0xed: {  	v15 =	vand.u32 $0x3F, v15;
	v20 =	vmul.u32 $0x1010101, v23;
	v19 =	vshrl.u32 v19, v8  }
0xee: {  	v23 =	vshrl.u32 v17, $0x1;
	v19 =	vand.u32 $0xFF, v19;
	v21 =	vshrl.u32 v21, v8  }
0xef: {  	v16 =	vshrl.u32 v16, $0x1;
	v15 =	vadd.s32 v14, v15;
	v21 =	vand.u32 $0xFF, v21  }
0xf0: {  	v16 =	vand.u32 $0x3F, v16;
	v23 =	vand.u32 $0x3F, v23;
	v15 =	vadd.s32 v19, v15  }
0xf1: {  	v16 =	vadd.s32 v14, v16;
	v19 =	vshrl.u32 v20, v8;
	v20 =	vadd.s32 v14, v23  }
0xf2: {  	v19 =	vand.u32 $0xFF, v19;
	v23 =	vshrl.u32 v18, $0x1;
	vm1 =	vgt.s32 v15, $0x2FFF  }
0xf3: {  	v25 =	vand.u32 $0x1010101, v18;
	v26 =	vadd.s32 $0xFFFFD000, v15;
	v19 =	vadd.s32 v19, v20;
	v24 =	vld [tilespmem:s11+$0xFFFFFFC0]  }
0xf4: {  	v16 =	vadd.s32 v21, v16;
	vm2 =	vgt.s32 v19, $0x2FFF;
	v20 =	vadd.s32 $0xFFFFD000, v19  }
0xf5: {  	v15 =	vsel vm1, v26, v15;
	vm3 =	vgt.s32 v16, $0x2FFF;
	v19 =	vsel vm2, v20, v19  }
0xf6: {  	v18 =	vand.u32 v6, v18;
	v21 =	vand.u32 $0x3F, v23;
	v20 =	vmul.u32 $0x1010101, v25  }
0xf7: {  	v17 =	vand.u32 v6, v17;
	vm1 =	vne.s32 v22, $0x0;
	v22 =	vmpcnt.ones.xlane vm0;
	v23 =	vld [tilespmem:s11+$0xFFFFFFD0]  }
0xf8: {  	v27 =	vadd.s32 $0xFFFFD000, v16;
	v26 =	vmpcnt.ones.xlane vm1;
	v21 =	vadd.s32 v14, v21;
	v25 =	vld [tilespmem:s11+$0xFFFFFFE0]  }
0xf9: {  	v16 =	vsel vm3, v27, v16;
	vm2 =	vne.s32 v17, $0x0;
	v17 =	vshrl.u32 v20, v8  }
0xfa: {  	vm3 =	vne.s32 v18, $0x0;
	v18 =	vmpcnt.ones.xlane vm2;
	v17 =	vand.u32 $0xFF, v17;
	v20 =	vld [tilespmem:s11+$0xFFFFFFF0]  }
0xfb: {  	v27 =	vmpcnt.ones.xlane vm3;
	v17 =	vadd.s32 v17, v21;
	v21 =	vadd.s32 v22, v26  }
0xfc: {  	vm4 =	vgt.s32 v17, $0x2FFF;
	v22 =	vadd.f32 v24, v9;
	v24 =	vadd.s32 $0xFFFFD000, v17  }
0xfd: {  	v18 =	vadd.s32 v18, v21;
	v17 =	vsel vm4, v24, v17;
	v25 =	vadd.f32 v25, v9  }
0xfe: {  	v21 =	vadd.f32 v23, v9;
	[tilespmem:v15+s21+$0x0] =	vst.idx.msk vm0, v22;
	v15 =	vadd.s32 v27, v18  }
0xff: {  	v14 =	vadd.s32 v14, v15  }
0x100: {  	v18 =	vadd.f32 v20, v9;
	[tilespmem:v16+s21+$0x0] =	vst.idx.msk vm1, v21;
	vm0 =	vgt.s32 v14, $0x2FFF;
	v21 =	vadd.s32 $0xFFFFD000, v14  }
0x101: {  	[tilespmem:v19+s21+$0x0] =	vst.idx.msk vm2, v25  }
0x102: {  	[tilespmem:v17+s21+$0x0] =	vst.idx.msk vm3, v18  }
0x103: {  	v16 =	vld [tilespmem:s15+$0x2010];
	_ =	sdelay $0x4  }
0x104: {  	v17 =	vmul.u32 $0x1010101, v16;
	_ =	sdelay $0x1  }
0x105: {  	v17 =	vshrl.u32 v17, $0x18  }
0x106: {  	(xrf0) =	vadd.scan.msk.s32 $0xffff, v17;
	_ =	sdelay $0x5  }
0x107: {  	v18, _, _ =	vpop (xrf0)  }
0x108: {  	v17 =	vsub.s32 v18, v17  }
0x109: {  	v17 =	vshll.u32 v17, $0x1  }
0x10a: {  	v17 =	vand.u32 $0x7E, v17  }
0x10b: {  	v16 =	vor.u32 v16, v17  }
0x10c: {  	[tilespmem:$0x8900] =	vst v16  }
0x10d: {  	v19 =	vld.idx.msk [tilespmem:v3+s22+$0x0], $0xffff  }
0x10e: {  	v23 =	vld.idx.msk [tilespmem:v4+s22+$0x0], $0xffff  }
0x10f: {  	v24 =	vld.idx.msk [tilespmem:v5+s22+$0x0], $0xffff  }
0x110: {  	v20 =	vld.idx.msk [tilespmem:v7+s22+$0x0], $0xffff  }
0x111: {  	v16 =	vld [tilespmem:s11+$0x0]  }
0x112: {  	v14 =	vsel vm0, v21, v14;
	v17 =	vld [tilespmem:s11+$0x10]  }
0x113: {  	v22 =	vand.u32 $0x1010101, v19;
	v21 =	vand.u32 v6, v19;
	v25 =	vshrl.u32 v19, $0x1;
	v18 =	vld [tilespmem:s11+$0x20]  }
.Ltmp12:
0x114: {  	v22 =	vmul.u32 $0x1010101, v22;
	v26 =	vand.u32 $0x1010101, v23;
	v27 =	vshrl.u32 v23, $0x1;
	v19 =	vld [tilespmem:s11+$0x30];
	(pc) =	sbr.rel @p4 .LBB2_17-.Ltmp12, $4  }
0x115: {  	v28 =	vmul.u32 $0x1010101, v26;
	v29 =	vand.u32 $0x1010101, v24;
	v26 =	vshrl.u32 v24, $0x1  }
0x116: {  	v25 =	vand.u32 $0x3F, v25;
	v29 =	vmul.u32 $0x1010101, v29;
	v22 =	vshrl.u32 v22, v8  }
0x117: {  	v25 =	vadd.s32 v14, v25;
	v30 =	vand.u32 $0xFF, v22;
	v22 =	vshrl.u32 v28, v8  }
0x118: {  	v22 =	vand.u32 $0xFF, v22;
	v28 =	vshrl.u32 v29, v8;
	v25 =	vadd.s32 v30, v25  }
0x119: {  	v23 =	vand.u32 v6, v23;
	v24 =	vand.u32 v6, v24  }
0x11a: {  	v29 =	vand.u32 v6, v20;
	vm3 =	vne.s32 v21, $0x0;
	vm0 =	vne.s32 v23, $0x0  }
0x11b: {  	vm1 =	vne.s32 v24, $0x0;
	v21 =	vmpcnt.ones.xlane vm3;
	v23 =	vmpcnt.ones.xlane vm0  }
0x11c: {  	vm2 =	vne.s32 v29, $0x0;
	v24 =	vmpcnt.ones.xlane vm1  }
0x11d: {  	v21 =	vadd.s32 v21, v23;
	v23 =	vmpcnt.ones.xlane vm2  }
0x11e: {  	v21 =	vadd.s32 v24, v21  }
0x11f: {  	v13 =	vadd.s32 v13, v15;
	v15 =	vadd.s32 v23, v21  }
0x120: {  	v13 =	vadd.s32 v15, v13  }
0x121: {  	(v2sf) =	vpush v13, $0x0;
	_ =	sdelay $0x8  }
0x122: {  	vm4 =	vgt.s32 v25, $0x2FFF;
	v13 =	vand.u32 $0x1010101, v20  }
0x123: {  	v24 =	vand.u32 $0x3F, v26;
	v21 =	vand.u32 $0x3F, v27;
	v13 =	vmul.u32 $0x1010101, v13  }
0x124: {  	v23 =	vand.u32 $0xFF, v28;
	v24 =	vadd.s32 v14, v24;
	v20 =	vshrl.u32 v20, $0x1  }
0x125: {  	v21 =	vadd.s32 v14, v21;
	v20 =	vand.u32 $0x3F, v20;
	v13 =	vshrl.u32 v13, v8  }
0x126: {  	v21 =	vadd.s32 v22, v21;
	v20 =	vadd.s32 v14, v20;
	v13 =	vand.u32 $0xFF, v13  }
0x127: {  	v13 =	vadd.s32 v13, v20;
	v20 =	vadd.s32 v23, v24;
	v23 =	vadd.s32 $0xFFFFD000, v25  }
0x128: {  	vm11 =	vgt.s32 v21, $0x2FFF;
	v22 =	vsel vm4, v23, v25;
	v23 =	vadd.s32 $0xFFFFD000, v21;
	s11 =	spop (v2sf)  }
0x129: {  	vm12 =	vgt.s32 v20, $0x2FFF;
	v21 =	vsel vm11, v23, v21;
	v23 =	vadd.s32 $0xFFFFD000, v20;
	s5 =	sadd.s32 s5, s11  }
0x12a: {  	vm13 =	vgt.s32 v13, $0x2FFF;
	v20 =	vsel vm12, v23, v20;
	v23 =	vadd.s32 $0xFFFFD000, v13;
	p4 =	slt.s32 s5, $0x1000  }
0x12b: {  	v16 =	vadd.f32 v16, v9;
	v13 =	vsel vm13, v23, v13;
	p5 =	sgt.s32 @!p4 s13, $0x0  }
0x12c: {  	v17 =	vadd.f32 v17, v9;
	p6 =	por !p5, p4  }
0x12d: {  	v18 =	vadd.f32 v18, v9;
	[tilespmem:v22+s21+$0x0] =	vst.idx.msk vm3, v16;
	s11 =	smulhi.u32 @!p6 $0xAAAAAAAB, s13  }
0x12e: {  	v16 =	vadd.f32 v19, v9;
	[tilespmem:v21+s21+$0x0] =	vst.idx.msk vm0, v17  }
0x12f: {  	[tilespmem:v20+s21+$0x0] =	vst.idx.msk vm1, v18;
	s11 =	sshrl.u32 @!p6 s11, $0x1  }
0x130: {  	[tilespmem:v13+s21+$0x0] =	vst.idx.msk vm2, v16;
	s12 =	simm.s32 @!p6 $0x3;
	s11 =	smul.u32 @!p6 $0x3, s11  }
0x131: {  	s15 =	sshll.u32 @!p6 s13, $0xC;
	_ =	swait.ge @!p6 [sflag:s12], $0x1000  }
0x132: {  	s15 =	sadd.s32 @!p6 s4, s15;
	[sflag:s12] =	ssyncset.done @!p6 $0x0;
	s11 =	ssub.s32 @!p6 s13, s11  }
0x133: {  	[sflag:s12] =	ssyncadd.s32 @!p6 $0xFFFFF000;
	s12 =	sshrl.u32 @!p6 s15, $0x3;
	s11 =	sshll.u32 @!p6 s11, $0xC  }
0x134: {  	s15 =	simm.s32 @!p6 $0x0;
	s12 =	sadd.s32 @!p6 s7, s12;
	s11 =	sadd.s32 @!p6 $0x2800, s11  }
0x135: {  	[hbm4b:s12+s15] =	stream.linear.scatter @!p6 [tilespmem:s11], [sflag:$0x3], $0x1000, $0x38;
	[tilespmem:$0x8980] =	vst v63  }
0x136: {  	p6 =	por p5, p4  }
0x137: {  	p6 =	sne.s32 @!p6 s13, $0x0  }
0x138: {  	p5 =	por @!p4 p6, p5  }
0x139: {  	p4 =	por p5, p4  }
0x13a: {  	v13 =	vld @!p4 [tilespmem:$0x2800];
	_ =	sdelay $0x4  }
0x13b: {  	vm0 =	vmmov @!p4 $0xffff;
	s11 =	simm.s32 @!p4 $0x0;
	s12 =	simm.s32 @!p4 $0x6800;
	[tilespmem:$0x6800] =	vst @!p4 v13  }
0x13c: {  	[hbm4b:s7+s11] =	stream.indirect_vreg.scatter @!p4 [tilespmem:s12], [sflag:$0x3], $0x1, v12, vm0, $0xb8;
	[tilespmem:$0x8980] =	vst v63  }
0x13d: {  	s12 =	simm.s32 @!p4 $0x2810  }
0x13e: {  	[hbm4b:s14+s11] =	stream.linear.scatter @!p4 [tilespmem:s12], [sflag:$0x3], $0xFF0, $0x38;
	[tilespmem:$0x8980] =	vst v63  }
0x13f: {  	p4 =	seq.s32 s17, $0x1F  }
0x140: {  	s10 =	sadd.s32 @!p4 $0x2, s10  }
0x141: {  	s11 =	sshll.u32 @!p4 s10, $0xC  }
0x142: {  	s10 =	sshll.u32 @!p4 s10, $0xA;
	s11 =	sadd.s32 @!p4 s8, s11  }
0x143: {  	s10 =	sadd.s32 @!p4 s9, s10;
	s11 =	sshrl.u32 @!p4 s11, $0x3  }
0x144: {  	s12 =	simm.s32 @!p4 $0x0;
	s10 =	sshrl.u32 @!p4 s10, $0x3;
	s11 =	sadd.s32 @!p4 s1, s11  }
0x145: {  	[tilespmem:s12], [sflag:$0x1] =	stream.linear.gather @!p4 [hbm4b:s11+s12], $0x1000, $0x38;
	[tilespmem:$0x8980] =	vst v63  }
0x146: {  	s10 =	sadd.s32 @!p4 s2, s10;
	s11 =	simm.s32 @!p4 $0x2000  }
0x147: {  	[tilespmem:s11], [sflag:$0x1] =	stream.linear.gather @!p4 [hbm4b:s10+s12], $0x400, $0x38;
	[tilespmem:$0x8980] =	vst v63  }
0x148: {  	_ =	swait.ge [sflag:s23], $0x1000  }
0x149: {  	[sflag:s23] =	ssyncset.done $0x0  }
0x14a: {  	[sflag:s23] =	ssyncadd.s32 $0xFFFFF000  }
0x14b: {  	_ =	swait.ge [sflag:s23], $0x400  }
0x14c: {  	[sflag:s23] =	ssyncset.done $0x0  }
0x14d: {  	s15 =	simm.s32 $0x0;
	[sflag:s23] =	ssyncadd.s32 $0xFFFFFC00  }
0x14e: {  	v13 =	vld [tilespmem:s15+$0x2400];
	_ =	sdelay $0x4  }
0x14f: {  	v16 =	vmul.u32 $0x1010101, v13;
	_ =	sdelay $0x1  }
0x150: {  	v16 =	vshrl.u32 v16, $0x18  }
0x151: {  	(xrf0) =	vadd.scan.msk.s32 $0xffff, v16;
	_ =	sdelay $0x5  }
0x152: {  	v17, _, _ =	vpop (xrf0)  }
0x153: {  	v16 =	vsub.s32 v17, v16  }
0x154: {  	v16 =	vshll.u32 v16, $0x1  }
0x155: {  	v16 =	vand.u32 $0x7E, v16  }
0x156: {  	v13 =	vor.u32 v13, v16  }
0x157: {  	[tilespmem:$0x8880] =	vst v13  }
0x158: {  	v13 =	vld.idx.msk [tilespmem:v3+s20+$0x0], $0xffff  }
0x159: {  	v16 =	vld.idx.msk [tilespmem:v4+s20+$0x0], $0xffff  }
0x15a: {  	v14 =	vadd.s32 v14, v15;
	v15 =	vld.idx.msk [tilespmem:v5+s20+$0x0], $0xffff;
	_ =	sdelay $0x1  }
0x15b: {  	vm14 =	vgt.s32 v14, $0x2FFF;
	v17 =	vadd.s32 $0xFFFFD000, v14  }
0x15c: {  	v14 =	vsel vm14, v17, v14  }
0x15d: {  	v17 =	vand.u32 $0x1010101, v13;
	v18 =	vand.u32 v6, v13;
	v13 =	vshrl.u32 v13, $0x1  }
0x15e: {  	v19 =	vand.u32 $0x1010101, v16;
	v20 =	vand.u32 v6, v16;
	v21 =	vand.u32 $0x1010101, v15  }
0x15f: {  	v22 =	vshrl.u32 v15, $0x1;
	v16 =	vshrl.u32 v16, $0x1;
	v15 =	vand.u32 v6, v15  }
0x160: {  	v17 =	vmul.u32 $0x1010101, v17;
	v19 =	vmul.u32 $0x1010101, v19;
	vm15 =	vne.s32 v18, $0x0  }
0x161: {  	v18 =	vld.idx.msk [tilespmem:v7+s20+$0x0], $0xffff;
	v21 =	vmul.u32 $0x1010101, v21;
	v13 =	vand.u32 $0x3F, v13;
	v16 =	vand.u32 $0x3F, v16  }
0x162: {  	v22 =	vand.u32 $0x3F, v22;
	vm11 =	vne.s32 v20, $0x0;
	vm12 =	vne.s32 v15, $0x0  }
0x163: {  	v13 =	vadd.s32 v14, v13;
	v17 =	vshrl.u32 v17, v8;
	v19 =	vshrl.u32 v19, v8  }
0x164: {  	v16 =	vadd.s32 v14, v16;
	v17 =	vand.u32 $0xFF, v17;
	v19 =	vand.u32 $0xFF, v19  }
0x165: {  	v13 =	vadd.s32 v17, v13;
	v17 =	vshrl.u32 v21, v8;
	v21 =	vadd.s32 v14, v22  }
0x166: {  	v16 =	vadd.s32 v19, v16;
	v17 =	vand.u32 $0xFF, v17;
	v22 =	vshrl.u32 v18, $0x1  }
0x167: {  	vm8 =	vgt.s32 v13, $0x2FFF;
	v23 =	vand.u32 $0x1010101, v18;
	v24 =	vadd.s32 $0xFFFFD000, v13  }
0x168: {  	s10 =	simm.s32 $0x1040;
	vm10 =	vgt.s32 v16, $0x2FFF;
	v17 =	vadd.s32 v17, v21;
	v21 =	vmul.u32 $0x1010101, v23  }
0x169: {  	v13 =	vsel vm8, v24, v13;
	v23 =	vld [tilespmem:s10+$0xFFFFFFC0];
	vm9 =	vgt.s32 v17, $0x2FFF;
	v19 =	vadd.s32 $0xFFFFD000, v17  }
0x16a: {  	v17 =	vsel vm9, v19, v17;
	v19 =	vand.u32 $0x3F, v22;
	v22 =	vld [tilespmem:s10+$0xFFFFFFD0];
	v20 =	vshrl.u32 v21, v8  }
0x16b: {  	v24 =	vadd.s32 $0xFFFFD000, v16;
	v21 =	vld [tilespmem:s10+$0xFFFFFFE0];
	v19 =	vadd.s32 v14, v19;
	v20 =	vand.u32 $0xFF, v20  }
0x16c: {  	v18 =	vand.u32 v6, v18;
	v15 =	vsel vm10, v24, v16;
	v16 =	vld [tilespmem:s10+$0xFFFFFFF0];
	v19 =	vadd.s32 v20, v19  }
0x16d: {  	vm13 =	vne.s32 v18, $0x0;
	vm14 =	vgt.s32 v19, $0x2FFF;
	v18 =	vadd.s32 $0xFFFFD000, v19  }
0x16e: {  	v20 =	vadd.f32 v23, v9;
	v18 =	vsel vm14, v18, v19  }
0x16f: {  	v19 =	vadd.f32 v22, v9  }
0x170: {  	v21 =	vadd.f32 v21, v9;
	[tilespmem:v13+s21+$0x0] =	vst.idx.msk vm15, v20  }
0x171: {  	v13 =	vadd.f32 v16, v9;
	[tilespmem:v15+s21+$0x0] =	vst.idx.msk vm11, v19  }
0x172: {  	[tilespmem:v17+s21+$0x0] =	vst.idx.msk vm12, v21  }
0x173: {  	[tilespmem:v18+s21+$0x0] =	vst.idx.msk vm13, v13  }
0x174: {  	v13 =	vld [tilespmem:s15+$0x2410];
	_ =	sdelay $0x4  }
0x175: {  	v15 =	vmul.u32 $0x1010101, v13;
	_ =	sdelay $0x1  }
0x176: {  	v15 =	vshrl.u32 v15, $0x18  }
0x177: {  	(xrf0) =	vadd.scan.msk.s32 $0xffff, v15;
	_ =	sdelay $0x5  }
0x178: {  	v16, _, _ =	vpop (xrf0)  }
0x179: {  	v15 =	vsub.s32 v16, v15  }
0x17a: {  	v15 =	vshll.u32 v15, $0x1  }
0x17b: {  	v17 =	vmpcnt.ones.xlane vm11;
	v16 =	vmpcnt.ones.xlane vm15;
	v15 =	vand.u32 $0x7E, v15  }
0x17c: {  	v18 =	vmpcnt.ones.xlane vm12;
	v13 =	vor.u32 v13, v15  }
0x17d: {  	v16 =	vadd.s32 v16, v17;
	v15 =	vmpcnt.ones.xlane vm13;
	[tilespmem:$0x8900] =	vst v13  }
0x17e: {  	v13 =	vadd.s32 v18, v16;
	v16 =	vld.idx.msk [tilespmem:v3+s22+$0x0], $0xffff  }
0x17f: {  	v15 =	vadd.s32 v15, v13;
	v22 =	vld.idx.msk [tilespmem:v4+s22+$0x0], $0xffff  }
0x180: {  	v23 =	vld.idx.msk [tilespmem:v5+s22+$0x0], $0xffff;
	v14 =	vadd.s32 v14, v15  }
0x181: {  	vm15 =	vgt.s32 v14, $0x2FFF;
	v17 =	vadd.s32 $0xFFFFD000, v14  }
0x182: {  	v13 =	vimm.s32 $0x0;
	v14 =	vsel vm15, v17, v14  }
0x183: {  	v17 =	vand.u32 $0x1010101, v16;
	v21 =	vand.u32 v6, v16;
	v18 =	vshrl.u32 v16, $0x1  }
0x184: {  	v20 =	vld.idx.msk [tilespmem:v7+s22+$0x0], $0xffff;
	v27 =	vshrl.u32 v22, $0x1;
	v19 =	vmul.u32 $0x1010101, v17;
	v17 =	vand.u32 $0x1010101, v22  }
0x185: {  	v16 =	vld [tilespmem:s10+$0x0];
	v26 =	vand.u32 $0x1010101, v23;
	v24 =	vshrl.u32 v23, $0x1;
	v25 =	vmul.u32 $0x1010101, v17  }
0x186: {  	p4 =	sgt.s32 s5, $0xFFF;
	s11 =	simm.s32 $0x1;
	v26 =	vmul.u32 $0x1010101, v26;
	v28 =	vand.u32 $0x3F, v18;
	v18 =	vld [tilespmem:s10+$0x20];
	v19 =	vshrl.u32 v19, v8  }
0x187: {  	s12 =	sadd.s32 $0xFFFFF000, s5;
	s11 =	simm.s32 @!p4 $0x0;
	v17 =	vld [tilespmem:s10+$0x10];
	v30 =	vadd.s32 v14, v28;
	v29 =	vand.u32 $0xFF, v19;
	v25 =	vshrl.u32 v25, v8  }
0x188: {  	s5 =	smov.u32 @p4 s12;
	s13 =	sadd.s32 s11, s13;
	s11 =	simm.s32 $0x80;
	v28 =	vshrl.u32 v26, v8;
	v19 =	vld [tilespmem:s10+$0x30];
	v25 =	vand.u32 $0xFF, v25;
	v26 =	vadd.s32 v29, v30  }
.LBB2_19:
0x189: {  	p4 =	sne.s32 s11, $0xF80  }
0x18a: {  	v29 =	vand.u32 $0x1010101, v20;
	v27 =	vand.u32 $0x3F, v27;
	v28 =	vand.u32 $0xFF, v28;
	s10 =	sadd.s32 $0x80, s10;
	s12 =	smov.u32 s11;
	s11 =	sadd.s32 $0x80, s11  }
0x18b: {  	v22 =	vand.u32 v6, v22;
	v30 =	vshrl.u32 v20, $0x1;
	v29 =	vmul.u32 $0x1010101, v29  }
0x18c: {  	v23 =	vand.u32 v6, v23;
	v20 =	vand.u32 v6, v20  }
0x18d: {  	v30 =	vand.u32 $0x3F, v30;
	v29 =	vshrl.u32 v29, v8  }
0x18e: {  	v30 =	vadd.s32 v14, v30;
	v29 =	vand.u32 $0xFF, v29  }
0x18f: {  	vm0 =	vne.s32 v22, $0x0;
	v22 =	vand.u32 $0x3F, v24;
	v24 =	vadd.s32 v29, v30  }
0x190: {  	v22 =	vadd.s32 v14, v22;
	vm1 =	vgt.s32 v24, $0x2FFF;
	v29 =	vadd.s32 $0xFFFFD000, v24  }
0x191: {  	vm2 =	vne.s32 v21, $0x0;
	v21 =	vadd.s32 v28, v22;
	v22 =	vsel vm1, v29, v24  }
0x192: {  	v24 =	vadd.s32 v14, v27;
	vm1 =	vgt.s32 v21, $0x2FFF;
	v27 =	vadd.s32 $0xFFFFD000, v21  }
0x193: {  	vm3 =	vgt.s32 v26, $0x2FFF;
	v28 =	vadd.s32 $0xFFFFD000, v26;
	v24 =	vadd.s32 v25, v24  }
0x194: {  	v25 =	vsel vm3, v28, v26;
	vm3 =	vgt.s32 v24, $0x2FFF;
	v26 =	vadd.s32 $0xFFFFD000, v24  }
0x195: {  	vm4 =	vne.s32 v23, $0x0;
	v21 =	vsel vm1, v27, v21;
	v23 =	vsel vm3, v26, v24  }
0x196: {  	vm1 =	vne.s32 v20, $0x0;
	v20 =	vmpcnt.ones.xlane vm2  }
0x197: {  	v16 =	vadd.f32 v16, v9;
	v24 =	vmpcnt.ones.xlane vm0;
	v26 =	vmpcnt.ones.xlane vm4  }
0x198: {  	v17 =	vadd.f32 v17, v9;
	v27 =	vmpcnt.ones.xlane vm1  }
0x199: {  	v18 =	vadd.f32 v18, v9;
	[tilespmem:v25+s21+$0x0] =	vst.idx.msk vm2, v16;
	v16 =	vadd.s32 v20, v24  }
0x19a: {  	v19 =	vadd.f32 v19, v9;
	[tilespmem:v23+s21+$0x0] =	vst.idx.msk vm0, v17;
	v16 =	vadd.s32 v26, v16  }
0x19b: {  	v13 =	vadd.s32 v13, v15;
	[tilespmem:v21+s21+$0x0] =	vst.idx.msk vm4, v18;
	v15 =	vadd.s32 v27, v16  }
0x19c: {  	s12 =	sshra.s32 s12, $0x2;
	[tilespmem:v22+s21+$0x0] =	vst.idx.msk vm1, v19;
	v14 =	vadd.s32 v14, v15;
	v13 =	vadd.s32 v15, v13  }
0x19d: {  	v15 =	vld [tilespmem:s12+$0x2400];
	vm0 =	vgt.s32 v14, $0x2FFF;
	v16 =	vadd.s32 $0xFFFFD000, v14  }
0x19e: {  	v14 =	vsel vm0, v16, v14;
	_ =	sdelay $0x3  }
0x19f: {  	v16 =	vmul.u32 $0x1010101, v15;
	_ =	sdelay $0x1  }
0x1a0: {  	v16 =	vshrl.u32 v16, $0x18  }
0x1a1: {  	(xrf0) =	vadd.scan.msk.s32 $0xffff, v16;
	_ =	sdelay $0x5  }
0x1a2: {  	v17, _, _ =	vpop (xrf0)  }
0x1a3: {  	v16 =	vsub.s32 v17, v16  }
0x1a4: {  	v16 =	vshll.u32 v16, $0x1  }
0x1a5: {  	v16 =	vand.u32 $0x7E, v16  }
0x1a6: {  	v15 =	vor.u32 v15, v16  }
0x1a7: {  	[tilespmem:$0x8880] =	vst v15  }
0x1a8: {  	v15 =	vld.idx.msk [tilespmem:v3+s20+$0x0], $0xffff  }
0x1a9: {  	v16 =	vld.idx.msk [tilespmem:v4+s20+$0x0], $0xffff  }
0x1aa: {  	v17 =	vld.idx.msk [tilespmem:v5+s20+$0x0], $0xffff;
	_ =	sdelay $0x3  }
0x1ab: {  	v19 =	vand.u32 $0x1010101, v15;
	v20 =	vand.u32 v6, v15;
	v15 =	vshrl.u32 v15, $0x1;
	v18 =	vld.idx.msk [tilespmem:v7+s20+$0x0], $0xffff  }
0x1ac: {  	v19 =	vmul.u32 $0x1010101, v19;
	v21 =	vand.u32 $0x1010101, v16;
	v22 =	vand.u32 v6, v16  }
0x1ad: {  	vm0 =	vne.s32 v20, $0x0;
	v21 =	vmul.u32 $0x1010101, v21;
	v23 =	vand.u32 $0x1010101, v17  }
0x1ae: {  	v15 =	vand.u32 $0x3F, v15;
	v20 =	vmul.u32 $0x1010101, v23;
	v19 =	vshrl.u32 v19, v8  }
0x1af: {  	v23 =	vshrl.u32 v17, $0x1;
	v19 =	vand.u32 $0xFF, v19;
	v21 =	vshrl.u32 v21, v8  }
0x1b0: {  	v16 =	vshrl.u32 v16, $0x1;
	v15 =	vadd.s32 v14, v15;
	v21 =	vand.u32 $0xFF, v21  }
0x1b1: {  	v16 =	vand.u32 $0x3F, v16;
	v23 =	vand.u32 $0x3F, v23;
	v15 =	vadd.s32 v19, v15  }
0x1b2: {  	v16 =	vadd.s32 v14, v16;
	v19 =	vshrl.u32 v20, v8;
	v20 =	vadd.s32 v14, v23  }
0x1b3: {  	v19 =	vand.u32 $0xFF, v19;
	v23 =	vshrl.u32 v18, $0x1;
	vm1 =	vgt.s32 v15, $0x2FFF  }
0x1b4: {  	v25 =	vand.u32 $0x1010101, v18;
	v26 =	vadd.s32 $0xFFFFD000, v15;
	v19 =	vadd.s32 v19, v20;
	v24 =	vld [tilespmem:s10+$0xFFFFFFC0]  }
0x1b5: {  	v16 =	vadd.s32 v21, v16;
	vm2 =	vgt.s32 v19, $0x2FFF;
	v20 =	vadd.s32 $0xFFFFD000, v19  }
0x1b6: {  	v15 =	vsel vm1, v26, v15;
	vm3 =	vgt.s32 v16, $0x2FFF;
	v19 =	vsel vm2, v20, v19  }
0x1b7: {  	v18 =	vand.u32 v6, v18;
	v21 =	vand.u32 $0x3F, v23;
	v20 =	vmul.u32 $0x1010101, v25  }
0x1b8: {  	v17 =	vand.u32 v6, v17;
	vm1 =	vne.s32 v22, $0x0;
	v22 =	vmpcnt.ones.xlane vm0;
	v23 =	vld [tilespmem:s10+$0xFFFFFFD0]  }
0x1b9: {  	v27 =	vadd.s32 $0xFFFFD000, v16;
	v26 =	vmpcnt.ones.xlane vm1;
	v21 =	vadd.s32 v14, v21;
	v25 =	vld [tilespmem:s10+$0xFFFFFFE0]  }
0x1ba: {  	v16 =	vsel vm3, v27, v16;
	vm2 =	vne.s32 v17, $0x0;
	v17 =	vshrl.u32 v20, v8  }
0x1bb: {  	vm3 =	vne.s32 v18, $0x0;
	v18 =	vmpcnt.ones.xlane vm2;
	v17 =	vand.u32 $0xFF, v17;
	v20 =	vld [tilespmem:s10+$0xFFFFFFF0]  }
0x1bc: {  	v27 =	vmpcnt.ones.xlane vm3;
	v17 =	vadd.s32 v17, v21;
	v21 =	vadd.s32 v22, v26  }
0x1bd: {  	vm4 =	vgt.s32 v17, $0x2FFF;
	v22 =	vadd.f32 v24, v9;
	v24 =	vadd.s32 $0xFFFFD000, v17  }
0x1be: {  	v18 =	vadd.s32 v18, v21;
	v17 =	vsel vm4, v24, v17;
	v25 =	vadd.f32 v25, v9  }
0x1bf: {  	v21 =	vadd.f32 v23, v9;
	[tilespmem:v15+s21+$0x0] =	vst.idx.msk vm0, v22;
	v15 =	vadd.s32 v27, v18  }
0x1c0: {  	v14 =	vadd.s32 v14, v15  }
0x1c1: {  	v18 =	vadd.f32 v20, v9;
	[tilespmem:v16+s21+$0x0] =	vst.idx.msk vm1, v21;
	vm0 =	vgt.s32 v14, $0x2FFF;
	v21 =	vadd.s32 $0xFFFFD000, v14  }
0x1c2: {  	[tilespmem:v19+s21+$0x0] =	vst.idx.msk vm2, v25  }
0x1c3: {  	[tilespmem:v17+s21+$0x0] =	vst.idx.msk vm3, v18  }
0x1c4: {  	v16 =	vld [tilespmem:s12+$0x2410];
	_ =	sdelay $0x4  }
0x1c5: {  	v17 =	vmul.u32 $0x1010101, v16;
	_ =	sdelay $0x1  }
0x1c6: {  	v17 =	vshrl.u32 v17, $0x18  }
0x1c7: {  	(xrf0) =	vadd.scan.msk.s32 $0xffff, v17;
	_ =	sdelay $0x5  }
0x1c8: {  	v18, _, _ =	vpop (xrf0)  }
0x1c9: {  	v17 =	vsub.s32 v18, v17  }
0x1ca: {  	v17 =	vshll.u32 v17, $0x1  }
0x1cb: {  	v17 =	vand.u32 $0x7E, v17  }
0x1cc: {  	v16 =	vor.u32 v16, v17  }
0x1cd: {  	[tilespmem:$0x8900] =	vst v16  }
0x1ce: {  	v19 =	vld.idx.msk [tilespmem:v3+s22+$0x0], $0xffff  }
0x1cf: {  	v22 =	vld.idx.msk [tilespmem:v4+s22+$0x0], $0xffff  }
0x1d0: {  	v23 =	vld.idx.msk [tilespmem:v5+s22+$0x0], $0xffff  }
0x1d1: {  	v20 =	vld.idx.msk [tilespmem:v7+s22+$0x0], $0xffff  }
0x1d2: {  	v16 =	vld [tilespmem:s10+$0x0]  }
0x1d3: {  	v14 =	vsel vm0, v21, v14;
	v17 =	vld [tilespmem:s10+$0x10]  }
0x1d4: {  	v24 =	vand.u32 $0x1010101, v19;
	v21 =	vand.u32 v6, v19;
	v25 =	vshrl.u32 v19, $0x1;
	v18 =	vld [tilespmem:s10+$0x20]  }
.Ltmp13:
0x1d5: {  	v26 =	vmul.u32 $0x1010101, v24;
	v24 =	vand.u32 $0x1010101, v22;
	v27 =	vshrl.u32 v22, $0x1;
	v19 =	vld [tilespmem:s10+$0x30];
	(pc) =	sbr.rel @p4 .LBB2_19-.Ltmp13, $4  }
0x1d6: {  	v28 =	vmul.u32 $0x1010101, v24;
	v29 =	vand.u32 $0x1010101, v23;
	v24 =	vshrl.u32 v23, $0x1  }
0x1d7: {  	v25 =	vand.u32 $0x3F, v25;
	v29 =	vmul.u32 $0x1010101, v29;
	v26 =	vshrl.u32 v26, v8  }
0x1d8: {  	v30 =	vadd.s32 v14, v25;
	v26 =	vand.u32 $0xFF, v26;
	v28 =	vshrl.u32 v28, v8  }
0x1d9: {  	v25 =	vand.u32 $0xFF, v28;
	v28 =	vshrl.u32 v29, v8;
	v26 =	vadd.s32 v26, v30  }
0x1da: {  	v22 =	vand.u32 v6, v22;
	v23 =	vand.u32 v6, v23  }
0x1db: {  	v29 =	vand.u32 v6, v20;
	vm3 =	vne.s32 v21, $0x0;
	vm0 =	vne.s32 v22, $0x0  }
0x1dc: {  	vm1 =	vne.s32 v23, $0x0;
	v21 =	vmpcnt.ones.xlane vm3;
	v22 =	vmpcnt.ones.xlane vm0  }
0x1dd: {  	vm2 =	vne.s32 v29, $0x0;
	v23 =	vmpcnt.ones.xlane vm1  }
0x1de: {  	v53 =	vmpcnt.ones.xlane vm2;
	v21 =	vadd.s32 v21, v22  }
0x1df: {  	v21 =	vadd.s32 v23, v21  }
0x1e0: {  	v13 =	vadd.s32 v13, v15;
	v15 =	vadd.s32 v53, v21  }
0x1e1: {  	v13 =	vadd.s32 v15, v13  }
0x1e2: {  	(v2sf) =	vpush v13, $0x0;
	_ =	sdelay $0x8  }
0x1e3: {  	v54 =	vand.u32 $0x3F, v27;
	v55 =	vand.u32 $0xFF, v28  }
0x1e4: {  	v56 =	vshrl.u32 v20, $0x1;
	v57 =	vand.u32 $0x3F, v24;
	vm4 =	vgt.s32 v26, $0x2FFF  }
0x1e5: {  	v59 =	vadd.s32 $0xFFFFD000, v26;
	v23 =	vadd.s32 v14, v57;
	v13 =	vand.u32 $0x1010101, v20  }
0x1e6: {  	v58 =	vadd.s32 v55, v23;
	v21 =	vadd.s32 v14, v54;
	v13 =	vmul.u32 $0x1010101, v13  }
0x1e7: {  	v22 =	vsel vm4, v59, v26;
	v21 =	vadd.s32 v25, v21;
	vm13 =	vgt.s32 v58, $0x2FFF  }
0x1e8: {  	v20 =	vand.u32 $0x3F, v56;
	vm12 =	vgt.s32 v21, $0x2FFF;
	v13 =	vshrl.u32 v13, v8  }
0x1e9: {  	v60 =	vadd.s32 $0xFFFFD000, v21;
	v20 =	vadd.s32 v14, v20;
	v13 =	vand.u32 $0xFF, v13;
	s10 =	spop (v2sf)  }
0x1ea: {  	v61 =	vadd.s32 $0xFFFFD000, v58;
	v21 =	vsel vm12, v60, v21;
	v13 =	vadd.s32 v13, v20;
	s5 =	sadd.s32 s5, s10  }
0x1eb: {  	v20 =	vsel vm13, v61, v58;
	vm14 =	vgt.s32 v13, $0x2FFF;
	v62 =	vadd.s32 $0xFFFFD000, v13;
	p4 =	slt.s32 s5, $0x1000  }
0x1ec: {  	v16 =	vadd.f32 v16, v9;
	v13 =	vsel vm14, v62, v13;
	p5 =	sgt.s32 @!p4 s13, $0x0  }
0x1ed: {  	v17 =	vadd.f32 v17, v9;
	p6 =	por !p5, p4  }
0x1ee: {  	v18 =	vadd.f32 v18, v9;
	[tilespmem:v22+s21+$0x0] =	vst.idx.msk vm3, v16;
	s10 =	smulhi.u32 @!p6 $0xAAAAAAAB, s13  }
0x1ef: {  	v63 =	vadd.f32 v19, v9;
	[tilespmem:v21+s21+$0x0] =	vst.idx.msk vm0, v17  }
0x1f0: {  	[tilespmem:v20+s21+$0x0] =	vst.idx.msk vm1, v18;
	s10 =	sshrl.u32 @!p6 s10, $0x1  }
0x1f1: {  	[tilespmem:v13+s21+$0x0] =	vst.idx.msk vm2, v63;
	s11 =	simm.s32 @!p6 $0x3;
	s10 =	smul.u32 @!p6 $0x3, s10  }
0x1f2: {  	s12 =	sshll.u32 @!p6 s13, $0xC;
	_ =	swait.ge @!p6 [sflag:s11], $0x1000  }
0x1f3: {  	s12 =	sadd.s32 @!p6 s4, s12;
	[sflag:s11] =	ssyncset.done @!p6 $0x0;
	s10 =	ssub.s32 @!p6 s13, s10  }
0x1f4: {  	[sflag:s11] =	ssyncadd.s32 @!p6 $0xFFFFF000;
	s11 =	sshrl.u32 @!p6 s12, $0x3;
	s10 =	sshll.u32 @!p6 s10, $0xC  }
0x1f5: {  	s12 =	simm.s32 @!p6 $0x0;
	s11 =	sadd.s32 @!p6 s7, s11;
	s10 =	sadd.s32 @!p6 $0x2800, s10  }
0x1f6: {  	[hbm4b:s11+s12] =	stream.linear.scatter @!p6 [tilespmem:s10], [sflag:$0x3], $0x1000, $0x38;
	[tilespmem:$0x8980] =	vst v63  }
0x1f7: {  	p6 =	por p5, p4  }
0x1f8: {  	p6 =	sne.s32 @!p6 s13, $0x0  }
0x1f9: {  	p5 =	por @!p4 p6, p5  }
0x1fa: {  	p4 =	por p5, p4  }
0x1fb: {  	v13 =	vld @!p4 [tilespmem:$0x2800];
	_ =	sdelay $0x3  }
0x1fc: {  	s17 =	sadd.s32 $0x1, s17  }
0x1fd: {  	p5 =	sne.s32 s17, $0x20;
	vm0 =	vmmov @!p4 $0xffff;
	s10 =	simm.s32 @!p4 $0x0;
	s11 =	simm.s32 @!p4 $0x6800;
	[tilespmem:$0x6800] =	vst @!p4 v13  }
0x1fe: {  	[hbm4b:s7+s10] =	stream.indirect_vreg.scatter @!p4 [tilespmem:s11], [sflag:$0x3], $0x1, v12, vm0, $0xb8;
	[tilespmem:$0x8980] =	vst v63  }
.Ltmp14:
0x1ff: {  	s11 =	simm.s32 @!p4 $0x2810;
	(pc) =	sbr.rel @p5 .LBB2_16-.Ltmp14, $4  }
0x200: {  	[hbm4b:s14+s10] =	stream.linear.scatter @!p4 [tilespmem:s11], [sflag:$0x3], $0xFF0, $0x38;
	[tilespmem:$0x8980] =	vst v63  }
0x201: {  	v13 =	vadd.s32 v14, v15;
	p4 =	sgt.s32 s5, $0xFFF;
	s10 =	simm.s32 $0x1  }
0x202: {  	vm15 =	vgt.s32 v13, $0x2FFF;
	v14 =	vadd.s32 $0xFFFFD000, v13;
	s11 =	sadd.s32 $0xFFFFF000, s5;
	s10 =	simm.s32 @!p4 $0x0  }
0x203: {  	v13 =	vsel vm15, v14, v13;
	s5 =	smov.u32 @p4 s11;
	s13 =	sadd.s32 s10, s13  }
0x204: {  	s0 =	sadd.s32 s5, s31  }
0x205: {  	s0 =	sadd.s32 $0xF, s0  }
0x206: {  	s0 =	sshra.s32 s0, $0x4  }
0x207: {  	p5 =	slt.s32 s0, $0x1  }
.Ltmp15:
0x208: {  	p4 =	slt.s32 s13, $0x1;
	(pc) =	sbr.rel @p5 .LBB2_28-.Ltmp15, $4  }
0x209: {  	s4 =	simm.s32 @!p4 $0x3  }
0x20a: {  	_ =	swait.ge @!p4 [sflag:s4], $0x1000  }
0x20b: {  	[sflag:s4] =	ssyncset.done @!p4 $0x0  }
0x20c: {  	[sflag:s4] =	ssyncadd.s32 @!p4 $0xFFFFF000  }
.Ltmp16:
0x20d: {  	(pc) =	sbr.rel .LBB2_23-.Ltmp16, $4  }
0x20e: {  	s4 =	sshll.u32 s13, $0xC  }
0x20f: {  	s5 =	sadd.s32 s5, s4  }
0x210: {  	s10 =	sadd.s32 s31, s5  }
0x211: {  	s11 =	simm.s32 $0x0;
	v12 =	vmov s5;
	s5 =	sadd.s32 $0xFFFFFFFF, s0;
	v13 =	vmov s10;
	s10 =	simm.s32 $0x0  }
.LBB2_26:
0x212: {  	[sflag:s16] =	ssyncadd.s32 $0xFFFFFFF0  }
.LBB2_27:
0x213: {  	s11 =	sadd.s32 $0x1, s11  }
0x214: {  	p4 =	seq.s32 s11, s0  }
.Ltmp17:
0x215: {  	_ = 	snop;
	(pc) =	sbr.rel @p4 .LBB2_28-.Ltmp17, $2  }
0x216: {  	_ =	sdelay $0x2  }
0x217: {  	s10 =	sadd.s32 $0x1, s10  }
.LBB2_23:
0x218: {  	s12 =	sshll.u32 s11, $0x4  }
0x219: {  	s12 =	sadd.s32 s4, s12  }
0x21a: {  	s13 =	smulhi.u32 $0x2AAAAAAB, s12;
	s14 =	sshra.s32 s12, $0x1F  }
0x21b: {  	s14 =	smul.u32 $0x2AAAAAAB, s14;
	_ =	sdelay $0x1  }
0x21c: {  	s13 =	sadd.s32 s14, s13  }
0x21d: {  	s14 =	sshrl.u32 s13, $0x1F;
	s13 =	sshrl.u32 s13, $0xB  }
0x21e: {  	s13 =	sadd.s32 s14, s13  }
0x21f: {  	s13 =	smul.u32 $0x3000, s13;
	_ =	sdelay $0x1  }
0x220: {  	v14 =	vor.u32 s12, v0;
	s13 =	ssub.s32 s12, s13  }
0x221: {  	p4 =	seq.s32 s11, s5;
	vm0 =	vge.s32 v14, v10;
	vm1 =	vlt.s32 v14, v13;
	s12 =	sand.u32 $0x3F, s11;
	v15 =	vld [tilespmem:s13+$0x2800]  }
0x222: {  	v16 =	vadd.s32 v11, v14;
	vm0 =	vmand vm0, vm1;
	p5 =	sne.s32 @!p4 s12, $0x3F  }
0x223: {  	v16 =	vsel vm0, v16, v2;
	p5 =	por p4, !p5  }
.Ltmp18:
0x224: {  	_ = 	snop;
	(pc) =	sbr.rel @!p5 .LBB2_27-.Ltmp18, $4  }
0x225: {  	vm14 =	vlt.s32 v14, v12  }
0x226: {  	s17 =	sshll.u32 s12, $0x7;
	v14 =	vsel vm14, v15, v9  }
0x227: {  	vm15 =	vmmov $0xffff;
	s31 =	sadd.s32 $0x6800, s17;
	[tilespmem:s17+$0x6800] =	vst v14  }
0x228: {  	[hbm4b:s7+s3] =	stream.indirect_vreg.scatter [tilespmem:s31], [sflag:$0x1], $0x1, v16, vm15, $0xb8;
	[tilespmem:$0x8980] =	vst v63  }
0x229: {  	s12 =	sand.u32 $0x3F, s10  }
0x22a: {  	s12 =	sadd.s32 $0x1, s12  }
0x22b: {  	s12 =	smov.u32 @p4 s12  }
0x22c: {  	p4 =	sne.s32 s12, $0x1  }
.Ltmp19:
0x22d: {  	_ = 	snop;
	(pc) =	sbr.rel @!p4 .LBB2_26-.Ltmp19, $3  }
0x22e: {  	_ =	sdelay $0x1  }
0x22f: {  	_ =	swait.ge [sflag:s16], $0x10  }
0x230: {  	[sflag:s16] =	ssyncset.done $0x0;
	s12 =	sadd.s32 $0xFFFFFFFF, s12  }
.LBB2_25:
0x231: {  	p4 =	sne.s32 s12, $0x1;
	s12 =	sadd.s32 $0xFFFFFFFF, s12;
	[sflag:s16] =	ssyncadd.s32 $0xFFFFFFF0  }
.Ltmp20:
0x232: {  	(pc) =	sbr.rel @p4 .LBB2_25-.Ltmp20, $3  }
0x233: {  	_ =	sdelay $0x1  }
0x234: {  	_ =	swait.ge [sflag:s16], $0x10  }
0x235: {  	[sflag:s16] =	ssyncset.done $0x0  }
.Ltmp21:
0x236: {  	_ = 	snop;
	(pc) =	sbr.rel .LBB2_26-.Ltmp21, $1  }
0x237: {  	_ =	sdelay $0x3  }
.LBB2_28:
.Ltmp22:
0x238: {  	(pc) =	sbr.rel @p1 .LBB2_32-.Ltmp22, $1  }
0x239: {  	_ =	sdelay $0x3  }
0x23a: {  	s0 =	ssub.s32 $0x0, s28  }
0x23b: {  	s0 =	sadd.s32 $0x1, s0  }
0x23c: {  	p1 =	seq.s32 s0, $0x0  }
.Ltmp23:
0x23d: {  	_ = 	snop;
	(pc) =	sbr.rel @p1 .LBB2_31-.Ltmp23, $3  }
0x23e: {  	_ =	sdelay $0x1  }
0x23f: {  	_ =	swait.ge [sflag:s24], $0x1000  }
0x240: {  	[sflag:s24] =	ssyncset.done $0x0  }
.LBB2_30:
0x241: {  	s0 =	sadd.s32 $0x1, s0  }
0x242: {  	[sflag:s24] =	ssyncadd.s32 $0xFFFFF000;
	p1 =	seq.s32 s0, $0x0  }
.Ltmp24:
0x243: {  	(pc) =	sbr.rel @!p1 .LBB2_30-.Ltmp24, $3  }
0x244: {  	_ =	sdelay $0x1  }
0x245: {  	_ =	swait.ge [sflag:s24], $0x1000  }
0x246: {  	[sflag:s24] =	ssyncset.done $0x0  }
.LBB2_31:
0x247: {  	[sflag:s24] =	ssyncadd.s32 $0xFFFFF000  }
.LBB2_32:
.Ltmp25:
0x248: {  	(pc) =	sbr.rel @p2 .LBB2_36-.Ltmp25, $1  }
0x249: {  	_ =	sdelay $0x3  }
0x24a: {  	s0 =	ssub.s32 $0x0, s29  }
0x24b: {  	s0 =	sadd.s32 $0x1, s0  }
0x24c: {  	p1 =	seq.s32 s0, $0x0  }
.Ltmp26:
0x24d: {  	_ = 	snop;
	(pc) =	sbr.rel @p1 .LBB2_35-.Ltmp26, $3  }
0x24e: {  	_ =	sdelay $0x1  }
0x24f: {  	_ =	swait.ge [sflag:s24], $0x100  }
0x250: {  	[sflag:s24] =	ssyncset.done $0x0  }
.LBB2_34:
0x251: {  	s0 =	sadd.s32 $0x1, s0  }
0x252: {  	[sflag:s24] =	ssyncadd.s32 $0xFFFFFF00;
	p1 =	seq.s32 s0, $0x0  }
.Ltmp27:
0x253: {  	(pc) =	sbr.rel @!p1 .LBB2_34-.Ltmp27, $3  }
0x254: {  	_ =	sdelay $0x1  }
0x255: {  	_ =	swait.ge [sflag:s24], $0x100  }
0x256: {  	[sflag:s24] =	ssyncset.done $0x0  }
.LBB2_35:
0x257: {  	[sflag:s24] =	ssyncadd.s32 $0xFFFFFF00  }
.LBB2_36:
.Ltmp28:
0x258: {  	(pc) =	sbr.rel @p3 .LBB2_40-.Ltmp28, $1  }
0x259: {  	_ =	sdelay $0x3  }
0x25a: {  	s0 =	ssub.s32 $0x0, s30  }
0x25b: {  	s0 =	sadd.s32 $0x1, s0  }
0x25c: {  	p1 =	seq.s32 s0, $0x0  }
.Ltmp29:
0x25d: {  	_ = 	snop;
	(pc) =	sbr.rel @p1 .LBB2_39-.Ltmp29, $3  }
0x25e: {  	_ =	sdelay $0x1  }
0x25f: {  	_ =	swait.ge [sflag:s24], $0x10  }
0x260: {  	[sflag:s24] =	ssyncset.done $0x0  }
.LBB2_38:
0x261: {  	s0 =	sadd.s32 $0x1, s0  }
0x262: {  	[sflag:s24] =	ssyncadd.s32 $0xFFFFFFF0;
	p1 =	seq.s32 s0, $0x0  }
.Ltmp30:
0x263: {  	(pc) =	sbr.rel @!p1 .LBB2_38-.Ltmp30, $3  }
0x264: {  	_ =	sdelay $0x1  }
0x265: {  	_ =	swait.ge [sflag:s24], $0x10  }
0x266: {  	[sflag:s24] =	ssyncset.done $0x0  }
.Ltmp31:
0x267: {  	_ = 	snop;
	(pc) =	sbr.rel .LBB2_39-.Ltmp31, $1  }
0x268: {  	_ =	sdelay $0x3  }
.LBB2_41:
0x269: {  	_ =	sfence.sel $0x180000  }
0x26a: {  	[bflag:$0x0] =	sbarrier.arrive $0xFFFF  }
0x26b: {  	_ =	strace $0x9000004D  }
0x26c: {  	s0 =	stileid.u32;
	[bflag:$0x2] =	sbarrier.arrive $0xFFFF  }
0x26d: {  	p0 =	sne.s32 s0, $0x0;
	s0 =	rddreg [dreg:$0x2]  }
0x26e: {  	s0 =	sadd.s32 @!p0 $0x100000, s0  }
0x26f: {  	[sflag:s0] =	ssyncadd.tile.s32 @!p0 $0x1;
	_ =	shalt  }
.Lfunc_end2:
_tile_overlayer_lowered:
.L_overlay_start_2:
0x270: {  	(tag) =	ssettag $0x2  }
0x271: {  	s0 =	rddreg [dreg:$0x0];
	s2 =	stileid.u32  }
0x272: {  	s1 =	rddreg [dreg:$0x1];
	p0 =	sne.s32 s2, $0x0  }
0x273: {  	s3 =	rddreg [dreg:$0x2];
	[bflag:$0x3] =	sbarrier.arrive $0xFFFF;
	s2 =	simm.s32 @!p0 $0x1C05  }
0x274: {  	[timem:s3], [sflag:s2] =	dma.local @!p0 [hbm:s0], s1  }
0x275: {  	s0 =	simm.s32 @!p0 $0x5  }
0x276: {  	_ =	swait.ge @!p0 [sflag:s0], s1  }
0x277: {  	s1 =	ssub.s32 @!p0 $0x0, s1;
	[sflag:s0] =	ssyncset.done @!p0 $0x0  }
0x278: {  	[sflag:s0] =	ssyncadd.s32 @!p0 s1  }
0x279: {  	[bflag:$0x3] =	sbarrier.arrive $0xFFFF  }
0x27a: {  	_ =	shalt  }

// kernel: sparse-core-data-format-call.cloned.1.call-start
scs
called_computation_lowered:
.L_overlay_start_0:
0x0: {  	s2 =	sld [smem:$0x3FD9]  }
0x1: {  	s3 =	sld [smem:$0x3FFE];
	_ =	sdelay $0x1  }
0x2: {  	s1 =	srdreg.scid  }
0x3: {  	s0 =	sand.u32 $0x1, s1  }
0x4: {  	s19 =	sshll.u32 s0, $0xA;
	s2 =	sadd.s32 s3, s2  }
0x5: {  	s2 =	sadd.s32 s2, s19  }
0x6: {  	[smem:$0x3FC5] =	sst s2  }
0x7: {  	_ = 	snop  }
0x8: {  	s20 =	sld [smem:$0x3FC9]  }
0x9: {  	s4 =	sld [smem:$0x3FD0];
	(tm) =	ssettm $0x1  }
0xa: {  	s21 =	sld [smem:$0x3FFB];
	_ =	sdelay $0x3  }
0xb: {  	_ =	strace s21  }
0xc: {  	s2 =	sld [smem:$0x3FFC];
	_ =	sdelay $0x3  }
0xd: {  	_ =	strace s2  }
0xe: {  	s2 =	sld [smem:$0x3FFD];
	_ =	sdelay $0x3  }
0xf: {  	_ =	strace s2  }
0x10: {  	_ =	strace $0x8FFFFFFF  }
0x11: {  	s22 =	sld [smem:$0x3FDB];
	_ =	sdelay $0x1  }
0x12: {  	s5 =	simm.s32 $_scs_section_size  }
0x13: {  	s6 =	simm.s32 $_size__tile_overlayer_lowered;
	s7 =	simm.s32 $_tile_overlayer_lowered  }
0x14: {  	s8 =	simm.s32 $0x1BFF;
	s23 =	sshll.u32 s7, $0x1;
	s5 =	sadd.s32 s5, s22  }
0x15: {  	s24 =	simm.s32 $0x0;
	s6 =	sshll.u32 s6, $0x1;
	s7 =	sadd.s32 s23, s5  }
0x16: {  	[timem:s24], [sflag:s8] =	dma.local [hbm:s7], s6  }
0x17: {  	_ =	swait.ge [sflag:s8], s6  }
0x18: {  	s6 =	ssub.s32 $0x0, s6;
	[sflag:s8] =	ssyncset.done $0x0  }
0x19: {  	[sflag:s8] =	ssyncadd.s32 s6;
	_ =	sdelay $0x1  }
0x1a: {  	s25 =	simm.s32 $0x1B8B  }
0x1b: {  	_ =	swait.ge [sflag:s25], $0x1  }
0x1c: {  	[sflag:s25] =	ssyncset.done $0x0  }
0x1d: {  	[sflag:s25] =	ssyncadd.s32 $0xFFFFFFFF  }
0x1e: {  	s6 =	sld [smem:$0x0]  }
0x1f: {  	s7 =	sand.u32 $0xFFFFFFFE, s1  }
0x20: {  	p0 =	sne.s32 s1, s7  }
0x21: {  	s7 =	sshll.u32 @p0 s7, $0xE  }
0x22: {  	s7 =	sadd.s32 @p0 $0x11B8D, s7;
	s8 =	sshll.u32 @p0 s6, $0x11  }
0x23: {  	s7 =	sor.u32 @p0 s8, s7  }
0x24: {  	[sflag:s7] =	ssyncadd.remote.s32 @p0 $0x1;
	_ =	sdelay $0x1  }
0x25: {  	s7 =	simm.s32 @p0 $0x1B8D  }
0x26: {  	_ =	swait.eq @p0 [sflag:s7], $0x1  }
0x27: {  	[sflag:s7] =	ssyncadd.s32 @p0 $0xFFFFFFFF  }
0x28: {  	s8 =	sshll.u32 @!p0 s1, $0xE  }
0x29: {  	s8 =	sor.u32 @!p0 $0x4000, s8;
	s7 =	simm.s32 @!p0 $0x1B8D  }
0x2a: {  	s6 =	sshll.u32 @!p0 s6, $0x11;
	s8 =	sadd.s32 @!p0 $0x11B8D, s8;
	_ =	swait.eq @!p0 [sflag:s7], $0x1  }
0x2b: {  	s6 =	sor.u32 @!p0 s6, s8;
	[sflag:s7] =	ssyncadd.s32 @!p0 $0xFFFFFFFF  }
0x2c: {  	s26 =	simm.s32 $0x1B8E;
	[sflag:s6] =	ssyncadd.remote.s32 @!p0 $0x1  }
0x2d: {  	s27 =	simm.s32 $execute0_lowered;
	[smem:$0x3FD2] =	sst s26  }
0x2e: {  	s6 =	sshll.u32 s27, $0x1;
	_ =	strace $0x80000049;
	[dreg:$0x1] =	wrdreg $0xFFFFFFFF  }
0x2f: {  	s28 =	simm.s32 $_size_execute0_lowered;
	s5 =	sadd.s32 s5, s6;
	[dreg:$0x0] =	wrdreg $0x0  }
0x30: {  	s6 =	sshll.u32 s28, $0x1;
	[dreg:$0x2] =	wrdreg s5  }
0x31: {  	[dreg:$0x3] =	wrdreg s6  }
0x32: {  	[dreg:$0x4] =	wrdreg $0xC0  }
0x33: {  	_ =	task [dreg:s24], $0x5FFFF  }
0x34: {  	[dreg:$0x1] =	wrdreg $0xFFFFFFFF  }
0x35: {  	[dreg:$0x0] =	wrdreg $0x60  }
0x36: {  	[dreg:$0x2] =	wrdreg s20  }
0x37: {  	[dreg:$0x3] =	wrdreg s4  }
0x38: {  	[dreg:$0x4] =	wrdreg $0x9  }
0x39: {  	_ =	task.clear_ibuf [dreg:s24], $0x5FFFF;
	_ =	strace $0x90000049  }
0x3a: {  	s29 =	simm.s32 $0x9;
	_ =	strace $0x8000004B  }
0x3b: {  	_ =	swait.ge [sflag:s29], $0x1  }
0x3c: {  	[sflag:s29] =	ssyncadd.s32 $0xFFFFFFFF  }
0x3d: {  	_ =	strace $0x9000004B  }
0x3e: {  	_ =	sfence  }
0x3f: {  	s30 =	sld [smem:$0x0];
	_ =	sdelay $0x2  }
0x40: {  	s31 =	sshll.u32 s1, $0xD;
	s1 =	sshrl.u32 s1, $0x2  }
0x41: {  	s4 =	sand.u32 $0x4000, s31;
	s1 =	sadd.s32 s1, s30  }
0x42: {  	s0 =	sor.u32 s4, s0;
	s1 =	sshll.u32 s1, $0x11  }
0x43: {  	s0 =	sor.u32 s1, s0  }
0x44: {  	s0 =	sadd.s32 $0x8F2B, s0  }
0x45: {  	[sflag:s0] =	ssyncadd.remote.s32 $0x1  }
0x46: {  	_ =	sfence.sel $0xFFFF  }
0x47: {  	[dreg:$0x0] =	wrdreg $0xFFFFFFFF;
	(pc) =	sbr.abs _section_cstart, $3  }
0x48: {  	[dreg:$0x1] =	wrdreg $0xFFFFFFFF  }
0x49: {  	_ =	task.clear_ibuf [dreg:s24], $0x2FFFF;
	_ =	strace $0x9FFFFFFF  }
0x4a: {  	(tm) =	ssettm $0x7FFFFFFF  }
0x4b: {  	_ =	shalt  }
tec
execute0_lowered:
.L_overlay_start_1:
0x0: {  	(tag) =	ssettag $0x1  }
0x1: {  	s0 =	srdreg.scid  }
0x2: {  	s1 =	sshll.u32 s0, $0x4  }
0x3: {  	s2 =	rddreg [dreg:$0x0];
	s0 =	stileid.u32;
	s1 =	sand.u32 $0x10, s1  }
0x4: {  	s4 =	rddreg [dreg:$0x1];
	s1 =	sor.u32 s0, s1  }
0x5: {  	s7 =	simm.s32 $0x1;
	s8 =	simm.s32 $0x2;
	s3 =	sshll.u32 s1, $0x1  }
0x6: {  	s9 =	simm.s32 $0x0;
	s12 =	simm.s32 $0x0;
	s6 =	ssub.s32 $0x400, s3  }
.Ltmp0:
0x7: {  	s11 =	simm.s32 $0x0;
	s5 =	sand.u32 $0x3E, s6;
	(pc) =	sbr.rel .LBB1_1-.Ltmp0, $4  }
0x8: {  	s1 =	rddreg [dreg:$0x2];
	_ =	strace $0x8000004A;
	p0 =	sne.s32 s5, $0x0  }
0x9: {  	s6 =	sshrl.u32 s6, $0x6;
	s5 =	simm.s32 $0x1;
	s7 =	simm.s32 @!p0 $0x0  }
0xa: {  	s10 =	smov.u32 s3;
	[sflag:s5] =	ssyncpa.u1 $0x0;
	s6 =	sadd.s32 s7, s6  }
0xb: {  	[sflag:s8] =	ssyncpa.u1 $0x0;
	s8 =	simm.s32 $0x0;
	s7 =	sadd.s32 $0x1, s6  }
.LBB1_9:
0xc: {  	s14 =	sadd.s32 $0x40, s10  }
0xd: {  	p1 =	sgt.s32 s14, $0x3FF  }
0xe: {  	s14 =	smov.u32 @p1 s3;
	p1 =	sne.s32 s11, s7  }
.Ltmp1:
0xf: {  	p0 =	slt.u32 s11, $0x2;
	(pc) =	sbr.rel @!p1 .LBB1_10-.Ltmp1, $4  }
0x10: {  	s13 =	simm.s32 @!p0 $0x2  }
0x11: {  	s15 =	sadd.s32 $0x1, s11;
	_ =	swait.ge @!p0 [sflag:s13], $0x4000  }
0x12: {  	s12 =	smov.u32 s10;
	s9 =	sadd.s32 $0x4000, s9;
	[sflag:s13] =	ssyncset.done @!p0 $0x0  }
0x13: {  	s11 =	smov.u32 s15;
	s10 =	smov.u32 s14;
	[sflag:s13] =	ssyncadd.s32 @!p0 $0xFFFFC000  }
.LBB1_1:
0x14: {  	p0 =	sge.u32 s11, s6  }
0x15: {  	s13 =	sxor.u32 @!p0 $0xFFFFFFFF, s11  }
0x16: {  	s31 =	sadd.s32 $0xFFFFFFFF, s11;
	s14 =	sshll.u32 @!p0 s10, $0xA;
	s13 =	sshll.u32 @!p0 s13, $0xE  }
0x17: {  	s15 =	simm.s32 @!p0 $0x0;
	s14 =	sadd.s32 @!p0 s2, s14;
	s13 =	sand.u32 @!p0 $0x4000, s13  }
0x18: {  	[tilespmem:s13], [sflag:$0x1] =	stream.linear.gather @!p0 [hbm4b:s14+s15], $0x4000, $0x38;
	[tilespmem:$0x10000] =	vst v63  }
0x19: {  	p0 =	sge.u32 s31, s6  }
.Ltmp2:
0x1a: {  	_ = 	snop;
	(pc) =	sbr.rel @p0 .LBB1_9-.Ltmp2, $1  }
0x1b: {  	_ =	sdelay $0x3  }
0x1c: {  	s13 =	sshll.u32 s9, $0x2  }
0x1d: {  	_ =	swait.ge [sflag:s5], $0x4000;
	s14 =	sshll.u32 s11, $0xE;
	s16 =	simm.s32 $0x0  }
0x1e: {  	p1 =	por $0x1, $0x1;
	s13 =	sand.u32 $0x10000, s13;
	[sflag:s5] =	ssyncset.done $0x0  }
0x1f: {  	s14 =	sand.u32 $0x4000, s14;
	s15 =	sshrl.u32 s13, $0x2;
	[sflag:s5] =	ssyncadd.s32 $0xFFFFC000  }
0x20: {  	s13 =	sor.u32 $0x8000, s14;
	s14 =	sadd.s32 $0x8040, s15;
	s15 =	sadd.s32 $0x40, s15  }
.LBB1_3:
0x21: {  	s16 =	sshll.u32 s16, $0x2  }
0x22: {  	p0 =	por p1, p1;
	s17 =	sshra.s32 s16, $0x2  }
0x23: {  	s18 =	simm.s32 $0x0;
	s16 =	sadd.s32 s17, s14;
	s17 =	sadd.s32 s17, s15  }
.LBB1_4:
0x24: {  	v0 =	vmov s17;
	_ =	sdelay $0x3  }
0x25: {  	s20 =	simm.s32 $0x0  }
0x26: {  	v6 =	vld.idx.msk [tilespmem:v0+s20+$0x30 ss:$0x1], $0xffff  }
0x27: {  	v7 =	vld.idx.msk [tilespmem:v0+s20+$0xFFFFFFC0 ss:$0x1], $0xffff  }
0x28: {  	v5 =	vld.idx.msk [tilespmem:v0+s20+$0xFFFFFFD0 ss:$0x1], $0xffff  }
0x29: {  	v4 =	vld.idx.msk [tilespmem:v0+s20+$0xFFFFFFE0 ss:$0x1], $0xffff  }
0x2a: {  	v3 =	vld.idx.msk [tilespmem:v0+s20+$0xFFFFFFF0 ss:$0x1], $0xffff  }
0x2b: {  	v1 =	vld.idx.msk [tilespmem:v0+s20+$0x0 ss:$0x1], $0xffff  }
0x2c: {  	v2 =	vld.idx.msk [tilespmem:v0+s20+$0x10 ss:$0x1], $0xffff;
	[tilespmem:s16+$0x30] =	vst v6  }
0x2d: {  	s19 =	simm.s32 $0x80;
	s21 =	simm.s32 $0x400;
	[tilespmem:s16+$0xFFFFFFC0] =	vst v7;
	v6 =	vld.idx.msk [tilespmem:v0+s20+$0x20 ss:$0x1], $0xffff;
	s20 =	smov.u32 s16  }
.LBB1_5:
0x2e: {  	p1 =	sne.s32 s21, $0xE00;
	v7 =	vld.idx.msk [tilespmem:v0+s19+$0x30 ss:$0x1], $0xffff;
	[tilespmem:s20+$0xFFFFFFD0] =	vst v5  }
0x2f: {  	v8 =	vld.idx.msk [tilespmem:v0+s19+$0xFFFFFFC0 ss:$0x1], $0xffff;
	[tilespmem:s20+$0xFFFFFFE0] =	vst v4  }
0x30: {  	v5 =	vld.idx.msk [tilespmem:v0+s19+$0xFFFFFFD0 ss:$0x1], $0xffff;
	[tilespmem:s20+$0xFFFFFFF0] =	vst v3  }
.Ltmp3:
0x31: {  	v4 =	vld.idx.msk [tilespmem:v0+s19+$0xFFFFFFE0 ss:$0x1], $0xffff;
	[tilespmem:s20+$0x0] =	vst v1;
	(pc) =	sbr.rel @p1 .LBB1_5-.Ltmp3, $4  }
0x32: {  	v3 =	vld.idx.msk [tilespmem:v0+s19+$0xFFFFFFF0 ss:$0x1], $0xffff;
	[tilespmem:s20+$0x10] =	vst v2  }
0x33: {  	v1 =	vld.idx.msk [tilespmem:v0+s19+$0x0 ss:$0x1], $0xffff;
	[tilespmem:s20+$0x20] =	vst v6;
	s20 =	sadd.s32 $0x400, s20  }
0x34: {  	v2 =	vld.idx.msk [tilespmem:v0+s19+$0x10 ss:$0x1], $0xffff;
	[tilespmem:s20+$0x30] =	vst v7  }
0x35: {  	[tilespmem:s20+$0xFFFFFFC0] =	vst v8;
	v6 =	vld.idx.msk [tilespmem:v0+s19+$0x20 ss:$0x1], $0xffff;
	s19 =	sshra.s32 s21, $0x2;
	s21 =	sadd.s32 $0x200, s21  }
0x36: {  	_ =	sdelay $0x2  }
0x37: {  	[tilespmem:s20+$0xFFFFFFD0] =	vst v5  }
0x38: {  	v56 =	vld.idx.msk [tilespmem:v0+s19+$0x30 ss:$0x1], $0xffff;
	[tilespmem:s20+$0xFFFFFFE0] =	vst v4  }
0x39: {  	v57 =	vld.idx.msk [tilespmem:v0+s19+$0xFFFFFFC0 ss:$0x1], $0xffff;
	[tilespmem:s20+$0xFFFFFFF0] =	vst v3  }
0x3a: {  	v58 =	vld.idx.msk [tilespmem:v0+s19+$0xFFFFFFD0 ss:$0x1], $0xffff;
	[tilespmem:s20+$0x0] =	vst v1  }
0x3b: {  	v59 =	vld.idx.msk [tilespmem:v0+s19+$0xFFFFFFE0 ss:$0x1], $0xffff;
	[tilespmem:s20+$0x10] =	vst v2  }
0x3c: {  	v60 =	vld.idx.msk [tilespmem:v0+s19+$0xFFFFFFF0 ss:$0x1], $0xffff;
	s31 =	sadd.s32 $0x400, s20;
	[tilespmem:s20+$0x20] =	vst v6  }
0x3d: {  	v61 =	vld.idx.msk [tilespmem:v0+s19+$0x0 ss:$0x1], $0xffff;
	[tilespmem:s31+$0x30] =	vst v56  }
0x3e: {  	v62 =	vld.idx.msk [tilespmem:v0+s19+$0x10 ss:$0x1], $0xffff;
	s18 =	sadd.s32 $0x1, s18;
	[tilespmem:s31+$0xFFFFFFC0] =	vst v57  }
0x3f: {  	v63 =	vld.idx.msk [tilespmem:v0+s19+$0x20 ss:$0x1], $0xffff;
	p1 =	sne.s32 s18, $0x8;
	[tilespmem:s31+$0xFFFFFFD0] =	vst v58  }
.Ltmp4:
0x40: {  	[tilespmem:s31+$0xFFFFFFE0] =	vst v59;
	(pc) =	sbr.rel @p1 .LBB1_4-.Ltmp4, $4  }
0x41: {  	[tilespmem:s31+$0xFFFFFFF0] =	vst v60  }
0x42: {  	[tilespmem:s31+$0x0] =	vst v61  }
0x43: {  	[tilespmem:s31+$0x10] =	vst v62  }
0x44: {  	s16 =	sadd.s32 $0x80, s16;
	s17 =	sadd.s32 $0x400, s17;
	[tilespmem:s31+$0x20] =	vst v63  }
.Ltmp5:
0x45: {  	(pc) =	sbr.rel @p0 .LBB1_3-.Ltmp5, $2  }
0x46: {  	_ =	sdelay $0x2  }
0x47: {  	s16 =	simm.s32 $0x2000;
	p1 =	por $0x0, $0x0  }
.Ltmp6:
0x48: {  	(pc) =	sbr.rel .LBB1_9-.Ltmp6, $4  }
0x49: {  	_ = 	snop  }
0x4a: {  	s12 =	sshll.u32 s12, $0xA  }
0x4b: {  	s12 =	sadd.s32 s4, s12  }
0x4c: {  	[hbm4b:s12+s8] =	stream.linear.scatter [tilespmem:s13], [sflag:$0x2], $0x4000, $0x38;
	[tilespmem:$0x10000] =	vst v63  }
.LBB1_10:
0x4d: {  	_ =	sfence.sel $0x180000  }
0x4e: {  	s2 =	simm.s32 $0x1;
	[bflag:$0x0] =	sbarrier.arrive $0xFFFF  }
0x4f: {  	s31 =	simm.s32 $0x2;
	[sflag:s2] =	ssyncpa.u1 $0x1  }
0x50: {  	[sflag:s31] =	ssyncpa.u1 $0x1  }
0x51: {  	p0 =	sne.s32 s0, $0x0;
	_ =	strace $0x9000004A  }
0x52: {  	s0 =	sadd.s32 @!p0 $0x100000, s1;
	[bflag:$0x2] =	sbarrier.arrive $0xFFFF  }
0x53: {  	[sflag:s0] =	ssyncadd.tile.s32 @!p0 $0x1;
	_ =	shalt  }
.Lfunc_end1:
_tile_overlayer_lowered:
.L_overlay_start_2:
0x54: {  	(tag) =	ssettag $0x2  }
0x55: {  	s0 =	rddreg [dreg:$0x0];
	s2 =	stileid.u32  }
0x56: {  	s1 =	rddreg [dreg:$0x1];
	p0 =	sne.s32 s2, $0x0  }
0x57: {  	s3 =	rddreg [dreg:$0x2];
	[bflag:$0x3] =	sbarrier.arrive $0xFFFF;
	s2 =	simm.s32 @!p0 $0x1C01  }
0x58: {  	[timem:s3], [sflag:s2] =	dma.local @!p0 [hbm:s0], s1  }
0x59: {  	s0 =	simm.s32 @!p0 $0x1  }
0x5a: {  	_ =	swait.ge @!p0 [sflag:s0], s1  }
0x5b: {  	s1 =	ssub.s32 @!p0 $0x0, s1;
	[sflag:s0] =	ssyncset.done @!p0 $0x0  }
0x5c: {  	[sflag:s0] =	ssyncadd.s32 @!p0 s1  }
0x5d: {  	[bflag:$0x3] =	sbarrier.arrive $0xFFFF  }
0x5e: {  	_ =	shalt  }

</sc_bundles>
